<compile_context>
chip_gen: v7x
topology: tpu7x:2x2x1
jax: 0.10.2.dev20260603
libtpu: 0.0.44.dev20260713+nightly
codegen_flags: <defaults>
</compile_context>

<pallas_src>
import functools

import jax
import jax.numpy as jnp
from jax import lax
from jax.experimental import pallas as pl
from jax.experimental.pallas import tpu as pltpu
from jax.experimental.pallas import tpu_sc as plsc

_D = 128
_LANE = 16
_NC = 2
_NS = 16
_NW = _NC * _NS
_K = 40
_WV = _D + _LANE


_CL = 32


def _cnt_rows(n_pad):
    r = -(-n_pad // _CL)
    return -(-r // 8) * 8


_PHASE = 2000


def _edge_body(e_per_tile, n_rows_per_tile, n_pad,
               a_hbm, b_hbm, xl_hbm, src_hbm, dst_hbm, w_hbm,
               zero_hbm, zero2_hbm, ones_hbm, agg_out, cnt_out,
               w_v, idx_s, idx_d, ones_v, a_v0, b_v0, xl_v0, a_v1, b_v1,
               xl_v1, msg_v0, msg_v1, agg_sh, cnt_sh,
               sem0, sem1, sems0, sems1, semc0, semc1):
    c = lax.axis_index("c")
    s = lax.axis_index("s")
    wid = c * _NS + s

    pltpu.sync_copy(zero_hbm, agg_sh.at[pl.ds(s * n_rows_per_tile, n_rows_per_tile)])

    n_cslice = n_pad // _NS
    pltpu.sync_copy(zero2_hbm.at[pl.ds(s * n_cslice, n_cslice)],
                    idx_s.at[pl.ds(0, n_cslice)])
    pltpu.sync_copy(idx_s.at[pl.ds(0, n_cslice)],
                    cnt_sh.at[pl.ds(s * n_cslice, n_cslice)])
    pltpu.sync_copy(w_hbm, w_v)
    pltpu.sync_copy(ones_hbm, ones_v)
    wregs = [w_v[pl.ds(_LANE * j, _LANE)] for j in range(_D // _LANE)]
    m2b_v = w_v[pl.ds(_D, _LANE)]
    plsc.subcore_barrier()

    nblkp = _PHASE // _K

    def fetch(blk, a_v, b_v, xl_v, sem):
        ds = pl.ds(blk * _K, _K)
        pltpu.async_copy(a_hbm.at[idx_d.at[ds]], a_v, sem)
        pltpu.async_copy(b_hbm.at[idx_s.at[ds]], b_v, sem)
        pltpu.async_copy(xl_hbm.at[idx_s.at[ds]], xl_v, sem)

    def drain(blk, a_v, b_v, xl_v, sem):
        ds = pl.ds(blk * _K, _K)
        pltpu.make_async_copy(a_hbm.at[idx_d.at[ds]], a_v, sem).wait()
        pltpu.make_async_copy(b_hbm.at[idx_s.at[ds]], b_v, sem).wait()
        pltpu.make_async_copy(xl_hbm.at[idx_s.at[ds]], xl_v, sem).wait()

    def gate(msg_v, a_v, b_v, xl_v):
        def edge(e, carry2):
            acc = None
            for j in range(_D // _LANE):
                av = a_v[e, pl.ds(_LANE * j, _LANE)]
                bv = b_v[e, pl.ds(_LANE * j, _LANE)]
                h = jnp.maximum(av + bv, 0.0)
                t = h * wregs[j]
                acc = t if acc is None else acc + t
            z = jnp.full((_LANE,), jnp.sum(acc), jnp.float32) + m2b_v
            sig = 1.0 / (1.0 + jnp.exp(-z))
            for j in range(_D // _LANE):
                msg_v[e, pl.ds(_LANE * j, _LANE)] = (
                    xl_v[e, pl.ds(_LANE * j, _LANE)] * sig)
            return carry2

        lax.fori_loop(0, _K, edge, 0)

    def scat(blk, msg_v, sem, semc):
        ds = pl.ds(blk * _K, _K)
        pltpu.async_copy(msg_v, agg_sh.at[idx_d.at[ds]], sem, add=True)
        pltpu.async_copy(ones_v, cnt_sh.at[idx_d.at[ds]], semc, add=True)

    def scat_drain(blk, msg_v, sem, semc):
        ds = pl.ds(blk * _K, _K)
        pltpu.make_async_copy(msg_v, agg_sh.at[idx_d.at[ds]], sem).wait()
        pltpu.make_async_copy(ones_v, cnt_sh.at[idx_d.at[ds]], semc).wait()

    def phase(p, carry):
        base = wid * e_per_tile + p * _PHASE
        pltpu.sync_copy(src_hbm.at[pl.ds(base, _PHASE)], idx_s)
        pltpu.sync_copy(dst_hbm.at[pl.ds(base, _PHASE)], idx_d)
        fetch(0, a_v0, b_v0, xl_v0, sem0)

        def pair(i, carry2):
            blk_a = 2 * i
            fetch(blk_a + 1, a_v1, b_v1, xl_v1, sem1)
            drain(blk_a, a_v0, b_v0, xl_v0, sem0)

            @pl.when(i > 0)
            def _():
                scat_drain(blk_a - 2, msg_v0, sems0, semc0)

            gate(msg_v0, a_v0, b_v0, xl_v0)
            scat(blk_a, msg_v0, sems0, semc0)
            fetch(jnp.minimum(blk_a + 2, nblkp - 2), a_v0, b_v0, xl_v0, sem0)
            drain(blk_a + 1, a_v1, b_v1, xl_v1, sem1)

            @pl.when(i > 0)
            def _():
                scat_drain(blk_a - 1, msg_v1, sems1, semc1)

            gate(msg_v1, a_v1, b_v1, xl_v1)
            scat(blk_a + 1, msg_v1, sems1, semc1)
            return carry2

        lax.fori_loop(0, nblkp // 2, pair, 0)
        drain(nblkp - 2, a_v0, b_v0, xl_v0, sem0)
        scat_drain(nblkp - 2, msg_v0, sems0, semc0)
        scat_drain(nblkp - 1, msg_v1, sems1, semc1)
        return carry

    lax.fori_loop(0, e_per_tile // _PHASE, phase, 0)
    plsc.subcore_barrier()
    pltpu.sync_copy(agg_sh.at[pl.ds(s * n_rows_per_tile, n_rows_per_tile)],
                    agg_out.at[c, pl.ds(s * n_rows_per_tile, n_rows_per_tile)])

    pltpu.sync_copy(cnt_sh.at[pl.ds(s * n_cslice, n_cslice)],
                    idx_s.at[pl.ds(0, n_cslice)])
    pltpu.sync_copy(idx_s.at[pl.ds(0, n_cslice)],
                    cnt_out.at[pl.ds(c * n_pad + s * n_cslice, n_cslice)])


@functools.cache
def _make_edge_call(n_nodes, n_edges):
    assert n_edges % _NW == 0, n_edges
    e_per_tile = n_edges // _NW
    assert e_per_tile % _PHASE == 0 and _PHASE % (2 * _K) == 0
    n_pad = -(-n_nodes // (8 * _NS)) * (8 * _NS)
    rows = n_pad // _NS
    mesh = plsc.VectorSubcoreMesh(core_axis_name="c", subcore_axis_name="s")
    out_type = [
        jax.ShapeDtypeStruct((_NC, n_pad, _D), jnp.float32),
        jax.ShapeDtypeStruct((_NC * n_pad,), jnp.int32),
    ]
    scratch = [
        pltpu.VMEM((_WV,), jnp.float32),
        pltpu.VMEM((_PHASE,), jnp.int32),
        pltpu.VMEM((_PHASE,), jnp.int32),
        pltpu.VMEM((_K,), jnp.int32),
        pltpu.VMEM((_K, _D), jnp.float32),
        pltpu.VMEM((_K, _D), jnp.float32),
        pltpu.VMEM((_K, _D), jnp.float32),
        pltpu.VMEM((_K, _D), jnp.float32),
        pltpu.VMEM((_K, _D), jnp.float32),
        pltpu.VMEM((_K, _D), jnp.float32),
        pltpu.VMEM((_K, _D), jnp.float32),
        pltpu.VMEM((_K, _D), jnp.float32),
        pltpu.VMEM_SHARED((n_pad, _D), jnp.float32),
        pltpu.VMEM_SHARED((n_pad,), jnp.int32),
    ]
    scratch += [pltpu.SemaphoreType.DMA] * 6
    return pl.kernel(
        functools.partial(_edge_body, e_per_tile, rows, n_pad),
        out_type=out_type,
        mesh=mesh,
        compiler_params=pltpu.CompilerParams(needs_layout_passes=False),
        scratch_types=scratch,
    )


_BLK = 2000


def _pre_body(x_ref, wtop_ref, wbot_ref, m1b_ref, linw_ref, m2w_ref, m2b_ref,
              a_ref, b_ref, xl_ref, self_ref):
    x = x_ref[...]
    a = jnp.dot(x, wtop_ref[...], preferred_element_type=jnp.float32) + m1b_ref[...]
    b = jnp.dot(x, wbot_ref[...], preferred_element_type=jnp.float32)
    xl = jnp.dot(x, linw_ref[...], preferred_element_type=jnp.float32)
    h = jnp.maximum(a + b, 0.0)
    z = jnp.sum(h * m2w_ref[...], axis=1, keepdims=True) + m2b_ref[...][:, :1]
    sig = 1.0 / (1.0 + jnp.exp(-z))
    a_ref[...] = a
    b_ref[...] = b
    xl_ref[...] = xl
    self_ref[...] = sig * xl


@functools.cache
def _make_pre_call(n_nodes):
    assert n_nodes % _BLK == 0
    grid = (n_nodes // _BLK,)
    full = lambda i: (0, 0)
    blk = lambda i: (i, 0)
    node_spec = pl.BlockSpec((_BLK, _D), blk)
    return pl.pallas_call(
        _pre_body,
        grid=grid,
        in_specs=[
            node_spec,
            pl.BlockSpec((_D, _D), full),
            pl.BlockSpec((_D, _D), full),
            pl.BlockSpec((1, _D), full),
            pl.BlockSpec((_D, _D), full),
            pl.BlockSpec((1, _D), full),
            pl.BlockSpec((1, _D), full),
        ],
        out_specs=[node_spec] * 4,
        out_shape=[jax.ShapeDtypeStruct((n_nodes, _D), jnp.float32)] * 4,
    )


def _combine_body(do_relu, agg_ref, cnt_ref, self_ref, linb_ref, out_ref):
    ssum = agg_ref[0] + agg_ref[1]
    tot = ssum + self_ref[...]
    cnt = cnt_ref[...] + 1.0
    out = tot / cnt + linb_ref[...]
    if do_relu:
        out = jnp.maximum(out, 0.0)
    out_ref[...] = out


@functools.cache
def _make_combine_call(n_nodes, do_relu):
    grid = (n_nodes // _BLK,)
    return pl.pallas_call(
        functools.partial(_combine_body, do_relu),
        grid=grid,
        in_specs=[
            pl.BlockSpec((_NC, _BLK, _D), lambda i: (0, i, 0)),
            pl.BlockSpec((_BLK, 1), lambda i: (i, 0)),
            pl.BlockSpec((_BLK, _D), lambda i: (i, 0)),
            pl.BlockSpec((1, _D), lambda i: (0, 0)),
        ],
        out_specs=pl.BlockSpec((_BLK, _D), lambda i: (i, 0)),
        out_shape=jax.ShapeDtypeStruct((n_nodes, _D), jnp.float32),
    )


def _layer(xn, src, dst, cnt_vec, m1W, m1b, m2W, m2b, linW, linb,
           do_relu):
    n = xn.shape[0]
    e = src.shape[0]
    pre = _make_pre_call(n)
    a, b, xl, selfmsg = pre(
        xn, m1W[:_D], m1W[_D:], m1b.reshape(1, _D), linW,
        m2W.reshape(1, _D), jnp.broadcast_to(m2b.reshape(1, 1), (1, _D)))
    wparams = jnp.concatenate([m2W[:, 0], jnp.broadcast_to(m2b, (_LANE,))])
    n_pad = -(-n // (8 * _NS)) * (8 * _NS)
    zeros = jnp.zeros((n_pad // _NS, _D), jnp.float32)
    zeros2 = jnp.zeros((n_pad,), jnp.int32)
    ones = jnp.ones((_K,), jnp.int32)
    agg, cnt = _make_edge_call(n, e)(
        a, b, xl, src, dst, wparams, zeros, zeros2, ones)
    if cnt_vec is None:
        cnt2 = cnt.reshape(_NC, n_pad)
        cnt_vec = (cnt2[0] + cnt2[1])[:n].astype(jnp.float32).reshape(n, 1)
    out = _make_combine_call(n, do_relu)(
        agg, cnt_vec, selfmsg, linb.reshape(1, _D))
    return out, cnt_vec


def kernel(x, edge_index, Wl1, bl1, c1_m1W, c1_m1b, c1_m2W, c1_m2b, c1_linW,
           c1_linb, c2_m1W, c2_m1b, c2_m2W, c2_m2b, c2_linW, c2_linb):
    src = edge_index[0]
    dst = edge_index[1]
    x32, cnt_vec = _layer(x, src, dst, None, c1_m1W, c1_m1b, c1_m2W,
                          c1_m2b, c1_linW, c1_linb, do_relu=True)
    h2, _ = _layer(x32, src, dst, cnt_vec, c2_m1W, c2_m1b, c2_m2W,
                   c2_m2b, c2_linW, c2_linb, do_relu=False)
    return (x32, h2)

# --- scband reference (transcript-rebuilt; emitter-appended) ---
"""Pipeline reference for scband-caregnn-89601607729385 (READ-ONLY COPY).

The authoritative reference and input builder live on the scoring server;
editing this copy changes nothing except your own understanding.
"""

import jax, jax.numpy as jnp
import numpy as np

N = 10000
E = 320000
D_IN = 128
D_H = 128
D_OUT = 128


def _init_lin(key, fan_in, fan_out):
    kw, kb = jax.random.split(key)
    bound = 1.0 / np.sqrt(fan_in)
    W = jax.random.uniform(kw, (fan_in, fan_out), dtype=jnp.float32, minval=-bound, maxval=bound)
    b = jax.random.uniform(kb, (fan_out,), dtype=jnp.float32, minval=-bound, maxval=bound)
    return W, b


def setup_inputs(seed: int = 0) -> dict:
    key = jax.random.key(seed)
    ks = jax.random.split(key, 9)
    x = jax.random.normal(ks[0], (N, D_IN), dtype=jnp.float32)
    edge_index = jax.random.randint(ks[1], (2, E), 0, N, dtype=jnp.int32)
    Wl1, bl1 = _init_lin(ks[2], D_IN, D_OUT)
    c1_m1W, c1_m1b = _init_lin(ks[3], 2 * D_IN, D_H)
    c1_m2W, c1_m2b = _init_lin(ks[4], D_H, 1)
    c1_linW, c1_linb = _init_lin(ks[5], D_IN, D_H)
    c2_m1W, c2_m1b = _init_lin(ks[6], 2 * D_H, D_OUT)
    c2_m2W, c2_m2b = _init_lin(ks[7], D_OUT, 1)
    c2_linW, c2_linb = _init_lin(ks[8], D_H, D_OUT)
    return {"x": x, "edge_index": edge_index, "Wl1": Wl1, "bl1": bl1,
            "c1_m1W": c1_m1W, "c1_m1b": c1_m1b, "c1_m2W": c1_m2W, "c1_m2b": c1_m2b,
            "c1_linW": c1_linW, "c1_linb": c1_linb,
            "c2_m1W": c2_m1W, "c2_m1b": c2_m1b, "c2_m2W": c2_m2W, "c2_m2b": c2_m2b,
            "c2_linW": c2_linW, "c2_linb": c2_linb}


def _care_layer(x, src, dst, m1W, m1b, m2W, m2b, linW, linb):
    n = x.shape[0]
    loops = jnp.arange(n, dtype=src.dtype)
    s = jnp.concatenate([src, loops])
    d = jnp.concatenate([dst, loops])
    x_i = x[d]
    x_j = x[s]
    pair = jnp.concatenate([x_i, x_j], axis=1)
    h = jax.nn.relu(pair @ m1W + m1b)
    score = jax.nn.sigmoid(h @ m2W + m2b)
    msg = score * x_j
    agg = jax.ops.segment_sum(msg, d, num_segments=n)
    cnt = jax.ops.segment_sum(jnp.ones((d.shape[0],), dtype=x.dtype), d, num_segments=n)
    mean = agg / cnt[:, None]
    return mean @ linW + linb


def reference(x, edge_index, Wl1, bl1, c1_m1W, c1_m1b, c1_m2W, c1_m2b, c1_linW, c1_linb,
              c2_m1W, c2_m1b, c2_m2W, c2_m2b, c2_linW, c2_linb):
    src = edge_index[0]
    dst = edge_index[1]
    initial_x = x @ Wl1 + bl1  # computed in original forward but unused in the returned tuple
    h1 = _care_layer(x, src, dst, c1_m1W, c1_m1b, c1_m2W, c1_m2b, c1_linW, c1_linb)
    h1 = jax.nn.relu(h1)
    x32 = h1
    h2 = _care_layer(h1, src, dst, c2_m1W, c2_m1b, c2_m2W, c2_m2b, c2_linW, c2_linb)
    return (x32, h2)

if __name__ == "__main__":
    import jax
    _d = setup_inputs()
    print(jax.jit(kernel)(*tuple(_d.values())))

</pallas_src>

<mosaic_0001>
#map = affine_map<(d0, d1) -> (0, 0)>
#map1 = affine_map<(d0, d1) -> (0)>
#map2 = affine_map<(d0, d1) -> (0, 0, 0)>
module attributes {stable_mosaic.version = 14 : i64} {
  func.func @_edge_body(%arg0: i32, %arg1: i32, %arg2: memref<10000x128xf32, #tpu.memory_space<hbm>>, %arg3: memref<10000x128xf32, #tpu.memory_space<hbm>>, %arg4: memref<10000x128xf32, #tpu.memory_space<hbm>>, %arg5: memref<320000xi32, #tpu.memory_space<hbm>>, %arg6: memref<320000xi32, #tpu.memory_space<hbm>>, %arg7: memref<144xf32, #tpu.memory_space<hbm>>, %arg8: memref<632x128xf32, #tpu.memory_space<hbm>>, %arg9: memref<10112xi32, #tpu.memory_space<hbm>>, %arg10: memref<40xi32, #tpu.memory_space<hbm>>, %arg11: memref<2x10112x128xf32, #tpu.memory_space<hbm>>, %arg12: memref<20224xi32, #tpu.memory_space<hbm>>, %arg13: memref<144xf32, #tpu.memory_space<vmem>>, %arg14: memref<2000xi32, #tpu.memory_space<vmem>>, %arg15: memref<2000xi32, #tpu.memory_space<vmem>>, %arg16: memref<40xi32, #tpu.memory_space<vmem>>, %arg17: memref<40x128xf32, #tpu.memory_space<vmem>>, %arg18: memref<40x128xf32, #tpu.memory_space<vmem>>, %arg19: memref<40x128xf32, #tpu.memory_space<vmem>>, %arg20: memref<40x128xf32, #tpu.memory_space<vmem>>, %arg21: memref<40x128xf32, #tpu.memory_space<vmem>>, %arg22: memref<40x128xf32, #tpu.memory_space<vmem>>, %arg23: memref<40x128xf32, #tpu.memory_space<vmem>>, %arg24: memref<40x128xf32, #tpu.memory_space<vmem>>, %arg25: memref<10112x128xf32, #tpu.memory_space<vmem_shared>>, %arg26: memref<10112xi32, #tpu.memory_space<vmem_shared>>, %arg27: memref<!tpu.dma_semaphore, #tpu.memory_space<semaphore_mem>>, %arg28: memref<!tpu.dma_semaphore, #tpu.memory_space<semaphore_mem>>, %arg29: memref<!tpu.dma_semaphore, #tpu.memory_space<semaphore_mem>>, %arg30: memref<!tpu.dma_semaphore, #tpu.memory_space<semaphore_mem>>, %arg31: memref<!tpu.dma_semaphore, #tpu.memory_space<semaphore_mem>>, %arg32: memref<!tpu.dma_semaphore, #tpu.memory_space<semaphore_mem>>) attributes {dimension_semantics = [#tpu.dimension_semantics<core_parallel>, #tpu.dimension_semantics<subcore_parallel>], iteration_bounds = array<i64: 2, 16>, scalar_prefetch = 0 : i64, scratch_operands = 20 : i64, tpu.core_type = #tpu.core_type<sc_vector_subcore>, window_params = [{transform_indices = #map}, {transform_indices = #map}, {transform_indices = #map}, {transform_indices = #map1}, {transform_indices = #map1}, {transform_indices = #map1}, {transform_indices = #map}, {transform_indices = #map1}, {transform_indices = #map1}, {transform_indices = #map2}, {transform_indices = #map1}]} {
    %mul3A = arith.constant 16 : i32
    %mul3A_0 = arith.muli %arg0, %mul3A : i32
    %add3A = arith.addi %mul3A_0, %arg1 : i32
    %mul3A_1 = arith.constant 632 : i32
    %mul3A_2 = arith.muli %arg1, %mul3A_1 : i32
    "tpu.region"() ({
      %run_scoped3A = tpu.sem_alloc : memref<!tpu.dma_semaphore, #tpu.memory_space<semaphore_mem>>
      %dma_start3A = arith.constant 0 : i32
      %dma_start3A_41 = tpu.memref_slice %arg25[%mul3A_2, %dma_start3A] : memref<10112x128xf32, #tpu.memory_space<vmem_shared>> -> memref<632x128xf32, #tpu.memory_space<vmem_shared>>
      tpu.enqueue_dma source(%arg8 : memref<632x128xf32, #tpu.memory_space<hbm>>) target(%dma_start3A_41 : memref<632x128xf32, #tpu.memory_space<vmem_shared>>) target_semaphore(%run_scoped3A : memref<!tpu.dma_semaphore, #tpu.memory_space<semaphore_mem>>)
      %dma_wait3A = arith.constant 0 : i32
      %dma_wait3A_42 = tpu.memref_slice %arg25[%mul3A_2, %dma_wait3A] : memref<10112x128xf32, #tpu.memory_space<vmem_shared>> -> memref<632x128xf32, #tpu.memory_space<vmem_shared>>
      tpu.wait_dma2 semaphore(%run_scoped3A : memref<!tpu.dma_semaphore, #tpu.memory_space<semaphore_mem>>) src(%arg8 : memref<632x128xf32, #tpu.memory_space<hbm>>) dst(%dma_wait3A_42 : memref<632x128xf32, #tpu.memory_space<vmem_shared>>)
      tpu.yield
    }) : () -> ()
    %mul3A_3 = arith.constant 632 : i32
    %mul3A_4 = arith.muli %arg1, %mul3A_3 : i32
    "tpu.region"() ({
      %run_scoped3A = tpu.sem_alloc : memref<!tpu.dma_semaphore, #tpu.memory_space<semaphore_mem>>
      %dma_start3A = arith.constant 0 : i32
      %dma_start3A_41 = tpu.memref_slice %arg14[%dma_start3A] : memref<2000xi32, #tpu.memory_space<vmem>> -> memref<632xi32, #tpu.memory_space<vmem>>
      %dma_start3A_42 = tpu.memref_slice %arg9[%mul3A_4] : memref<10112xi32, #tpu.memory_space<hbm>> -> memref<632xi32, #tpu.memory_space<hbm>>
      %dma_start3A_43 = arith.constant 0 : i32
      %dma_start3A_44 = tpu.memref_slice %arg14[%dma_start3A_43] : memref<2000xi32, #tpu.memory_space<vmem>> -> memref<632xi32, #tpu.memory_space<vmem>>
      %dma_start3A_45 = tpu.memref_slice %arg9[%mul3A_4] : memref<10112xi32, #tpu.memory_space<hbm>> -> memref<632xi32, #tpu.memory_space<hbm>>
      tpu.enqueue_dma source(%dma_start3A_45 : memref<632xi32, #tpu.memory_space<hbm>>) target(%dma_start3A_44 : memref<632xi32, #tpu.memory_space<vmem>>) target_semaphore(%run_scoped3A : memref<!tpu.dma_semaphore, #tpu.memory_space<semaphore_mem>>)
      %dma_wait3A = arith.constant 0 : i32
      %dma_wait3A_46 = tpu.memref_slice %arg14[%dma_wait3A] : memref<2000xi32, #tpu.memory_space<vmem>> -> memref<632xi32, #tpu.memory_space<vmem>>
      %dma_wait3A_47 = tpu.memref_slice %arg9[%mul3A_4] : memref<10112xi32, #tpu.memory_space<hbm>> -> memref<632xi32, #tpu.memory_space<hbm>>
      %dma_wait3A_48 = arith.constant 0 : i32
      %dma_wait3A_49 = tpu.memref_slice %arg14[%dma_wait3A_48] : memref<2000xi32, #tpu.memory_space<vmem>> -> memref<632xi32, #tpu.memory_space<vmem>>
      %dma_wait3A_50 = tpu.memref_slice %arg9[%mul3A_4] : memref<10112xi32, #tpu.memory_space<hbm>> -> memref<632xi32, #tpu.memory_space<hbm>>
      tpu.wait_dma2 semaphore(%run_scoped3A : memref<!tpu.dma_semaphore, #tpu.memory_space<semaphore_mem>>) src(%dma_wait3A_50 : memref<632xi32, #tpu.memory_space<hbm>>) dst(%dma_wait3A_49 : memref<632xi32, #tpu.memory_space<vmem>>)
      tpu.yield
    }) : () -> ()
    %mul3A_5 = arith.constant 632 : i32
    %mul3A_6 = arith.muli %arg1, %mul3A_5 : i32
    "tpu.region"() ({
      %run_scoped3A = tpu.sem_alloc : memref<!tpu.dma_semaphore, #tpu.memory_space<semaphore_mem>>
      %dma_start3A = arith.constant 0 : i32
      %dma_start3A_41 = tpu.memref_slice %arg14[%dma_start3A] : memref<2000xi32, #tpu.memory_space<vmem>> -> memref<632xi32, #tpu.memory_space<vmem>>
      %dma_start3A_42 = tpu.memref_slice %arg26[%mul3A_6] : memref<10112xi32, #tpu.memory_space<vmem_shared>> -> memref<632xi32, #tpu.memory_space<vmem_shared>>
      %dma_start3A_43 = tpu.memref_slice %arg26[%mul3A_6] : memref<10112xi32, #tpu.memory_space<vmem_shared>> -> memref<632xi32, #tpu.memory_space<vmem_shared>>
      %dma_start3A_44 = arith.constant 0 : i32
      %dma_start3A_45 = tpu.memref_slice %arg14[%dma_start3A_44] : memref<2000xi32, #tpu.memory_space<vmem>> -> memref<632xi32, #tpu.memory_space<vmem>>
      tpu.enqueue_dma source(%dma_start3A_45 : memref<632xi32, #tpu.memory_space<vmem>>) target(%dma_start3A_43 : memref<632xi32, #tpu.memory_space<vmem_shared>>) target_semaphore(%run_scoped3A : memref<!tpu.dma_semaphore, #tpu.memory_space<semaphore_mem>>)
      %dma_wait3A = arith.constant 0 : i32
      %dma_wait3A_46 = tpu.memref_slice %arg14[%dma_wait3A] : memref<2000xi32, #tpu.memory_space<vmem>> -> memref<632xi32, #tpu.memory_space<vmem>>
      %dma_wait3A_47 = tpu.memref_slice %arg26[%mul3A_6] : memref<10112xi32, #tpu.memory_space<vmem_shared>> -> memref<632xi32, #tpu.memory_space<vmem_shared>>
      %dma_wait3A_48 = tpu.memref_slice %arg26[%mul3A_6] : memref<10112xi32, #tpu.memory_space<vmem_shared>> -> memref<632xi32, #tpu.memory_space<vmem_shared>>
      %dma_wait3A_49 = arith.constant 0 : i32
      %dma_wait3A_50 = tpu.memref_slice %arg14[%dma_wait3A_49] : memref<2000xi32, #tpu.memory_space<vmem>> -> memref<632xi32, #tpu.memory_space<vmem>>
      tpu.wait_dma2 semaphore(%run_scoped3A : memref<!tpu.dma_semaphore, #tpu.memory_space<semaphore_mem>>) src(%dma_wait3A_50 : memref<632xi32, #tpu.memory_space<vmem>>) dst(%dma_wait3A_48 : memref<632xi32, #tpu.memory_space<vmem_shared>>)
      tpu.yield
    }) : () -> ()
    "tpu.region"() ({
      %run_scoped3A = tpu.sem_alloc : memref<!tpu.dma_semaphore, #tpu.memory_space<semaphore_mem>>
      tpu.enqueue_dma source(%arg7 : memref<144xf32, #tpu.memory_space<hbm>>) target(%arg13 : memref<144xf32, #tpu.memory_space<vmem>>) target_semaphore(%run_scoped3A : memref<!tpu.dma_semaphore, #tpu.memory_space<semaphore_mem>>)
      tpu.wait_dma2 semaphore(%run_scoped3A : memref<!tpu.dma_semaphore, #tpu.memory_space<semaphore_mem>>) src(%arg7 : memref<144xf32, #tpu.memory_space<hbm>>) dst(%arg13 : memref<144xf32, #tpu.memory_space<vmem>>)
      tpu.yield
    }) : () -> ()
    "tpu.region"() ({
      %run_scoped3A = tpu.sem_alloc : memref<!tpu.dma_semaphore, #tpu.memory_space<semaphore_mem>>
      tpu.enqueue_dma source(%arg10 : memref<40xi32, #tpu.memory_space<hbm>>) target(%arg16 : memref<40xi32, #tpu.memory_space<vmem>>) target_semaphore(%run_scoped3A : memref<!tpu.dma_semaphore, #tpu.memory_space<semaphore_mem>>)
      tpu.wait_dma2 semaphore(%run_scoped3A : memref<!tpu.dma_semaphore, #tpu.memory_space<semaphore_mem>>) src(%arg10 : memref<40xi32, #tpu.memory_space<hbm>>) dst(%arg16 : memref<40xi32, #tpu.memory_space<vmem>>)
      tpu.yield
    }) : () -> ()
    %get3A = arith.constant 0 : index
    %get3A_7 = tpu.vector_load %arg13[%get3A] {strides = array<i32>} : memref<144xf32, #tpu.memory_space<vmem>>, vector<16xf32>,
    %get3A_8 = arith.constant 16 : index
    %get3A_9 = tpu.vector_load %arg13[%get3A_8] {strides = array<i32>} : memref<144xf32, #tpu.memory_space<vmem>>, vector<16xf32>,
    %get3A_10 = arith.constant 32 : index
    %get3A_11 = tpu.vector_load %arg13[%get3A_10] {strides = array<i32>} : memref<144xf32, #tpu.memory_space<vmem>>, vector<16xf32>,
    %get3A_12 = arith.constant 48 : index
    %get3A_13 = tpu.vector_load %arg13[%get3A_12] {strides = array<i32>} : memref<144xf32, #tpu.memory_space<vmem>>, vector<16xf32>,
    %get3A_14 = arith.constant 64 : index
    %get3A_15 = tpu.vector_load %arg13[%get3A_14] {strides = array<i32>} : memref<144xf32, #tpu.memory_space<vmem>>, vector<16xf32>,
    %get3A_16 = arith.constant 80 : index
    %get3A_17 = tpu.vector_load %arg13[%get3A_16] {strides = array<i32>} : memref<144xf32, #tpu.memory_space<vmem>>, vector<16xf32>,
    %get3A_18 = arith.constant 96 : index
    %get3A_19 = tpu.vector_load %arg13[%get3A_18] {strides = array<i32>} : memref<144xf32, #tpu.memory_space<vmem>>, vector<16xf32>,
    %get3A_20 = arith.constant 112 : index
    %get3A_21 = tpu.vector_load %arg13[%get3A_20] {strides = array<i32>} : memref<144xf32, #tpu.memory_space<vmem>>, vector<16xf32>,
    %get3A_22 = arith.constant 128 : index
    %get3A_23 = tpu.vector_load %arg13[%get3A_22] {strides = array<i32>} : memref<144xf32, #tpu.memory_space<vmem>>, vector<16xf32>,
    %barrier3A = arith.constant 0 : index
    tpu.barrier barrier_id(%barrier3A)
    %scan3A = arith.constant 0 : i32
    %scan3A_24 = arith.constant 0 : i32
    %scan3A_25 = arith.constant 5 : i32
    %scan3A_26 = arith.addi %scan3A_24, %scan3A_25 : i32
    %scan3A_27 = arith.constant 1 : i32
    scf.for %scan3A_41 = %scan3A_24 to %scan3A_26 step %scan3A_27  : i32 {
      %mul3A_42 = arith.constant 10000 : i32
      %mul3A_43 = arith.muli %add3A, %mul3A_42 : i32
      %mul3A_44 = arith.constant 2000 : i32
      %mul3A_45 = arith.muli %scan3A_41, %mul3A_44 : i32
      %add3A_46 = arith.addi %mul3A_43, %mul3A_45 : i32
      "tpu.region"() ({
        %run_scoped3A = tpu.sem_alloc : memref<!tpu.dma_semaphore, #tpu.memory_space<semaphore_mem>>
        %dma_start3A_99 = tpu.memref_slice %arg5[%add3A_46] : memref<320000xi32, #tpu.memory_space<hbm>> -> memref<2000xi32, #tpu.memory_space<hbm>>
        %dma_start3A_100 = tpu.memref_slice %arg5[%add3A_46] : memref<320000xi32, #tpu.memory_space<hbm>> -> memref<2000xi32, #tpu.memory_space<hbm>>
        tpu.enqueue_dma source(%dma_start3A_100 : memref<2000xi32, #tpu.memory_space<hbm>>) target(%arg14 : memref<2000xi32, #tpu.memory_space<vmem>>) target_semaphore(%run_scoped3A : memref<!tpu.dma_semaphore, #tpu.memory_space<semaphore_mem>>)
        %dma_wait3A_101 = tpu.memref_slice %arg5[%add3A_46] : memref<320000xi32, #tpu.memory_space<hbm>> -> memref<2000xi32, #tpu.memory_space<hbm>>
        %dma_wait3A_102 = tpu.memref_slice %arg5[%add3A_46] : memref<320000xi32, #tpu.memory_space<hbm>> -> memref<2000xi32, #tpu.memory_space<hbm>>
        tpu.wait_dma2 semaphore(%run_scoped3A : memref<!tpu.dma_semaphore, #tpu.memory_space<semaphore_mem>>) src(%dma_wait3A_102 : memref<2000xi32, #tpu.memory_space<hbm>>) dst(%arg14 : memref<2000xi32, #tpu.memory_space<vmem>>)
        tpu.yield
      }) : () -> ()
      "tpu.region"() ({
        %run_scoped3A = tpu.sem_alloc : memref<!tpu.dma_semaphore, #tpu.memory_space<semaphore_mem>>
        %dma_start3A_99 = tpu.memref_slice %arg6[%add3A_46] : memref<320000xi32, #tpu.memory_space<hbm>> -> memref<2000xi32, #tpu.memory_space<hbm>>
        %dma_start3A_100 = tpu.memref_slice %arg6[%add3A_46] : memref<320000xi32, #tpu.memory_space<hbm>> -> memref<2000xi32, #tpu.memory_space<hbm>>
        tpu.enqueue_dma source(%dma_start3A_100 : memref<2000xi32, #tpu.memory_space<hbm>>) target(%arg15 : memref<2000xi32, #tpu.memory_space<vmem>>) target_semaphore(%run_scoped3A : memref<!tpu.dma_semaphore, #tpu.memory_space<semaphore_mem>>)
        %dma_wait3A_101 = tpu.memref_slice %arg6[%add3A_46] : memref<320000xi32, #tpu.memory_space<hbm>> -> memref<2000xi32, #tpu.memory_space<hbm>>
        %dma_wait3A_102 = tpu.memref_slice %arg6[%add3A_46] : memref<320000xi32, #tpu.memory_space<hbm>> -> memref<2000xi32, #tpu.memory_space<hbm>>
        tpu.wait_dma2 semaphore(%run_scoped3A : memref<!tpu.dma_semaphore, #tpu.memory_space<semaphore_mem>>) src(%dma_wait3A_102 : memref<2000xi32, #tpu.memory_space<hbm>>) dst(%arg15 : memref<2000xi32, #tpu.memory_space<vmem>>)
        tpu.yield
      }) : () -> ()
      %dma_start3A = arith.constant 0 : i32
      %dma_start3A_47 = tpu.memref_slice %arg15[%dma_start3A] : memref<2000xi32, #tpu.memory_space<vmem>> -> memref<40xi32, #tpu.memory_space<vmem>>
      %dma_start3A_48 = arith.constant 0 : i32
      %dma_start3A_49 = arith.constant 0 : i32
      %dma_start3A_50 = tpu.memref_slice %arg2[%dma_start3A_48, %dma_start3A_49] : memref<10000x128xf32, #tpu.memory_space<hbm>> -> memref<10000x128xf32, #tpu.memory_space<hbm>>
      tpu.enqueue_indirect_dma source(%dma_start3A_50 : memref<10000x128xf32, #tpu.memory_space<hbm>>) target(%arg17 : memref<40x128xf32, #tpu.memory_space<vmem>>) offsets(%dma_start3A_47 : memref<40xi32, #tpu.memory_space<vmem>>) semaphore(%arg27 : memref<!tpu.dma_semaphore, #tpu.memory_space<semaphore_mem>>)
      %dma_start3A_51 = arith.constant 0 : i32
      %dma_start3A_52 = tpu.memref_slice %arg14[%dma_start3A_51] : memref<2000xi32, #tpu.memory_space<vmem>> -> memref<40xi32, #tpu.memory_space<vmem>>
      %dma_start3A_53 = arith.constant 0 : i32
      %dma_start3A_54 = arith.constant 0 : i32
      %dma_start3A_55 = tpu.memref_slice %arg3[%dma_start3A_53, %dma_start3A_54] : memref<10000x128xf32, #tpu.memory_space<hbm>> -> memref<10000x128xf32, #tpu.memory_space<hbm>>
      tpu.enqueue_indirect_dma source(%dma_start3A_55 : memref<10000x128xf32, #tpu.memory_space<hbm>>) target(%arg18 : memref<40x128xf32, #tpu.memory_space<vmem>>) offsets(%dma_start3A_52 : memref<40xi32, #tpu.memory_space<vmem>>) semaphore(%arg27 : memref<!tpu.dma_semaphore, #tpu.memory_space<semaphore_mem>>)
      %dma_start3A_56 = arith.constant 0 : i32
      %dma_start3A_57 = tpu.memref_slice %arg14[%dma_start3A_56] : memref<2000xi32, #tpu.memory_space<vmem>> -> memref<40xi32, #tpu.memory_space<vmem>>
      %dma_start3A_58 = arith.constant 0 : i32
      %dma_start3A_59 = arith.constant 0 : i32
      %dma_start3A_60 = tpu.memref_slice %arg4[%dma_start3A_58, %dma_start3A_59] : memref<10000x128xf32, #tpu.memory_space<hbm>> -> memref<10000x128xf32, #tpu.memory_space<hbm>>
      tpu.enqueue_indirect_dma source(%dma_start3A_60 : memref<10000x128xf32, #tpu.memory_space<hbm>>) target(%arg19 : memref<40x128xf32, #tpu.memory_space<vmem>>) offsets(%dma_start3A_57 : memref<40xi32, #tpu.memory_space<vmem>>) semaphore(%arg27 : memref<!tpu.dma_semaphore, #tpu.memory_space<semaphore_mem>>)
      %scan3A_61 = arith.constant 0 : i32
      %scan3A_62 = arith.constant 0 : i32
      %scan3A_63 = arith.constant 25 : i32
      %scan3A_64 = arith.addi %scan3A_62, %scan3A_63 : i32
      %scan3A_65 = arith.constant 1 : i32
      scf.for %scan3A_99 = %scan3A_62 to %scan3A_64 step %scan3A_65  : i32 {
        %mul3A_100 = arith.constant 2 : i32
        %mul3A_101 = arith.muli %mul3A_100, %scan3A_99 : i32
        %add3A_102 = arith.constant 1 : i32
        %add3A_103 = arith.addi %mul3A_101, %add3A_102 : i32
        %mul3A_104 = arith.constant 40 : i32
        %mul3A_105 = arith.muli %add3A_103, %mul3A_104 : i32
        %dma_start3A_106 = tpu.memref_slice %arg15[%mul3A_105] : memref<2000xi32, #tpu.memory_space<vmem>> -> memref<40xi32, #tpu.memory_space<vmem>>
        %dma_start3A_107 = arith.constant 0 : i32
        %dma_start3A_108 = arith.constant 0 : i32
        %dma_start3A_109 = tpu.memref_slice %arg2[%dma_start3A_107, %dma_start3A_108] : memref<10000x128xf32, #tpu.memory_space<hbm>> -> memref<10000x128xf32, #tpu.memory_space<hbm>>
        tpu.enqueue_indirect_dma source(%dma_start3A_109 : memref<10000x128xf32, #tpu.memory_space<hbm>>) target(%arg20 : memref<40x128xf32, #tpu.memory_space<vmem>>) offsets(%dma_start3A_106 : memref<40xi32, #tpu.memory_space<vmem>>) semaphore(%arg28 : memref<!tpu.dma_semaphore, #tpu.memory_space<semaphore_mem>>)
        %dma_start3A_110 = tpu.memref_slice %arg14[%mul3A_105] : memref<2000xi32, #tpu.memory_space<vmem>> -> memref<40xi32, #tpu.memory_space<vmem>>
        %dma_start3A_111 = arith.constant 0 : i32
        %dma_start3A_112 = arith.constant 0 : i32
        %dma_start3A_113 = tpu.memref_slice %arg3[%dma_start3A_111, %dma_start3A_112] : memref<10000x128xf32, #tpu.memory_space<hbm>> -> memref<10000x128xf32, #tpu.memory_space<hbm>>
        tpu.enqueue_indirect_dma source(%dma_start3A_113 : memref<10000x128xf32, #tpu.memory_space<hbm>>) target(%arg21 : memref<40x128xf32, #tpu.memory_space<vmem>>) offsets(%dma_start3A_110 : memref<40xi32, #tpu.memory_space<vmem>>) semaphore(%arg28 : memref<!tpu.dma_semaphore, #tpu.memory_space<semaphore_mem>>)
        %dma_start3A_114 = tpu.memref_slice %arg14[%mul3A_105] : memref<2000xi32, #tpu.memory_space<vmem>> -> memref<40xi32, #tpu.memory_space<vmem>>
        %dma_start3A_115 = arith.constant 0 : i32
        %dma_start3A_116 = arith.constant 0 : i32
        %dma_start3A_117 = tpu.memref_slice %arg4[%dma_start3A_115, %dma_start3A_116] : memref<10000x128xf32, #tpu.memory_space<hbm>> -> memref<10000x128xf32, #tpu.memory_space<hbm>>
        tpu.enqueue_indirect_dma source(%dma_start3A_117 : memref<10000x128xf32, #tpu.memory_space<hbm>>) target(%arg22 : memref<40x128xf32, #tpu.memory_space<vmem>>) offsets(%dma_start3A_114 : memref<40xi32, #tpu.memory_space<vmem>>) semaphore(%arg28 : memref<!tpu.dma_semaphore, #tpu.memory_space<semaphore_mem>>)
        %mul3A_118 = arith.constant 40 : i32
        %mul3A_119 = arith.muli %mul3A_101, %mul3A_118 : i32
        %dma_wait3A_120 = tpu.memref_slice %arg15[%mul3A_119] : memref<2000xi32, #tpu.memory_space<vmem>> -> memref<40xi32, #tpu.memory_space<vmem>>
        %dma_wait3A_121 = arith.constant 0 : i32
        %dma_wait3A_122 = arith.constant 0 : i32
        %dma_wait3A_123 = tpu.memref_slice %arg2[%dma_wait3A_121, %dma_wait3A_122] : memref<10000x128xf32, #tpu.memory_space<hbm>> -> memref<10000x128xf32, #tpu.memory_space<hbm>>
        tpu.wait_indirect_dma semaphore(%arg27 : memref<!tpu.dma_semaphore, #tpu.memory_space<semaphore_mem>>) src(%dma_wait3A_123 : memref<10000x128xf32, #tpu.memory_space<hbm>>) dst(%arg17 : memref<40x128xf32, #tpu.memory_space<vmem>>)
        %dma_wait3A_124 = tpu.memref_slice %arg14[%mul3A_119] : memref<2000xi32, #tpu.memory_space<vmem>> -> memref<40xi32, #tpu.memory_space<vmem>>
        %dma_wait3A_125 = arith.constant 0 : i32
        %dma_wait3A_126 = arith.constant 0 : i32
        %dma_wait3A_127 = tpu.memref_slice %arg3[%dma_wait3A_125, %dma_wait3A_126] : memref<10000x128xf32, #tpu.memory_space<hbm>> -> memref<10000x128xf32, #tpu.memory_space<hbm>>
        tpu.wait_indirect_dma semaphore(%arg27 : memref<!tpu.dma_semaphore, #tpu.memory_space<semaphore_mem>>) src(%dma_wait3A_127 : memref<10000x128xf32, #tpu.memory_space<hbm>>) dst(%arg18 : memref<40x128xf32, #tpu.memory_space<vmem>>)
        %dma_wait3A_128 = tpu.memref_slice %arg14[%mul3A_119] : memref<2000xi32, #tpu.memory_space<vmem>> -> memref<40xi32, #tpu.memory_space<vmem>>
        %dma_wait3A_129 = arith.constant 0 : i32
        %dma_wait3A_130 = arith.constant 0 : i32
        %dma_wait3A_131 = tpu.memref_slice %arg4[%dma_wait3A_129, %dma_wait3A_130] : memref<10000x128xf32, #tpu.memory_space<hbm>> -> memref<10000x128xf32, #tpu.memory_space<hbm>>
        tpu.wait_indirect_dma semaphore(%arg27 : memref<!tpu.dma_semaphore, #tpu.memory_space<semaphore_mem>>) src(%dma_wait3A_131 : memref<10000x128xf32, #tpu.memory_space<hbm>>) dst(%arg19 : memref<40x128xf32, #tpu.memory_space<vmem>>)
        %gt3A = arith.constant 0 : i32
        %gt3A_132 = arith.cmpi sgt, %scan3A_99, %gt3A : i32
        %convert_element_type3A = arith.extui %gt3A_132 : i1 to i32
        %cond3A = arith.constant 0 : i32
        %cond3A_133 = arith.cmpi ne, %convert_element_type3A, %cond3A : i32
        scf.if %cond3A_133 {
          %sub3A = arith.constant 2 : i32
          %sub3A_204 = arith.subi %mul3A_101, %sub3A : i32
          %mul3A_205 = arith.constant 40 : i32
          %mul3A_206 = arith.muli %sub3A_204, %mul3A_205 : i32
          %dma_wait3A_207 = tpu.memref_slice %arg15[%mul3A_206] : memref<2000xi32, #tpu.memory_space<vmem>> -> memref<40xi32, #tpu.memory_space<vmem>>
          %dma_wait3A_208 = arith.constant 0 : i32
          %dma_wait3A_209 = arith.constant 0 : i32
          %dma_wait3A_210 = tpu.memref_slice %arg25[%dma_wait3A_208, %dma_wait3A_209] : memref<10112x128xf32, #tpu.memory_space<vmem_shared>> -> memref<10112x128xf32, #tpu.memory_space<vmem_shared>>
          tpu.wait_indirect_dma semaphore(%arg29 : memref<!tpu.dma_semaphore, #tpu.memory_space<semaphore_mem>>) src(%arg23 : memref<40x128xf32, #tpu.memory_space<vmem>>) dst(%dma_wait3A_210 : memref<10112x128xf32, #tpu.memory_space<vmem_shared>>)
          %dma_wait3A_211 = tpu.memref_slice %arg15[%mul3A_206] : memref<2000xi32, #tpu.memory_space<vmem>> -> memref<40xi32, #tpu.memory_space<vmem>>
          %dma_wait3A_212 = arith.constant 0 : i32
          %dma_wait3A_213 = tpu.memref_slice %arg26[%dma_wait3A_212] : memref<10112xi32, #tpu.memory_space<vmem_shared>> -> memref<10112xi32, #tpu.memory_space<vmem_shared>>
          tpu.wait_indirect_dma semaphore(%arg31 : memref<!tpu.dma_semaphore, #tpu.memory_space<semaphore_mem>>) src(%arg16 : memref<40xi32, #tpu.memory_space<vmem>>) dst(%dma_wait3A_213 : memref<10112xi32, #tpu.memory_space<vmem_shared>>)
        } else {
        }
        %scan3A_134 = arith.constant 0 : i32
        %scan3A_135 = arith.constant 0 : i32
        %scan3A_136 = arith.constant 40 : i32
        %scan3A_137 = arith.addi %scan3A_135, %scan3A_136 : i32
        %scan3A_138 = arith.constant 1 : i32
        scf.for %scan3A_204 = %scan3A_135 to %scan3A_137 step %scan3A_138  : i32 {
          %get3A_205 = arith.index_cast %scan3A_204 : i32 to index
          %get3A_206 = arith.constant 0 : index
          %get3A_207 = tpu.vector_load %arg17[%get3A_205, %get3A_206] {strides = array<i32>} : memref<40x128xf32, #tpu.memory_space<vmem>>, vector<16xf32>,
          %get3A_208 = arith.index_cast %scan3A_204 : i32 to index
          %get3A_209 = arith.constant 0 : index
          %get3A_210 = tpu.vector_load %arg18[%get3A_208, %get3A_209] {strides = array<i32>} : memref<40x128xf32, #tpu.memory_space<vmem>>, vector<16xf32>,
          %add3A_211 = arith.addf %get3A_207, %get3A_210 : vector<16xf32>
          %max3A = arith.constant 0.000000e+00 : f32
          %max3A_212 = vector.broadcast %max3A : f32 to vector<16xf32>
          %max3A_213 = arith.maximumf %add3A_211, %max3A_212 : vector<16xf32>
          %mul3A_214 = arith.mulf %max3A_213, %get3A_7 : vector<16xf32>
          %get3A_215 = arith.index_cast %scan3A_204 : i32 to index
          %get3A_216 = arith.constant 16 : index
          %get3A_217 = tpu.vector_load %arg17[%get3A_215, %get3A_216] {strides = array<i32>} : memref<40x128xf32, #tpu.memory_space<vmem>>, vector<16xf32>,
          %get3A_218 = arith.index_cast %scan3A_204 : i32 to index
          %get3A_219 = arith.constant 16 : index
          %get3A_220 = tpu.vector_load %arg18[%get3A_218, %get3A_219] {strides = array<i32>} : memref<40x128xf32, #tpu.memory_space<vmem>>, vector<16xf32>,
          %add3A_221 = arith.addf %get3A_217, %get3A_220 : vector<16xf32>
          %max3A_222 = arith.constant 0.000000e+00 : f32
          %max3A_223 = vector.broadcast %max3A_222 : f32 to vector<16xf32>
          %max3A_224 = arith.maximumf %add3A_221, %max3A_223 : vector<16xf32>
          %mul3A_225 = arith.mulf %max3A_224, %get3A_9 : vector<16xf32>
          %add3A_226 = arith.addf %mul3A_214, %mul3A_225 : vector<16xf32>
          %get3A_227 = arith.index_cast %scan3A_204 : i32 to index
          %get3A_228 = arith.constant 32 : index
          %get3A_229 = tpu.vector_load %arg17[%get3A_227, %get3A_228] {strides = array<i32>} : memref<40x128xf32, #tpu.memory_space<vmem>>, vector<16xf32>,
          %get3A_230 = arith.index_cast %scan3A_204 : i32 to index
          %get3A_231 = arith.constant 32 : index
          %get3A_232 = tpu.vector_load %arg18[%get3A_230, %get3A_231] {strides = array<i32>} : memref<40x128xf32, #tpu.memory_space<vmem>>, vector<16xf32>,
          %add3A_233 = arith.addf %get3A_229, %get3A_232 : vector<16xf32>
          %max3A_234 = arith.constant 0.000000e+00 : f32
          %max3A_235 = vector.broadcast %max3A_234 : f32 to vector<16xf32>
          %max3A_236 = arith.maximumf %add3A_233, %max3A_235 : vector<16xf32>
          %mul3A_237 = arith.mulf %max3A_236, %get3A_11 : vector<16xf32>
          %add3A_238 = arith.addf %add3A_226, %mul3A_237 : vector<16xf32>
          %get3A_239 = arith.index_cast %scan3A_204 : i32 to index
          %get3A_240 = arith.constant 48 : index
          %get3A_241 = tpu.vector_load %arg17[%get3A_239, %get3A_240] {strides = array<i32>} : memref<40x128xf32, #tpu.memory_space<vmem>>, vector<16xf32>,
          %get3A_242 = arith.index_cast %scan3A_204 : i32 to index
          %get3A_243 = arith.constant 48 : index
          %get3A_244 = tpu.vector_load %arg18[%get3A_242, %get3A_243] {strides = array<i32>} : memref<40x128xf32, #tpu.memory_space<vmem>>, vector<16xf32>,
          %add3A_245 = arith.addf %get3A_241, %get3A_244 : vector<16xf32>
          %max3A_246 = arith.constant 0.000000e+00 : f32
          %max3A_247 = vector.broadcast %max3A_246 : f32 to vector<16xf32>
          %max3A_248 = arith.maximumf %add3A_245, %max3A_247 : vector<16xf32>
          %mul3A_249 = arith.mulf %max3A_248, %get3A_13 : vector<16xf32>
          %add3A_250 = arith.addf %add3A_238, %mul3A_249 : vector<16xf32>
          %get3A_251 = arith.index_cast %scan3A_204 : i32 to index
          %get3A_252 = arith.constant 64 : index
          %get3A_253 = tpu.vector_load %arg17[%get3A_251, %get3A_252] {strides = array<i32>} : memref<40x128xf32, #tpu.memory_space<vmem>>, vector<16xf32>,
          %get3A_254 = arith.index_cast %scan3A_204 : i32 to index
          %get3A_255 = arith.constant 64 : index
          %get3A_256 = tpu.vector_load %arg18[%get3A_254, %get3A_255] {strides = array<i32>} : memref<40x128xf32, #tpu.memory_space<vmem>>, vector<16xf32>,
          %add3A_257 = arith.addf %get3A_253, %get3A_256 : vector<16xf32>
          %max3A_258 = arith.constant 0.000000e+00 : f32
          %max3A_259 = vector.broadcast %max3A_258 : f32 to vector<16xf32>
          %max3A_260 = arith.maximumf %add3A_257, %max3A_259 : vector<16xf32>
          %mul3A_261 = arith.mulf %max3A_260, %get3A_15 : vector<16xf32>
          %add3A_262 = arith.addf %add3A_250, %mul3A_261 : vector<16xf32>
          %get3A_263 = arith.index_cast %scan3A_204 : i32 to index
          %get3A_264 = arith.constant 80 : index
          %get3A_265 = tpu.vector_load %arg17[%get3A_263, %get3A_264] {strides = array<i32>} : memref<40x128xf32, #tpu.memory_space<vmem>>, vector<16xf32>,
          %get3A_266 = arith.index_cast %scan3A_204 : i32 to index
          %get3A_267 = arith.constant 80 : index
          %get3A_268 = tpu.vector_load %arg18[%get3A_266, %get3A_267] {strides = array<i32>} : memref<40x128xf32, #tpu.memory_space<vmem>>, vector<16xf32>,
          %add3A_269 = arith.addf %get3A_265, %get3A_268 : vector<16xf32>
          %max3A_270 = arith.constant 0.000000e+00 : f32
          %max3A_271 = vector.broadcast %max3A_270 : f32 to vector<16xf32>
          %max3A_272 = arith.maximumf %add3A_269, %max3A_271 : vector<16xf32>
          %mul3A_273 = arith.mulf %max3A_272, %get3A_17 : vector<16xf32>
          %add3A_274 = arith.addf %add3A_262, %mul3A_273 : vector<16xf32>
          %get3A_275 = arith.index_cast %scan3A_204 : i32 to index
          %get3A_276 = arith.constant 96 : index
          %get3A_277 = tpu.vector_load %arg17[%get3A_275, %get3A_276] {strides = array<i32>} : memref<40x128xf32, #tpu.memory_space<vmem>>, vector<16xf32>,
          %get3A_278 = arith.index_cast %scan3A_204 : i32 to index
          %get3A_279 = arith.constant 96 : index
          %get3A_280 = tpu.vector_load %arg18[%get3A_278, %get3A_279] {strides = array<i32>} : memref<40x128xf32, #tpu.memory_space<vmem>>, vector<16xf32>,
          %add3A_281 = arith.addf %get3A_277, %get3A_280 : vector<16xf32>
          %max3A_282 = arith.constant 0.000000e+00 : f32
          %max3A_283 = vector.broadcast %max3A_282 : f32 to vector<16xf32>
          %max3A_284 = arith.maximumf %add3A_281, %max3A_283 : vector<16xf32>
          %mul3A_285 = arith.mulf %max3A_284, %get3A_19 : vector<16xf32>
          %add3A_286 = arith.addf %add3A_274, %mul3A_285 : vector<16xf32>
          %get3A_287 = arith.index_cast %scan3A_204 : i32 to index
          %get3A_288 = arith.constant 112 : index
          %get3A_289 = tpu.vector_load %arg17[%get3A_287, %get3A_288] {strides = array<i32>} : memref<40x128xf32, #tpu.memory_space<vmem>>, vector<16xf32>,
          %get3A_290 = arith.index_cast %scan3A_204 : i32 to index
          %get3A_291 = arith.constant 112 : index
          %get3A_292 = tpu.vector_load %arg18[%get3A_290, %get3A_291] {strides = array<i32>} : memref<40x128xf32, #tpu.memory_space<vmem>>, vector<16xf32>,
          %add3A_293 = arith.addf %get3A_289, %get3A_292 : vector<16xf32>
          %max3A_294 = arith.constant 0.000000e+00 : f32
          %max3A_295 = vector.broadcast %max3A_294 : f32 to vector<16xf32>
          %max3A_296 = arith.maximumf %add3A_293, %max3A_295 : vector<16xf32>
          %mul3A_297 = arith.mulf %max3A_296, %get3A_21 : vector<16xf32>
          %add3A_298 = arith.addf %add3A_286, %mul3A_297 : vector<16xf32>
          %reduce_sum3A = arith.constant true
          %reduce_sum3A_299 = vector.broadcast %reduce_sum3A : i1 to vector<16xi1>
          %reduce_sum3A_300 = tpu.scan <sum>, %add3A_298 masked %reduce_sum3A_299 : vector<16xf32>, vector<16xi1> -> vector<16xf32>
          %reduce_sum3A_301 = vector.extract %reduce_sum3A_300[15] : f32 from vector<16xf32>
          %broadcast_in_dim3A = vector.broadcast %reduce_sum3A_301 : f32 to vector<16xf32>
          %add3A_302 = arith.addf %broadcast_in_dim3A, %get3A_23 : vector<16xf32>
          %neg3A = arith.constant 0.000000e+00 : f32
          %neg3A_303 = vector.broadcast %neg3A : f32 to vector<16xf32>
          %neg3A_304 = arith.subf %neg3A_303, %add3A_302 : vector<16xf32>
          %exp3A = math.exp %neg3A_304 : vector<16xf32>
          %add3A_305 = arith.constant 1.000000e+00 : f32
          %add3A_306 = vector.broadcast %add3A_305 : f32 to vector<16xf32>
          %add3A_307 = arith.addf %add3A_306, %exp3A : vector<16xf32>
          %div3A = arith.constant 1.000000e+00 : f32
          %div3A_308 = vector.broadcast %div3A : f32 to vector<16xf32>
          %div3A_309 = arith.divf %div3A_308, %add3A_307 : vector<16xf32>
          %get3A_310 = arith.index_cast %scan3A_204 : i32 to index
          %get3A_311 = arith.constant 0 : index
          %get3A_312 = tpu.vector_load %arg19[%get3A_310, %get3A_311] {strides = array<i32>} : memref<40x128xf32, #tpu.memory_space<vmem>>, vector<16xf32>,
          %mul3A_313 = arith.mulf %get3A_312, %div3A_309 : vector<16xf32>
          %swap3A = arith.index_cast %scan3A_204 : i32 to index
          %swap3A_314 = arith.constant 0 : index
          %swap3A_315 = tpu.vector_load %arg23[%swap3A, %swap3A_314] {strides = array<i32>} : memref<40x128xf32, #tpu.memory_space<vmem>>, vector<16xf32>,
          tpu.vector_store %arg23[%swap3A, %swap3A_314], %mul3A_313 {strides = array<i32>} : memref<40x128xf32, #tpu.memory_space<vmem>>, vector<16xf32>,
          %get3A_316 = arith.index_cast %scan3A_204 : i32 to index
          %get3A_317 = arith.constant 16 : index
          %get3A_318 = tpu.vector_load %arg19[%get3A_316, %get3A_317] {strides = array<i32>} : memref<40x128xf32, #tpu.memory_space<vmem>>, vector<16xf32>,
          %mul3A_319 = arith.mulf %get3A_318, %div3A_309 : vector<16xf32>
          %swap3A_320 = arith.index_cast %scan3A_204 : i32 to index
          %swap3A_321 = arith.constant 16 : index
          %swap3A_322 = tpu.vector_load %arg23[%swap3A_320, %swap3A_321] {strides = array<i32>} : memref<40x128xf32, #tpu.memory_space<vmem>>, vector<16xf32>,
          tpu.vector_store %arg23[%swap3A_320, %swap3A_321], %mul3A_319 {strides = array<i32>} : memref<40x128xf32, #tpu.memory_space<vmem>>, vector<16xf32>,
          %get3A_323 = arith.index_cast %scan3A_204 : i32 to index
          %get3A_324 = arith.constant 32 : index
          %get3A_325 = tpu.vector_load %arg19[%get3A_323, %get3A_324] {strides = array<i32>} : memref<40x128xf32, #tpu.memory_space<vmem>>, vector<16xf32>,
          %mul3A_326 = arith.mulf %get3A_325, %div3A_309 : vector<16xf32>
          %swap3A_327 = arith.index_cast %scan3A_204 : i32 to index
          %swap3A_328 = arith.constant 32 : index
          %swap3A_329 = tpu.vector_load %arg23[%swap3A_327, %swap3A_328] {strides = array<i32>} : memref<40x128xf32, #tpu.memory_space<vmem>>, vector<16xf32>,
          tpu.vector_store %arg23[%swap3A_327, %swap3A_328], %mul3A_326 {strides = array<i32>} : memref<40x128xf32, #tpu.memory_space<vmem>>, vector<16xf32>,
          %get3A_330 = arith.index_cast %scan3A_204 : i32 to index
          %get3A_331 = arith.constant 48 : index
          %get3A_332 = tpu.vector_load %arg19[%get3A_330, %get3A_331] {strides = array<i32>} : memref<40x128xf32, #tpu.memory_space<vmem>>, vector<16xf32>,
          %mul3A_333 = arith.mulf %get3A_332, %div3A_309 : vector<16xf32>
          %swap3A_334 = arith.index_cast %scan3A_204 : i32 to index
          %swap3A_335 = arith.constant 48 : index
          %swap3A_336 = tpu.vector_load %arg23[%swap3A_334, %swap3A_335] {strides = array<i32>} : memref<40x128xf32, #tpu.memory_space<vmem>>, vector<16xf32>,
          tpu.vector_store %arg23[%swap3A_334, %swap3A_335], %mul3A_333 {strides = array<i32>} : memref<40x128xf32, #tpu.memory_space<vmem>>, vector<16xf32>,
          %get3A_337 = arith.index_cast %scan3A_204 : i32 to index
          %get3A_338 = arith.constant 64 : index
          %get3A_339 = tpu.vector_load %arg19[%get3A_337, %get3A_338] {strides = array<i32>} : memref<40x128xf32, #tpu.memory_space<vmem>>, vector<16xf32>,
          %mul3A_340 = arith.mulf %get3A_339, %div3A_309 : vector<16xf32>
          %swap3A_341 = arith.index_cast %scan3A_204 : i32 to index
          %swap3A_342 = arith.constant 64 : index
          %swap3A_343 = tpu.vector_load %arg23[%swap3A_341, %swap3A_342] {strides = array<i32>} : memref<40x128xf32, #tpu.memory_space<vmem>>, vector<16xf32>,
          tpu.vector_store %arg23[%swap3A_341, %swap3A_342], %mul3A_340 {strides = array<i32>} : memref<40x128xf32, #tpu.memory_space<vmem>>, vector<16xf32>,
          %get3A_344 = arith.index_cast %scan3A_204 : i32 to index
          %get3A_345 = arith.constant 80 : index
          %get3A_346 = tpu.vector_load %arg19[%get3A_344, %get3A_345] {strides = array<i32>} : memref<40x128xf32, #tpu.memory_space<vmem>>, vector<16xf32>,
          %mul3A_347 = arith.mulf %get3A_346, %div3A_309 : vector<16xf32>
          %swap3A_348 = arith.index_cast %scan3A_204 : i32 to index
          %swap3A_349 = arith.constant 80 : index
          %swap3A_350 = tpu.vector_load %arg23[%swap3A_348, %swap3A_349] {strides = array<i32>} : memref<40x128xf32, #tpu.memory_space<vmem>>, vector<16xf32>,
          tpu.vector_store %arg23[%swap3A_348, %swap3A_349], %mul3A_347 {strides = array<i32>} : memref<40x128xf32, #tpu.memory_space<vmem>>, vector<16xf32>,
          %get3A_351 = arith.index_cast %scan3A_204 : i32 to index
          %get3A_352 = arith.constant 96 : index
          %get3A_353 = tpu.vector_load %arg19[%get3A_351, %get3A_352] {strides = array<i32>} : memref<40x128xf32, #tpu.memory_space<vmem>>, vector<16xf32>,
          %mul3A_354 = arith.mulf %get3A_353, %div3A_309 : vector<16xf32>
          %swap3A_355 = arith.index_cast %scan3A_204 : i32 to index
          %swap3A_356 = arith.constant 96 : index
          %swap3A_357 = tpu.vector_load %arg23[%swap3A_355, %swap3A_356] {strides = array<i32>} : memref<40x128xf32, #tpu.memory_space<vmem>>, vector<16xf32>,
          tpu.vector_store %arg23[%swap3A_355, %swap3A_356], %mul3A_354 {strides = array<i32>} : memref<40x128xf32, #tpu.memory_space<vmem>>, vector<16xf32>,
          %get3A_358 = arith.index_cast %scan3A_204 : i32 to index
          %get3A_359 = arith.constant 112 : index
          %get3A_360 = tpu.vector_load %arg19[%get3A_358, %get3A_359] {strides = array<i32>} : memref<40x128xf32, #tpu.memory_space<vmem>>, vector<16xf32>,
          %mul3A_361 = arith.mulf %get3A_360, %div3A_309 : vector<16xf32>
          %swap3A_362 = arith.index_cast %scan3A_204 : i32 to index
          %swap3A_363 = arith.constant 112 : index
          %swap3A_364 = tpu.vector_load %arg23[%swap3A_362, %swap3A_363] {strides = array<i32>} : memref<40x128xf32, #tpu.memory_space<vmem>>, vector<16xf32>,
          tpu.vector_store %arg23[%swap3A_362, %swap3A_363], %mul3A_361 {strides = array<i32>} : memref<40x128xf32, #tpu.memory_space<vmem>>, vector<16xf32>,
        }
        %scan3A_139 = arith.constant 40 : i32
        %mul3A_140 = arith.constant 40 : i32
        %mul3A_141 = arith.muli %mul3A_101, %mul3A_140 : i32
        %dma_start3A_142 = tpu.memref_slice %arg15[%mul3A_141] : memref<2000xi32, #tpu.memory_space<vmem>> -> memref<40xi32, #tpu.memory_space<vmem>>
        %dma_start3A_143 = arith.constant 0 : i32
        %dma_start3A_144 = arith.constant 0 : i32
        %dma_start3A_145 = tpu.memref_slice %arg25[%dma_start3A_143, %dma_start3A_144] : memref<10112x128xf32, #tpu.memory_space<vmem_shared>> -> memref<10112x128xf32, #tpu.memory_space<vmem_shared>>
        tpu.enqueue_indirect_dma source(%arg23 : memref<40x128xf32, #tpu.memory_space<vmem>>) target(%dma_start3A_145 : memref<10112x128xf32, #tpu.memory_space<vmem_shared>>) offsets(%dma_start3A_142 : memref<40xi32, #tpu.memory_space<vmem>>) semaphore(%arg29 : memref<!tpu.dma_semaphore, #tpu.memory_space<semaphore_mem>>) {add = true}
        %dma_start3A_146 = tpu.memref_slice %arg15[%mul3A_141] : memref<2000xi32, #tpu.memory_space<vmem>> -> memref<40xi32, #tpu.memory_space<vmem>>
        %dma_start3A_147 = arith.constant 0 : i32
        %dma_start3A_148 = tpu.memref_slice %arg26[%dma_start3A_147] : memref<10112xi32, #tpu.memory_space<vmem_shared>> -> memref<10112xi32, #tpu.memory_space<vmem_shared>>
        tpu.enqueue_indirect_dma source(%arg16 : memref<40xi32, #tpu.memory_space<vmem>>) target(%dma_start3A_148 : memref<10112xi32, #tpu.memory_space<vmem_shared>>) offsets(%dma_start3A_146 : memref<40xi32, #tpu.memory_space<vmem>>) semaphore(%arg31 : memref<!tpu.dma_semaphore, #tpu.memory_space<semaphore_mem>>) {add = true}
        %add3A_149 = arith.constant 2 : i32
        %add3A_150 = arith.addi %mul3A_101, %add3A_149 : i32
        %min3A = arith.constant 48 : i32
        %min3A_151 = arith.minsi %add3A_150, %min3A : i32
        %mul3A_152 = arith.constant 40 : i32
        %mul3A_153 = arith.muli %min3A_151, %mul3A_152 : i32
        %dma_start3A_154 = tpu.memref_slice %arg15[%mul3A_153] : memref<2000xi32, #tpu.memory_space<vmem>> -> memref<40xi32, #tpu.memory_space<vmem>>
        %dma_start3A_155 = arith.constant 0 : i32
        %dma_start3A_156 = arith.constant 0 : i32
        %dma_start3A_157 = tpu.memref_slice %arg2[%dma_start3A_155, %dma_start3A_156] : memref<10000x128xf32, #tpu.memory_space<hbm>> -> memref<10000x128xf32, #tpu.memory_space<hbm>>
        tpu.enqueue_indirect_dma source(%dma_start3A_157 : memref<10000x128xf32, #tpu.memory_space<hbm>>) target(%arg17 : memref<40x128xf32, #tpu.memory_space<vmem>>) offsets(%dma_start3A_154 : memref<40xi32, #tpu.memory_space<vmem>>) semaphore(%arg27 : memref<!tpu.dma_semaphore, #tpu.memory_space<semaphore_mem>>)
        %dma_start3A_158 = tpu.memref_slice %arg14[%mul3A_153] : memref<2000xi32, #tpu.memory_space<vmem>> -> memref<40xi32, #tpu.memory_space<vmem>>
        %dma_start3A_159 = arith.constant 0 : i32
        %dma_start3A_160 = arith.constant 0 : i32
        %dma_start3A_161 = tpu.memref_slice %arg3[%dma_start3A_159, %dma_start3A_160] : memref<10000x128xf32, #tpu.memory_space<hbm>> -> memref<10000x128xf32, #tpu.memory_space<hbm>>
        tpu.enqueue_indirect_dma source(%dma_start3A_161 : memref<10000x128xf32, #tpu.memory_space<hbm>>) target(%arg18 : memref<40x128xf32, #tpu.memory_space<vmem>>) offsets(%dma_start3A_158 : memref<40xi32, #tpu.memory_space<vmem>>) semaphore(%arg27 : memref<!tpu.dma_semaphore, #tpu.memory_space<semaphore_mem>>)
        %dma_start3A_162 = tpu.memref_slice %arg14[%mul3A_153] : memref<2000xi32, #tpu.memory_space<vmem>> -> memref<40xi32, #tpu.memory_space<vmem>>
        %dma_start3A_163 = arith.constant 0 : i32
        %dma_start3A_164 = arith.constant 0 : i32
        %dma_start3A_165 = tpu.memref_slice %arg4[%dma_start3A_163, %dma_start3A_164] : memref<10000x128xf32, #tpu.memory_space<hbm>> -> memref<10000x128xf32, #tpu.memory_space<hbm>>
        tpu.enqueue_indirect_dma source(%dma_start3A_165 : memref<10000x128xf32, #tpu.memory_space<hbm>>) target(%arg19 : memref<40x128xf32, #tpu.memory_space<vmem>>) offsets(%dma_start3A_162 : memref<40xi32, #tpu.memory_space<vmem>>) semaphore(%arg27 : memref<!tpu.dma_semaphore, #tpu.memory_space<semaphore_mem>>)
        %add3A_166 = arith.constant 1 : i32
        %add3A_167 = arith.addi %mul3A_101, %add3A_166 : i32
        %mul3A_168 = arith.constant 40 : i32
        %mul3A_169 = arith.muli %add3A_167, %mul3A_168 : i32
        %dma_wait3A_170 = tpu.memref_slice %arg15[%mul3A_169] : memref<2000xi32, #tpu.memory_space<vmem>> -> memref<40xi32, #tpu.memory_space<vmem>>
        %dma_wait3A_171 = arith.constant 0 : i32
        %dma_wait3A_172 = arith.constant 0 : i32
        %dma_wait3A_173 = tpu.memref_slice %arg2[%dma_wait3A_171, %dma_wait3A_172] : memref<10000x128xf32, #tpu.memory_space<hbm>> -> memref<10000x128xf32, #tpu.memory_space<hbm>>
        tpu.wait_indirect_dma semaphore(%arg28 : memref<!tpu.dma_semaphore, #tpu.memory_space<semaphore_mem>>) src(%dma_wait3A_173 : memref<10000x128xf32, #tpu.memory_space<hbm>>) dst(%arg20 : memref<40x128xf32, #tpu.memory_space<vmem>>)
        %dma_wait3A_174 = tpu.memref_slice %arg14[%mul3A_169] : memref<2000xi32, #tpu.memory_space<vmem>> -> memref<40xi32, #tpu.memory_space<vmem>>
        %dma_wait3A_175 = arith.constant 0 : i32
        %dma_wait3A_176 = arith.constant 0 : i32
        %dma_wait3A_177 = tpu.memref_slice %arg3[%dma_wait3A_175, %dma_wait3A_176] : memref<10000x128xf32, #tpu.memory_space<hbm>> -> memref<10000x128xf32, #tpu.memory_space<hbm>>
        tpu.wait_indirect_dma semaphore(%arg28 : memref<!tpu.dma_semaphore, #tpu.memory_space<semaphore_mem>>) src(%dma_wait3A_177 : memref<10000x128xf32, #tpu.memory_space<hbm>>) dst(%arg21 : memref<40x128xf32, #tpu.memory_space<vmem>>)
        %dma_wait3A_178 = tpu.memref_slice %arg14[%mul3A_169] : memref<2000xi32, #tpu.memory_space<vmem>> -> memref<40xi32, #tpu.memory_space<vmem>>
        %dma_wait3A_179 = arith.constant 0 : i32
        %dma_wait3A_180 = arith.constant 0 : i32
        %dma_wait3A_181 = tpu.memref_slice %arg4[%dma_wait3A_179, %dma_wait3A_180] : memref<10000x128xf32, #tpu.memory_space<hbm>> -> memref<10000x128xf32, #tpu.memory_space<hbm>>
        tpu.wait_indirect_dma semaphore(%arg28 : memref<!tpu.dma_semaphore, #tpu.memory_space<semaphore_mem>>) src(%dma_wait3A_181 : memref<10000x128xf32, #tpu.memory_space<hbm>>) dst(%arg22 : memref<40x128xf32, #tpu.memory_space<vmem>>)
        %gt3A_182 = arith.constant 0 : i32
        %gt3A_183 = arith.cmpi sgt, %scan3A_99, %gt3A_182 : i32
        %convert_element_type3A_184 = arith.extui %gt3A_183 : i1 to i32
        %cond3A_185 = arith.constant 0 : i32
        %cond3A_186 = arith.cmpi ne, %convert_element_type3A_184, %cond3A_185 : i32
        scf.if %cond3A_186 {
          %sub3A = arith.constant 1 : i32
          %sub3A_204 = arith.subi %mul3A_101, %sub3A : i32
          %mul3A_205 = arith.constant 40 : i32
          %mul3A_206 = arith.muli %sub3A_204, %mul3A_205 : i32
          %dma_wait3A_207 = tpu.memref_slice %arg15[%mul3A_206] : memref<2000xi32, #tpu.memory_space<vmem>> -> memref<40xi32, #tpu.memory_space<vmem>>
          %dma_wait3A_208 = arith.constant 0 : i32
          %dma_wait3A_209 = arith.constant 0 : i32
          %dma_wait3A_210 = tpu.memref_slice %arg25[%dma_wait3A_208, %dma_wait3A_209] : memref<10112x128xf32, #tpu.memory_space<vmem_shared>> -> memref<10112x128xf32, #tpu.memory_space<vmem_shared>>
          tpu.wait_indirect_dma semaphore(%arg30 : memref<!tpu.dma_semaphore, #tpu.memory_space<semaphore_mem>>) src(%arg24 : memref<40x128xf32, #tpu.memory_space<vmem>>) dst(%dma_wait3A_210 : memref<10112x128xf32, #tpu.memory_space<vmem_shared>>)
          %dma_wait3A_211 = tpu.memref_slice %arg15[%mul3A_206] : memref<2000xi32, #tpu.memory_space<vmem>> -> memref<40xi32, #tpu.memory_space<vmem>>
          %dma_wait3A_212 = arith.constant 0 : i32
          %dma_wait3A_213 = tpu.memref_slice %arg26[%dma_wait3A_212] : memref<10112xi32, #tpu.memory_space<vmem_shared>> -> memref<10112xi32, #tpu.memory_space<vmem_shared>>
          tpu.wait_indirect_dma semaphore(%arg32 : memref<!tpu.dma_semaphore, #tpu.memory_space<semaphore_mem>>) src(%arg16 : memref<40xi32, #tpu.memory_space<vmem>>) dst(%dma_wait3A_213 : memref<10112xi32, #tpu.memory_space<vmem_shared>>)
        } else {
        }
        %scan3A_187 = arith.constant 0 : i32
        %scan3A_188 = arith.constant 0 : i32
        %scan3A_189 = arith.constant 40 : i32
        %scan3A_190 = arith.addi %scan3A_188, %scan3A_189 : i32
        %scan3A_191 = arith.constant 1 : i32
        scf.for %scan3A_204 = %scan3A_188 to %scan3A_190 step %scan3A_191  : i32 {
          %get3A_205 = arith.index_cast %scan3A_204 : i32 to index
          %get3A_206 = arith.constant 0 : index
          %get3A_207 = tpu.vector_load %arg20[%get3A_205, %get3A_206] {strides = array<i32>} : memref<40x128xf32, #tpu.memory_space<vmem>>, vector<16xf32>,
          %get3A_208 = arith.index_cast %scan3A_204 : i32 to index
          %get3A_209 = arith.constant 0 : index
          %get3A_210 = tpu.vector_load %arg21[%get3A_208, %get3A_209] {strides = array<i32>} : memref<40x128xf32, #tpu.memory_space<vmem>>, vector<16xf32>,
          %add3A_211 = arith.addf %get3A_207, %get3A_210 : vector<16xf32>
          %max3A = arith.constant 0.000000e+00 : f32
          %max3A_212 = vector.broadcast %max3A : f32 to vector<16xf32>
          %max3A_213 = arith.maximumf %add3A_211, %max3A_212 : vector<16xf32>
          %mul3A_214 = arith.mulf %max3A_213, %get3A_7 : vector<16xf32>
          %get3A_215 = arith.index_cast %scan3A_204 : i32 to index
          %get3A_216 = arith.constant 16 : index
          %get3A_217 = tpu.vector_load %arg20[%get3A_215, %get3A_216] {strides = array<i32>} : memref<40x128xf32, #tpu.memory_space<vmem>>, vector<16xf32>,
          %get3A_218 = arith.index_cast %scan3A_204 : i32 to index
          %get3A_219 = arith.constant 16 : index
          %get3A_220 = tpu.vector_load %arg21[%get3A_218, %get3A_219] {strides = array<i32>} : memref<40x128xf32, #tpu.memory_space<vmem>>, vector<16xf32>,
          %add3A_221 = arith.addf %get3A_217, %get3A_220 : vector<16xf32>
          %max3A_222 = arith.constant 0.000000e+00 : f32
          %max3A_223 = vector.broadcast %max3A_222 : f32 to vector<16xf32>
          %max3A_224 = arith.maximumf %add3A_221, %max3A_223 : vector<16xf32>
          %mul3A_225 = arith.mulf %max3A_224, %get3A_9 : vector<16xf32>
          %add3A_226 = arith.addf %mul3A_214, %mul3A_225 : vector<16xf32>
          %get3A_227 = arith.index_cast %scan3A_204 : i32 to index
          %get3A_228 = arith.constant 32 : index
          %get3A_229 = tpu.vector_load %arg20[%get3A_227, %get3A_228] {strides = array<i32>} : memref<40x128xf32, #tpu.memory_space<vmem>>, vector<16xf32>,
          %get3A_230 = arith.index_cast %scan3A_204 : i32 to index
          %get3A_231 = arith.constant 32 : index
          %get3A_232 = tpu.vector_load %arg21[%get3A_230, %get3A_231] {strides = array<i32>} : memref<40x128xf32, #tpu.memory_space<vmem>>, vector<16xf32>,
          %add3A_233 = arith.addf %get3A_229, %get3A_232 : vector<16xf32>
          %max3A_234 = arith.constant 0.000000e+00 : f32
          %max3A_235 = vector.broadcast %max3A_234 : f32 to vector<16xf32>
          %max3A_236 = arith.maximumf %add3A_233, %max3A_235 : vector<16xf32>
          %mul3A_237 = arith.mulf %max3A_236, %get3A_11 : vector<16xf32>
          %add3A_238 = arith.addf %add3A_226, %mul3A_237 : vector<16xf32>
          %get3A_239 = arith.index_cast %scan3A_204 : i32 to index
          %get3A_240 = arith.constant 48 : index
          %get3A_241 = tpu.vector_load %arg20[%get3A_239, %get3A_240] {strides = array<i32>} : memref<40x128xf32, #tpu.memory_space<vmem>>, vector<16xf32>,
          %get3A_242 = arith.index_cast %scan3A_204 : i32 to index
          %get3A_243 = arith.constant 48 : index
          %get3A_244 = tpu.vector_load %arg21[%get3A_242, %get3A_243] {strides = array<i32>} : memref<40x128xf32, #tpu.memory_space<vmem>>, vector<16xf32>,
          %add3A_245 = arith.addf %get3A_241, %get3A_244 : vector<16xf32>
          %max3A_246 = arith.constant 0.000000e+00 : f32
          %max3A_247 = vector.broadcast %max3A_246 : f32 to vector<16xf32>
          %max3A_248 = arith.maximumf %add3A_245, %max3A_247 : vector<16xf32>
          %mul3A_249 = arith.mulf %max3A_248, %get3A_13 : vector<16xf32>
          %add3A_250 = arith.addf %add3A_238, %mul3A_249 : vector<16xf32>
          %get3A_251 = arith.index_cast %scan3A_204 : i32 to index
          %get3A_252 = arith.constant 64 : index
          %get3A_253 = tpu.vector_load %arg20[%get3A_251, %get3A_252] {strides = array<i32>} : memref<40x128xf32, #tpu.memory_space<vmem>>, vector<16xf32>,
          %get3A_254 = arith.index_cast %scan3A_204 : i32 to index
          %get3A_255 = arith.constant 64 : index
          %get3A_256 = tpu.vector_load %arg21[%get3A_254, %get3A_255] {strides = array<i32>} : memref<40x128xf32, #tpu.memory_space<vmem>>, vector<16xf32>,
          %add3A_257 = arith.addf %get3A_253, %get3A_256 : vector<16xf32>
          %max3A_258 = arith.constant 0.000000e+00 : f32
          %max3A_259 = vector.broadcast %max3A_258 : f32 to vector<16xf32>
          %max3A_260 = arith.maximumf %add3A_257, %max3A_259 : vector<16xf32>
          %mul3A_261 = arith.mulf %max3A_260, %get3A_15 : vector<16xf32>
          %add3A_262 = arith.addf %add3A_250, %mul3A_261 : vector<16xf32>
          %get3A_263 = arith.index_cast %scan3A_204 : i32 to index
          %get3A_264 = arith.constant 80 : index
          %get3A_265 = tpu.vector_load %arg20[%get3A_263, %get3A_264] {strides = array<i32>} : memref<40x128xf32, #tpu.memory_space<vmem>>, vector<16xf32>,
          %get3A_266 = arith.index_cast %scan3A_204 : i32 to index
          %get3A_267 = arith.constant 80 : index
          %get3A_268 = tpu.vector_load %arg21[%get3A_266, %get3A_267] {strides = array<i32>} : memref<40x128xf32, #tpu.memory_space<vmem>>, vector<16xf32>,
          %add3A_269 = arith.addf %get3A_265, %get3A_268 : vector<16xf32>
          %max3A_270 = arith.constant 0.000000e+00 : f32
          %max3A_271 = vector.broadcast %max3A_270 : f32 to vector<16xf32>
          %max3A_272 = arith.maximumf %add3A_269, %max3A_271 : vector<16xf32>
          %mul3A_273 = arith.mulf %max3A_272, %get3A_17 : vector<16xf32>
          %add3A_274 = arith.addf %add3A_262, %mul3A_273 : vector<16xf32>
          %get3A_275 = arith.index_cast %scan3A_204 : i32 to index
          %get3A_276 = arith.constant 96 : index
          %get3A_277 = tpu.vector_load %arg20[%get3A_275, %get3A_276] {strides = array<i32>} : memref<40x128xf32, #tpu.memory_space<vmem>>, vector<16xf32>,
          %get3A_278 = arith.index_cast %scan3A_204 : i32 to index
          %get3A_279 = arith.constant 96 : index
          %get3A_280 = tpu.vector_load %arg21[%get3A_278, %get3A_279] {strides = array<i32>} : memref<40x128xf32, #tpu.memory_space<vmem>>, vector<16xf32>,
          %add3A_281 = arith.addf %get3A_277, %get3A_280 : vector<16xf32>
          %max3A_282 = arith.constant 0.000000e+00 : f32
          %max3A_283 = vector.broadcast %max3A_282 : f32 to vector<16xf32>
          %max3A_284 = arith.maximumf %add3A_281, %max3A_283 : vector<16xf32>
          %mul3A_285 = arith.mulf %max3A_284, %get3A_19 : vector<16xf32>
          %add3A_286 = arith.addf %add3A_274, %mul3A_285 : vector<16xf32>
          %get3A_287 = arith.index_cast %scan3A_204 : i32 to index
          %get3A_288 = arith.constant 112 : index
          %get3A_289 = tpu.vector_load %arg20[%get3A_287, %get3A_288] {strides = array<i32>} : memref<40x128xf32, #tpu.memory_space<vmem>>, vector<16xf32>,
          %get3A_290 = arith.index_cast %scan3A_204 : i32 to index
          %get3A_291 = arith.constant 112 : index
          %get3A_292 = tpu.vector_load %arg21[%get3A_290, %get3A_291] {strides = array<i32>} : memref<40x128xf32, #tpu.memory_space<vmem>>, vector<16xf32>,
          %add3A_293 = arith.addf %get3A_289, %get3A_292 : vector<16xf32>
          %max3A_294 = arith.constant 0.000000e+00 : f32
          %max3A_295 = vector.broadcast %max3A_294 : f32 to vector<16xf32>
          %max3A_296 = arith.maximumf %add3A_293, %max3A_295 : vector<16xf32>
          %mul3A_297 = arith.mulf %max3A_296, %get3A_21 : vector<16xf32>
          %add3A_298 = arith.addf %add3A_286, %mul3A_297 : vector<16xf32>
          %reduce_sum3A = arith.constant true
          %reduce_sum3A_299 = vector.broadcast %reduce_sum3A : i1 to vector<16xi1>
          %reduce_sum3A_300 = tpu.scan <sum>, %add3A_298 masked %reduce_sum3A_299 : vector<16xf32>, vector<16xi1> -> vector<16xf32>
          %reduce_sum3A_301 = vector.extract %reduce_sum3A_300[15] : f32 from vector<16xf32>
          %broadcast_in_dim3A = vector.broadcast %reduce_sum3A_301 : f32 to vector<16xf32>
          %add3A_302 = arith.addf %broadcast_in_dim3A, %get3A_23 : vector<16xf32>
          %neg3A = arith.constant 0.000000e+00 : f32
          %neg3A_303 = vector.broadcast %neg3A : f32 to vector<16xf32>
          %neg3A_304 = arith.subf %neg3A_303, %add3A_302 : vector<16xf32>
          %exp3A = math.exp %neg3A_304 : vector<16xf32>
          %add3A_305 = arith.constant 1.000000e+00 : f32
          %add3A_306 = vector.broadcast %add3A_305 : f32 to vector<16xf32>
          %add3A_307 = arith.addf %add3A_306, %exp3A : vector<16xf32>
          %div3A = arith.constant 1.000000e+00 : f32
          %div3A_308 = vector.broadcast %div3A : f32 to vector<16xf32>
          %div3A_309 = arith.divf %div3A_308, %add3A_307 : vector<16xf32>
          %get3A_310 = arith.index_cast %scan3A_204 : i32 to index
          %get3A_311 = arith.constant 0 : index
          %get3A_312 = tpu.vector_load %arg22[%get3A_310, %get3A_311] {strides = array<i32>} : memref<40x128xf32, #tpu.memory_space<vmem>>, vector<16xf32>,
          %mul3A_313 = arith.mulf %get3A_312, %div3A_309 : vector<16xf32>
          %swap3A = arith.index_cast %scan3A_204 : i32 to index
          %swap3A_314 = arith.constant 0 : index
          %swap3A_315 = tpu.vector_load %arg24[%swap3A, %swap3A_314] {strides = array<i32>} : memref<40x128xf32, #tpu.memory_space<vmem>>, vector<16xf32>,
          tpu.vector_store %arg24[%swap3A, %swap3A_314], %mul3A_313 {strides = array<i32>} : memref<40x128xf32, #tpu.memory_space<vmem>>, vector<16xf32>,
          %get3A_316 = arith.index_cast %scan3A_204 : i32 to index
          %get3A_317 = arith.constant 16 : index
          %get3A_318 = tpu.vector_load %arg22[%get3A_316, %get3A_317] {strides = array<i32>} : memref<40x128xf32, #tpu.memory_space<vmem>>, vector<16xf32>,
          %mul3A_319 = arith.mulf %get3A_318, %div3A_309 : vector<16xf32>
          %swap3A_320 = arith.index_cast %scan3A_204 : i32 to index
          %swap3A_321 = arith.constant 16 : index
          %swap3A_322 = tpu.vector_load %arg24[%swap3A_320, %swap3A_321] {strides = array<i32>} : memref<40x128xf32, #tpu.memory_space<vmem>>, vector<16xf32>,
          tpu.vector_store %arg24[%swap3A_320, %swap3A_321], %mul3A_319 {strides = array<i32>} : memref<40x128xf32, #tpu.memory_space<vmem>>, vector<16xf32>,
          %get3A_323 = arith.index_cast %scan3A_204 : i32 to index
          %get3A_324 = arith.constant 32 : index
          %get3A_325 = tpu.vector_load %arg22[%get3A_323, %get3A_324] {strides = array<i32>} : memref<40x128xf32, #tpu.memory_space<vmem>>, vector<16xf32>,
          %mul3A_326 = arith.mulf %get3A_325, %div3A_309 : vector<16xf32>
          %swap3A_327 = arith.index_cast %scan3A_204 : i32 to index
          %swap3A_328 = arith.constant 32 : index
          %swap3A_329 = tpu.vector_load %arg24[%swap3A_327, %swap3A_328] {strides = array<i32>} : memref<40x128xf32, #tpu.memory_space<vmem>>, vector<16xf32>,
          tpu.vector_store %arg24[%swap3A_327, %swap3A_328], %mul3A_326 {strides = array<i32>} : memref<40x128xf32, #tpu.memory_space<vmem>>, vector<16xf32>,
          %get3A_330 = arith.index_cast %scan3A_204 : i32 to index
          %get3A_331 = arith.constant 48 : index
          %get3A_332 = tpu.vector_load %arg22[%get3A_330, %get3A_331] {strides = array<i32>} : memref<40x128xf32, #tpu.memory_space<vmem>>, vector<16xf32>,
          %mul3A_333 = arith.mulf %get3A_332, %div3A_309 : vector<16xf32>
          %swap3A_334 = arith.index_cast %scan3A_204 : i32 to index
          %swap3A_335 = arith.constant 48 : index
          %swap3A_336 = tpu.vector_load %arg24[%swap3A_334, %swap3A_335] {strides = array<i32>} : memref<40x128xf32, #tpu.memory_space<vmem>>, vector<16xf32>,
          tpu.vector_store %arg24[%swap3A_334, %swap3A_335], %mul3A_333 {strides = array<i32>} : memref<40x128xf32, #tpu.memory_space<vmem>>, vector<16xf32>,
          %get3A_337 = arith.index_cast %scan3A_204 : i32 to index
          %get3A_338 = arith.constant 64 : index
          %get3A_339 = tpu.vector_load %arg22[%get3A_337, %get3A_338] {strides = array<i32>} : memref<40x128xf32, #tpu.memory_space<vmem>>, vector<16xf32>,
          %mul3A_340 = arith.mulf %get3A_339, %div3A_309 : vector<16xf32>
          %swap3A_341 = arith.index_cast %scan3A_204 : i32 to index
          %swap3A_342 = arith.constant 64 : index
          %swap3A_343 = tpu.vector_load %arg24[%swap3A_341, %swap3A_342] {strides = array<i32>} : memref<40x128xf32, #tpu.memory_space<vmem>>, vector<16xf32>,
          tpu.vector_store %arg24[%swap3A_341, %swap3A_342], %mul3A_340 {strides = array<i32>} : memref<40x128xf32, #tpu.memory_space<vmem>>, vector<16xf32>,
          %get3A_344 = arith.index_cast %scan3A_204 : i32 to index
          %get3A_345 = arith.constant 80 : index
          %get3A_346 = tpu.vector_load %arg22[%get3A_344, %get3A_345] {strides = array<i32>} : memref<40x128xf32, #tpu.memory_space<vmem>>, vector<16xf32>,
          %mul3A_347 = arith.mulf %get3A_346, %div3A_309 : vector<16xf32>
          %swap3A_348 = arith.index_cast %scan3A_204 : i32 to index
          %swap3A_349 = arith.constant 80 : index
          %swap3A_350 = tpu.vector_load %arg24[%swap3A_348, %swap3A_349] {strides = array<i32>} : memref<40x128xf32, #tpu.memory_space<vmem>>, vector<16xf32>,
          tpu.vector_store %arg24[%swap3A_348, %swap3A_349], %mul3A_347 {strides = array<i32>} : memref<40x128xf32, #tpu.memory_space<vmem>>, vector<16xf32>,
          %get3A_351 = arith.index_cast %scan3A_204 : i32 to index
          %get3A_352 = arith.constant 96 : index
          %get3A_353 = tpu.vector_load %arg22[%get3A_351, %get3A_352] {strides = array<i32>} : memref<40x128xf32, #tpu.memory_space<vmem>>, vector<16xf32>,
          %mul3A_354 = arith.mulf %get3A_353, %div3A_309 : vector<16xf32>
          %swap3A_355 = arith.index_cast %scan3A_204 : i32 to index
          %swap3A_356 = arith.constant 96 : index
          %swap3A_357 = tpu.vector_load %arg24[%swap3A_355, %swap3A_356] {strides = array<i32>} : memref<40x128xf32, #tpu.memory_space<vmem>>, vector<16xf32>,
          tpu.vector_store %arg24[%swap3A_355, %swap3A_356], %mul3A_354 {strides = array<i32>} : memref<40x128xf32, #tpu.memory_space<vmem>>, vector<16xf32>,
          %get3A_358 = arith.index_cast %scan3A_204 : i32 to index
          %get3A_359 = arith.constant 112 : index
          %get3A_360 = tpu.vector_load %arg22[%get3A_358, %get3A_359] {strides = array<i32>} : memref<40x128xf32, #tpu.memory_space<vmem>>, vector<16xf32>,
          %mul3A_361 = arith.mulf %get3A_360, %div3A_309 : vector<16xf32>
          %swap3A_362 = arith.index_cast %scan3A_204 : i32 to index
          %swap3A_363 = arith.constant 112 : index
          %swap3A_364 = tpu.vector_load %arg24[%swap3A_362, %swap3A_363] {strides = array<i32>} : memref<40x128xf32, #tpu.memory_space<vmem>>, vector<16xf32>,
          tpu.vector_store %arg24[%swap3A_362, %swap3A_363], %mul3A_361 {strides = array<i32>} : memref<40x128xf32, #tpu.memory_space<vmem>>, vector<16xf32>,
        }
        %scan3A_192 = arith.constant 40 : i32
        %add3A_193 = arith.constant 1 : i32
        %add3A_194 = arith.addi %mul3A_101, %add3A_193 : i32
        %mul3A_195 = arith.constant 40 : i32
        %mul3A_196 = arith.muli %add3A_194, %mul3A_195 : i32
        %dma_start3A_197 = tpu.memref_slice %arg15[%mul3A_196] : memref<2000xi32, #tpu.memory_space<vmem>> -> memref<40xi32, #tpu.memory_space<vmem>>
        %dma_start3A_198 = arith.constant 0 : i32
        %dma_start3A_199 = arith.constant 0 : i32
        %dma_start3A_200 = tpu.memref_slice %arg25[%dma_start3A_198, %dma_start3A_199] : memref<10112x128xf32, #tpu.memory_space<vmem_shared>> -> memref<10112x128xf32, #tpu.memory_space<vmem_shared>>
        tpu.enqueue_indirect_dma source(%arg24 : memref<40x128xf32, #tpu.memory_space<vmem>>) target(%dma_start3A_200 : memref<10112x128xf32, #tpu.memory_space<vmem_shared>>) offsets(%dma_start3A_197 : memref<40xi32, #tpu.memory_space<vmem>>) semaphore(%arg30 : memref<!tpu.dma_semaphore, #tpu.memory_space<semaphore_mem>>) {add = true}
        %dma_start3A_201 = tpu.memref_slice %arg15[%mul3A_196] : memref<2000xi32, #tpu.memory_space<vmem>> -> memref<40xi32, #tpu.memory_space<vmem>>
        %dma_start3A_202 = arith.constant 0 : i32
        %dma_start3A_203 = tpu.memref_slice %arg26[%dma_start3A_202] : memref<10112xi32, #tpu.memory_space<vmem_shared>> -> memref<10112xi32, #tpu.memory_space<vmem_shared>>
        tpu.enqueue_indirect_dma source(%arg16 : memref<40xi32, #tpu.memory_space<vmem>>) target(%dma_start3A_203 : memref<10112xi32, #tpu.memory_space<vmem_shared>>) offsets(%dma_start3A_201 : memref<40xi32, #tpu.memory_space<vmem>>) semaphore(%arg32 : memref<!tpu.dma_semaphore, #tpu.memory_space<semaphore_mem>>) {add = true}
      }
      %scan3A_66 = arith.constant 25 : i32
      %dma_wait3A = arith.constant 1920 : i32
      %dma_wait3A_67 = tpu.memref_slice %arg15[%dma_wait3A] : memref<2000xi32, #tpu.memory_space<vmem>> -> memref<40xi32, #tpu.memory_space<vmem>>
      %dma_wait3A_68 = arith.constant 0 : i32
      %dma_wait3A_69 = arith.constant 0 : i32
      %dma_wait3A_70 = tpu.memref_slice %arg2[%dma_wait3A_68, %dma_wait3A_69] : memref<10000x128xf32, #tpu.memory_space<hbm>> -> memref<10000x128xf32, #tpu.memory_space<hbm>>
      tpu.wait_indirect_dma semaphore(%arg27 : memref<!tpu.dma_semaphore, #tpu.memory_space<semaphore_mem>>) src(%dma_wait3A_70 : memref<10000x128xf32, #tpu.memory_space<hbm>>) dst(%arg17 : memref<40x128xf32, #tpu.memory_space<vmem>>)
      %dma_wait3A_71 = arith.constant 1920 : i32
      %dma_wait3A_72 = tpu.memref_slice %arg14[%dma_wait3A_71] : memref<2000xi32, #tpu.memory_space<vmem>> -> memref<40xi32, #tpu.memory_space<vmem>>
      %dma_wait3A_73 = arith.constant 0 : i32
      %dma_wait3A_74 = arith.constant 0 : i32
      %dma_wait3A_75 = tpu.memref_slice %arg3[%dma_wait3A_73, %dma_wait3A_74] : memref<10000x128xf32, #tpu.memory_space<hbm>> -> memref<10000x128xf32, #tpu.memory_space<hbm>>
      tpu.wait_indirect_dma semaphore(%arg27 : memref<!tpu.dma_semaphore, #tpu.memory_space<semaphore_mem>>) src(%dma_wait3A_75 : memref<10000x128xf32, #tpu.memory_space<hbm>>) dst(%arg18 : memref<40x128xf32, #tpu.memory_space<vmem>>)
      %dma_wait3A_76 = arith.constant 1920 : i32
      %dma_wait3A_77 = tpu.memref_slice %arg14[%dma_wait3A_76] : memref<2000xi32, #tpu.memory_space<vmem>> -> memref<40xi32, #tpu.memory_space<vmem>>
      %dma_wait3A_78 = arith.constant 0 : i32
      %dma_wait3A_79 = arith.constant 0 : i32
      %dma_wait3A_80 = tpu.memref_slice %arg4[%dma_wait3A_78, %dma_wait3A_79] : memref<10000x128xf32, #tpu.memory_space<hbm>> -> memref<10000x128xf32, #tpu.memory_space<hbm>>
      tpu.wait_indirect_dma semaphore(%arg27 : memref<!tpu.dma_semaphore, #tpu.memory_space<semaphore_mem>>) src(%dma_wait3A_80 : memref<10000x128xf32, #tpu.memory_space<hbm>>) dst(%arg19 : memref<40x128xf32, #tpu.memory_space<vmem>>)
      %dma_wait3A_81 = arith.constant 1920 : i32
      %dma_wait3A_82 = tpu.memref_slice %arg15[%dma_wait3A_81] : memref<2000xi32, #tpu.memory_space<vmem>> -> memref<40xi32, #tpu.memory_space<vmem>>
      %dma_wait3A_83 = arith.constant 0 : i32
      %dma_wait3A_84 = arith.constant 0 : i32
      %dma_wait3A_85 = tpu.memref_slice %arg25[%dma_wait3A_83, %dma_wait3A_84] : memref<10112x128xf32, #tpu.memory_space<vmem_shared>> -> memref<10112x128xf32, #tpu.memory_space<vmem_shared>>
      tpu.wait_indirect_dma semaphore(%arg29 : memref<!tpu.dma_semaphore, #tpu.memory_space<semaphore_mem>>) src(%arg23 : memref<40x128xf32, #tpu.memory_space<vmem>>) dst(%dma_wait3A_85 : memref<10112x128xf32, #tpu.memory_space<vmem_shared>>)
      %dma_wait3A_86 = arith.constant 1920 : i32
      %dma_wait3A_87 = tpu.memref_slice %arg15[%dma_wait3A_86] : memref<2000xi32, #tpu.memory_space<vmem>> -> memref<40xi32, #tpu.memory_space<vmem>>
      %dma_wait3A_88 = arith.constant 0 : i32
      %dma_wait3A_89 = tpu.memref_slice %arg26[%dma_wait3A_88] : memref<10112xi32, #tpu.memory_space<vmem_shared>> -> memref<10112xi32, #tpu.memory_space<vmem_shared>>
      tpu.wait_indirect_dma semaphore(%arg31 : memref<!tpu.dma_semaphore, #tpu.memory_space<semaphore_mem>>) src(%arg16 : memref<40xi32, #tpu.memory_space<vmem>>) dst(%dma_wait3A_89 : memref<10112xi32, #tpu.memory_space<vmem_shared>>)
      %dma_wait3A_90 = arith.constant 1960 : i32
      %dma_wait3A_91 = tpu.memref_slice %arg15[%dma_wait3A_90] : memref<2000xi32, #tpu.memory_space<vmem>> -> memref<40xi32, #tpu.memory_space<vmem>>
      %dma_wait3A_92 = arith.constant 0 : i32
      %dma_wait3A_93 = arith.constant 0 : i32
      %dma_wait3A_94 = tpu.memref_slice %arg25[%dma_wait3A_92, %dma_wait3A_93] : memref<10112x128xf32, #tpu.memory_space<vmem_shared>> -> memref<10112x128xf32, #tpu.memory_space<vmem_shared>>
      tpu.wait_indirect_dma semaphore(%arg30 : memref<!tpu.dma_semaphore, #tpu.memory_space<semaphore_mem>>) src(%arg24 : memref<40x128xf32, #tpu.memory_space<vmem>>) dst(%dma_wait3A_94 : memref<10112x128xf32, #tpu.memory_space<vmem_shared>>)
      %dma_wait3A_95 = arith.constant 1960 : i32
      %dma_wait3A_96 = tpu.memref_slice %arg15[%dma_wait3A_95] : memref<2000xi32, #tpu.memory_space<vmem>> -> memref<40xi32, #tpu.memory_space<vmem>>
      %dma_wait3A_97 = arith.constant 0 : i32
      %dma_wait3A_98 = tpu.memref_slice %arg26[%dma_wait3A_97] : memref<10112xi32, #tpu.memory_space<vmem_shared>> -> memref<10112xi32, #tpu.memory_space<vmem_shared>>
      tpu.wait_indirect_dma semaphore(%arg32 : memref<!tpu.dma_semaphore, #tpu.memory_space<semaphore_mem>>) src(%arg16 : memref<40xi32, #tpu.memory_space<vmem>>) dst(%dma_wait3A_98 : memref<10112xi32, #tpu.memory_space<vmem_shared>>)
    }
    %scan3A_28 = arith.constant 5 : i32
    %barrier3A_29 = arith.constant 0 : index
    tpu.barrier barrier_id(%barrier3A_29)
    %mul3A_30 = arith.constant 632 : i32
    %mul3A_31 = arith.muli %arg1, %mul3A_30 : i32
    %mul3A_32 = arith.constant 632 : i32
    %mul3A_33 = arith.muli %arg1, %mul3A_32 : i32
    "tpu.region"() ({
      %run_scoped3A = tpu.sem_alloc : memref<!tpu.dma_semaphore, #tpu.memory_space<semaphore_mem>>
      %dma_start3A = arith.constant 0 : i32
      %dma_start3A_41 = tpu.memref_slice %arg11[%arg0, %mul3A_33, %dma_start3A] : memref<2x10112x128xf32, #tpu.memory_space<hbm>> -> memref<1x632x128xf32, #tpu.memory_space<hbm>>
      %dma_start3A_42 = tpu.memref_squeeze %dma_start3A_41 : memref<1x632x128xf32, #tpu.memory_space<hbm>> -> memref<632x128xf32, #tpu.memory_space<hbm>>
      %dma_start3A_43 = arith.constant 0 : i32
      %dma_start3A_44 = tpu.memref_slice %arg25[%mul3A_31, %dma_start3A_43] : memref<10112x128xf32, #tpu.memory_space<vmem_shared>> -> memref<632x128xf32, #tpu.memory_space<vmem_shared>>
      tpu.enqueue_dma source(%dma_start3A_44 : memref<632x128xf32, #tpu.memory_space<vmem_shared>>) target(%dma_start3A_42 : memref<632x128xf32, #tpu.memory_space<hbm>>) target_semaphore(%run_scoped3A : memref<!tpu.dma_semaphore, #tpu.memory_space<semaphore_mem>>)
      %dma_wait3A = arith.constant 0 : i32
      %dma_wait3A_45 = tpu.memref_slice %arg11[%arg0, %mul3A_33, %dma_wait3A] : memref<2x10112x128xf32, #tpu.memory_space<hbm>> -> memref<1x632x128xf32, #tpu.memory_space<hbm>>
      %dma_wait3A_46 = tpu.memref_squeeze %dma_wait3A_45 : memref<1x632x128xf32, #tpu.memory_space<hbm>> -> memref<632x128xf32, #tpu.memory_space<hbm>>
      %dma_wait3A_47 = arith.constant 0 : i32
      %dma_wait3A_48 = tpu.memref_slice %arg25[%mul3A_31, %dma_wait3A_47] : memref<10112x128xf32, #tpu.memory_space<vmem_shared>> -> memref<632x128xf32, #tpu.memory_space<vmem_shared>>
      tpu.wait_dma2 semaphore(%run_scoped3A : memref<!tpu.dma_semaphore, #tpu.memory_space<semaphore_mem>>) src(%dma_wait3A_48 : memref<632x128xf32, #tpu.memory_space<vmem_shared>>) dst(%dma_wait3A_46 : memref<632x128xf32, #tpu.memory_space<hbm>>)
      tpu.yield
    }) : () -> ()
    %mul3A_34 = arith.constant 632 : i32
    %mul3A_35 = arith.muli %arg1, %mul3A_34 : i32
    "tpu.region"() ({
      %run_scoped3A = tpu.sem_alloc : memref<!tpu.dma_semaphore, #tpu.memory_space<semaphore_mem>>
      %dma_start3A = arith.constant 0 : i32
      %dma_start3A_41 = tpu.memref_slice %arg14[%dma_start3A] : memref<2000xi32, #tpu.memory_space<vmem>> -> memref<632xi32, #tpu.memory_space<vmem>>
      %dma_start3A_42 = tpu.memref_slice %arg26[%mul3A_35] : memref<10112xi32, #tpu.memory_space<vmem_shared>> -> memref<632xi32, #tpu.memory_space<vmem_shared>>
      %dma_start3A_43 = arith.constant 0 : i32
      %dma_start3A_44 = tpu.memref_slice %arg14[%dma_start3A_43] : memref<2000xi32, #tpu.memory_space<vmem>> -> memref<632xi32, #tpu.memory_space<vmem>>
      %dma_start3A_45 = tpu.memref_slice %arg26[%mul3A_35] : memref<10112xi32, #tpu.memory_space<vmem_shared>> -> memref<632xi32, #tpu.memory_space<vmem_shared>>
      tpu.enqueue_dma source(%dma_start3A_45 : memref<632xi32, #tpu.memory_space<vmem_shared>>) target(%dma_start3A_44 : memref<632xi32, #tpu.memory_space<vmem>>) target_semaphore(%run_scoped3A : memref<!tpu.dma_semaphore, #tpu.memory_space<semaphore_mem>>)
      %dma_wait3A = arith.constant 0 : i32
      %dma_wait3A_46 = tpu.memref_slice %arg14[%dma_wait3A] : memref<2000xi32, #tpu.memory_space<vmem>> -> memref<632xi32, #tpu.memory_space<vmem>>
      %dma_wait3A_47 = tpu.memref_slice %arg26[%mul3A_35] : memref<10112xi32, #tpu.memory_space<vmem_shared>> -> memref<632xi32, #tpu.memory_space<vmem_shared>>
      %dma_wait3A_48 = arith.constant 0 : i32
      %dma_wait3A_49 = tpu.memref_slice %arg14[%dma_wait3A_48] : memref<2000xi32, #tpu.memory_space<vmem>> -> memref<632xi32, #tpu.memory_space<vmem>>
      %dma_wait3A_50 = tpu.memref_slice %arg26[%mul3A_35] : memref<10112xi32, #tpu.memory_space<vmem_shared>> -> memref<632xi32, #tpu.memory_space<vmem_shared>>
      tpu.wait_dma2 semaphore(%run_scoped3A : memref<!tpu.dma_semaphore, #tpu.memory_space<semaphore_mem>>) src(%dma_wait3A_50 : memref<632xi32, #tpu.memory_space<vmem_shared>>) dst(%dma_wait3A_49 : memref<632xi32, #tpu.memory_space<vmem>>)
      tpu.yield
    }) : () -> ()
    %mul3A_36 = arith.constant 10112 : i32
    %mul3A_37 = arith.muli %arg0, %mul3A_36 : i32
    %mul3A_38 = arith.constant 632 : i32
    %mul3A_39 = arith.muli %arg1, %mul3A_38 : i32
    %add3A_40 = arith.addi %mul3A_37, %mul3A_39 : i32
    "tpu.region"() ({
      %run_scoped3A = tpu.sem_alloc : memref<!tpu.dma_semaphore, #tpu.memory_space<semaphore_mem>>
      %dma_start3A = arith.constant 0 : i32
      %dma_start3A_41 = tpu.memref_slice %arg14[%dma_start3A] : memref<2000xi32, #tpu.memory_space<vmem>> -> memref<632xi32, #tpu.memory_space<vmem>>
      %dma_start3A_42 = tpu.memref_slice %arg12[%add3A_40] : memref<20224xi32, #tpu.memory_space<hbm>> -> memref<632xi32, #tpu.memory_space<hbm>>
      %dma_start3A_43 = tpu.memref_slice %arg12[%add3A_40] : memref<20224xi32, #tpu.memory_space<hbm>> -> memref<632xi32, #tpu.memory_space<hbm>>
      %dma_start3A_44 = arith.constant 0 : i32
      %dma_start3A_45 = tpu.memref_slice %arg14[%dma_start3A_44] : memref<2000xi32, #tpu.memory_space<vmem>> -> memref<632xi32, #tpu.memory_space<vmem>>
      tpu.enqueue_dma source(%dma_start3A_45 : memref<632xi32, #tpu.memory_space<vmem>>) target(%dma_start3A_43 : memref<632xi32, #tpu.memory_space<hbm>>) target_semaphore(%run_scoped3A : memref<!tpu.dma_semaphore, #tpu.memory_space<semaphore_mem>>)
      %dma_wait3A = arith.constant 0 : i32
      %dma_wait3A_46 = tpu.memref_slice %arg14[%dma_wait3A] : memref<2000xi32, #tpu.memory_space<vmem>> -> memref<632xi32, #tpu.memory_space<vmem>>
      %dma_wait3A_47 = tpu.memref_slice %arg12[%add3A_40] : memref<20224xi32, #tpu.memory_space<hbm>> -> memref<632xi32, #tpu.memory_space<hbm>>
      %dma_wait3A_48 = tpu.memref_slice %arg12[%add3A_40] : memref<20224xi32, #tpu.memory_space<hbm>> -> memref<632xi32, #tpu.memory_space<hbm>>
      %dma_wait3A_49 = arith.constant 0 : i32
      %dma_wait3A_50 = tpu.memref_slice %arg14[%dma_wait3A_49] : memref<2000xi32, #tpu.memory_space<vmem>> -> memref<632xi32, #tpu.memory_space<vmem>>
      tpu.wait_dma2 semaphore(%run_scoped3A : memref<!tpu.dma_semaphore, #tpu.memory_space<semaphore_mem>>) src(%dma_wait3A_50 : memref<632xi32, #tpu.memory_space<vmem>>) dst(%dma_wait3A_48 : memref<632xi32, #tpu.memory_space<hbm>>)
      tpu.yield
    }) : () -> ()
    return
  }
}

#map = affine_map<(d0, d1) -> (0, 0)>
#map1 = affine_map<(d0, d1) -> (0)>
#map2 = affine_map<(d0, d1) -> (0, 0, 0)>
module attributes {stable_mosaic.version = 14 : i64} {
  func.func @_edge_body(%arg0: i32, %arg1: i32, %arg2: memref<10000x128xf32, #tpu.memory_space<hbm>>, %arg3: memref<10000x128xf32, #tpu.memory_space<hbm>>, %arg4: memref<10000x128xf32, #tpu.memory_space<hbm>>, %arg5: memref<320000xi32, #tpu.memory_space<hbm>>, %arg6: memref<320000xi32, #tpu.memory_space<hbm>>, %arg7: memref<144xf32, #tpu.memory_space<hbm>>, %arg8: memref<632x128xf32, #tpu.memory_space<hbm>>, %arg9: memref<10112xi32, #tpu.memory_space<hbm>>, %arg10: memref<40xi32, #tpu.memory_space<hbm>>, %arg11: memref<2x10112x128xf32, #tpu.memory_space<hbm>>, %arg12: memref<20224xi32, #tpu.memory_space<hbm>>, %arg13: memref<144xf32, #tpu.memory_space<vmem>>, %arg14: memref<2000xi32, #tpu.memory_space<vmem>>, %arg15: memref<2000xi32, #tpu.memory_space<vmem>>, %arg16: memref<40xi32, #tpu.memory_space<vmem>>, %arg17: memref<40x128xf32, #tpu.memory_space<vmem>>, %arg18: memref<40x128xf32, #tpu.memory_space<vmem>>, %arg19: memref<40x128xf32, #tpu.memory_space<vmem>>, %arg20: memref<40x128xf32, #tpu.memory_space<vmem>>, %arg21: memref<40x128xf32, #tpu.memory_space<vmem>>, %arg22: memref<40x128xf32, #tpu.memory_space<vmem>>, %arg23: memref<40x128xf32, #tpu.memory_space<vmem>>, %arg24: memref<40x128xf32, #tpu.memory_space<vmem>>, %arg25: memref<10112x128xf32, #tpu.memory_space<vmem_shared>>, %arg26: memref<10112xi32, #tpu.memory_space<vmem_shared>>, %arg27: memref<!tpu.dma_semaphore, #tpu.memory_space<semaphore_mem>>, %arg28: memref<!tpu.dma_semaphore, #tpu.memory_space<semaphore_mem>>, %arg29: memref<!tpu.dma_semaphore, #tpu.memory_space<semaphore_mem>>, %arg30: memref<!tpu.dma_semaphore, #tpu.memory_space<semaphore_mem>>, %arg31: memref<!tpu.dma_semaphore, #tpu.memory_space<semaphore_mem>>, %arg32: memref<!tpu.dma_semaphore, #tpu.memory_space<semaphore_mem>>) attributes {dimension_semantics = [#tpu.dimension_semantics<core_parallel>, #tpu.dimension_semantics<subcore_parallel>], iteration_bounds = array<i64: 2, 16>, scalar_prefetch = 0 : i64, scratch_operands = 20 : i64, tpu.core_type = #tpu.core_type<sc_vector_subcore>, window_params = [{transform_indices = #map}, {transform_indices = #map}, {transform_indices = #map}, {transform_indices = #map1}, {transform_indices = #map1}, {transform_indices = #map1}, {transform_indices = #map}, {transform_indices = #map1}, {transform_indices = #map1}, {transform_indices = #map2}, {transform_indices = #map1}]} {
    %mul3A = arith.constant 16 : i32
    %mul3A_0 = arith.muli %arg0, %mul3A : i32
    %add3A = arith.addi %mul3A_0, %arg1 : i32
    %mul3A_1 = arith.constant 632 : i32
    %mul3A_2 = arith.muli %arg1, %mul3A_1 : i32
    "tpu.region"() ({
      %run_scoped3A = tpu.sem_alloc : memref<!tpu.dma_semaphore, #tpu.memory_space<semaphore_mem>>
      %dma_start3A = arith.constant 0 : i32
      %dma_start3A_41 = tpu.memref_slice %arg25[%mul3A_2, %dma_start3A] : memref<10112x128xf32, #tpu.memory_space<vmem_shared>> -> memref<632x128xf32, #tpu.memory_space<vmem_shared>>
      tpu.enqueue_dma source(%arg8 : memref<632x128xf32, #tpu.memory_space<hbm>>) target(%dma_start3A_41 : memref<632x128xf32, #tpu.memory_space<vmem_shared>>) target_semaphore(%run_scoped3A : memref<!tpu.dma_semaphore, #tpu.memory_space<semaphore_mem>>)
      %dma_wait3A = arith.constant 0 : i32
      %dma_wait3A_42 = tpu.memref_slice %arg25[%mul3A_2, %dma_wait3A] : memref<10112x128xf32, #tpu.memory_space<vmem_shared>> -> memref<632x128xf32, #tpu.memory_space<vmem_shared>>
      tpu.wait_dma2 semaphore(%run_scoped3A : memref<!tpu.dma_semaphore, #tpu.memory_space<semaphore_mem>>) src(%arg8 : memref<632x128xf32, #tpu.memory_space<hbm>>) dst(%dma_wait3A_42 : memref<632x128xf32, #tpu.memory_space<vmem_shared>>)
      tpu.yield
    }) : () -> ()
    %mul3A_3 = arith.constant 632 : i32
    %mul3A_4 = arith.muli %arg1, %mul3A_3 : i32
    "tpu.region"() ({
      %run_scoped3A = tpu.sem_alloc : memref<!tpu.dma_semaphore, #tpu.memory_space<semaphore_mem>>
      %dma_start3A = arith.constant 0 : i32
      %dma_start3A_41 = tpu.memref_slice %arg14[%dma_start3A] : memref<2000xi32, #tpu.memory_space<vmem>> -> memref<632xi32, #tpu.memory_space<vmem>>
      %dma_start3A_42 = tpu.memref_slice %arg9[%mul3A_4] : memref<10112xi32, #tpu.memory_space<hbm>> -> memref<632xi32, #tpu.memory_space<hbm>>
      %dma_start3A_43 = arith.constant 0 : i32
      %dma_start3A_44 = tpu.memref_slice %arg14[%dma_start3A_43] : memref<2000xi32, #tpu.memory_space<vmem>> -> memref<632xi32, #tpu.memory_space<vmem>>
      %dma_start3A_45 = tpu.memref_slice %arg9[%mul3A_4] : memref<10112xi32, #tpu.memory_space<hbm>> -> memref<632xi32, #tpu.memory_space<hbm>>
      tpu.enqueue_dma source(%dma_start3A_45 : memref<632xi32, #tpu.memory_space<hbm>>) target(%dma_start3A_44 : memref<632xi32, #tpu.memory_space<vmem>>) target_semaphore(%run_scoped3A : memref<!tpu.dma_semaphore, #tpu.memory_space<semaphore_mem>>)
      %dma_wait3A = arith.constant 0 : i32
      %dma_wait3A_46 = tpu.memref_slice %arg14[%dma_wait3A] : memref<2000xi32, #tpu.memory_space<vmem>> -> memref<632xi32, #tpu.memory_space<vmem>>
      %dma_wait3A_47 = tpu.memref_slice %arg9[%mul3A_4] : memref<10112xi32, #tpu.memory_space<hbm>> -> memref<632xi32, #tpu.memory_space<hbm>>
      %dma_wait3A_48 = arith.constant 0 : i32
      %dma_wait3A_49 = tpu.memref_slice %arg14[%dma_wait3A_48] : memref<2000xi32, #tpu.memory_space<vmem>> -> memref<632xi32, #tpu.memory_space<vmem>>
      %dma_wait3A_50 = tpu.memref_slice %arg9[%mul3A_4] : memref<10112xi32, #tpu.memory_space<hbm>> -> memref<632xi32, #tpu.memory_space<hbm>>
      tpu.wait_dma2 semaphore(%run_scoped3A : memref<!tpu.dma_semaphore, #tpu.memory_space<semaphore_mem>>) src(%dma_wait3A_50 : memref<632xi32, #tpu.memory_space<hbm>>) dst(%dma_wait3A_49 : memref<632xi32, #tpu.memory_space<vmem>>)
      tpu.yield
    }) : () -> ()
    %mul3A_5 = arith.constant 632 : i32
    %mul3A_6 = arith.muli %arg1, %mul3A_5 : i32
    "tpu.region"() ({
      %run_scoped3A = tpu.sem_alloc : memref<!tpu.dma_semaphore, #tpu.memory_space<semaphore_mem>>
      %dma_start3A = arith.constant 0 : i32
      %dma_start3A_41 = tpu.memref_slice %arg14[%dma_start3A] : memref<2000xi32, #tpu.memory_space<vmem>> -> memref<632xi32, #tpu.memory_space<vmem>>
      %dma_start3A_42 = tpu.memref_slice %arg26[%mul3A_6] : memref<10112xi32, #tpu.memory_space<vmem_shared>> -> memref<632xi32, #tpu.memory_space<vmem_shared>>
      %dma_start3A_43 = tpu.memref_slice %arg26[%mul3A_6] : memref<10112xi32, #tpu.memory_space<vmem_shared>> -> memref<632xi32, #tpu.memory_space<vmem_shared>>
      %dma_start3A_44 = arith.constant 0 : i32
      %dma_start3A_45 = tpu.memref_slice %arg14[%dma_start3A_44] : memref<2000xi32, #tpu.memory_space<vmem>> -> memref<632xi32, #tpu.memory_space<vmem>>
      tpu.enqueue_dma source(%dma_start3A_45 : memref<632xi32, #tpu.memory_space<vmem>>) target(%dma_start3A_43 : memref<632xi32, #tpu.memory_space<vmem_shared>>) target_semaphore(%run_scoped3A : memref<!tpu.dma_semaphore, #tpu.memory_space<semaphore_mem>>)
      %dma_wait3A = arith.constant 0 : i32
      %dma_wait3A_46 = tpu.memref_slice %arg14[%dma_wait3A] : memref<2000xi32, #tpu.memory_space<vmem>> -> memref<632xi32, #tpu.memory_space<vmem>>
      %dma_wait3A_47 = tpu.memref_slice %arg26[%mul3A_6] : memref<10112xi32, #tpu.memory_space<vmem_shared>> -> memref<632xi32, #tpu.memory_space<vmem_shared>>
      %dma_wait3A_48 = tpu.memref_slice %arg26[%mul3A_6] : memref<10112xi32, #tpu.memory_space<vmem_shared>> -> memref<632xi32, #tpu.memory_space<vmem_shared>>
      %dma_wait3A_49 = arith.constant 0 : i32
      %dma_wait3A_50 = tpu.memref_slice %arg14[%dma_wait3A_49] : memref<2000xi32, #tpu.memory_space<vmem>> -> memref<632xi32, #tpu.memory_space<vmem>>
      tpu.wait_dma2 semaphore(%run_scoped3A : memref<!tpu.dma_semaphore, #tpu.memory_space<semaphore_mem>>) src(%dma_wait3A_50 : memref<632xi32, #tpu.memory_space<vmem>>) dst(%dma_wait3A_48 : memref<632xi32, #tpu.memory_space<vmem_shared>>)
      tpu.yield
    }) : () -> ()
    "tpu.region"() ({
      %run_scoped3A = tpu.sem_alloc : memref<!tpu.dma_semaphore, #tpu.memory_space<semaphore_mem>>
      tpu.enqueue_dma source(%arg7 : memref<144xf32, #tpu.memory_space<hbm>>) target(%arg13 : memref<144xf32, #tpu.memory_space<vmem>>) target_semaphore(%run_scoped3A : memref<!tpu.dma_semaphore, #tpu.memory_space<semaphore_mem>>)
      tpu.wait_dma2 semaphore(%run_scoped3A : memref<!tpu.dma_semaphore, #tpu.memory_space<semaphore_mem>>) src(%arg7 : memref<144xf32, #tpu.memory_space<hbm>>) dst(%arg13 : memref<144xf32, #tpu.memory_space<vmem>>)
      tpu.yield
    }) : () -> ()
    "tpu.region"() ({
      %run_scoped3A = tpu.sem_alloc : memref<!tpu.dma_semaphore, #tpu.memory_space<semaphore_mem>>
      tpu.enqueue_dma source(%arg10 : memref<40xi32, #tpu.memory_space<hbm>>) target(%arg16 : memref<40xi32, #tpu.memory_space<vmem>>) target_semaphore(%run_scoped3A : memref<!tpu.dma_semaphore, #tpu.memory_space<semaphore_mem>>)
      tpu.wait_dma2 semaphore(%run_scoped3A : memref<!tpu.dma_semaphore, #tpu.memory_space<semaphore_mem>>) src(%arg10 : memref<40xi32, #tpu.memory_space<hbm>>) dst(%arg16 : memref<40xi32, #tpu.memory_space<vmem>>)
      tpu.yield
    }) : () -> ()
    %get3A = arith.constant 0 : index
    %get3A_7 = tpu.vector_load %arg13[%get3A] {strides = array<i32>} : memref<144xf32, #tpu.memory_space<vmem>>, vector<16xf32>,
    %get3A_8 = arith.constant 16 : index
    %get3A_9 = tpu.vector_load %arg13[%get3A_8] {strides = array<i32>} : memref<144xf32, #tpu.memory_space<vmem>>, vector<16xf32>,
    %get3A_10 = arith.constant 32 : index
    %get3A_11 = tpu.vector_load %arg13[%get3A_10] {strides = array<i32>} : memref<144xf32, #tpu.memory_space<vmem>>, vector<16xf32>,
    %get3A_12 = arith.constant 48 : index
    %get3A_13 = tpu.vector_load %arg13[%get3A_12] {strides = array<i32>} : memref<144xf32, #tpu.memory_space<vmem>>, vector<16xf32>,
    %get3A_14 = arith.constant 64 : index
    %get3A_15 = tpu.vector_load %arg13[%get3A_14] {strides = array<i32>} : memref<144xf32, #tpu.memory_space<vmem>>, vector<16xf32>,
    %get3A_16 = arith.constant 80 : index
    %get3A_17 = tpu.vector_load %arg13[%get3A_16] {strides = array<i32>} : memref<144xf32, #tpu.memory_space<vmem>>, vector<16xf32>,
    %get3A_18 = arith.constant 96 : index
    %get3A_19 = tpu.vector_load %arg13[%get3A_18] {strides = array<i32>} : memref<144xf32, #tpu.memory_space<vmem>>, vector<16xf32>,
    %get3A_20 = arith.constant 112 : index
    %get3A_21 = tpu.vector_load %arg13[%get3A_20] {strides = array<i32>} : memref<144xf32, #tpu.memory_space<vmem>>, vector<16xf32>,
    %get3A_22 = arith.constant 128 : index
    %get3A_23 = tpu.vector_load %arg13[%get3A_22] {strides = array<i32>} : memref<144xf32, #tpu.memory_space<vmem>>, vector<16xf32>,
    %barrier3A = arith.constant 0 : index
    tpu.barrier barrier_id(%barrier3A)
    %scan3A = arith.constant 0 : i32
    %scan3A_24 = arith.constant 0 : i32
    %scan3A_25 = arith.constant 5 : i32
    %scan3A_26 = arith.addi %scan3A_24, %scan3A_25 : i32
    %scan3A_27 = arith.constant 1 : i32
    scf.for %scan3A_41 = %scan3A_24 to %scan3A_26 step %scan3A_27  : i32 {
      %mul3A_42 = arith.constant 10000 : i32
      %mul3A_43 = arith.muli %add3A, %mul3A_42 : i32
      %mul3A_44 = arith.constant 2000 : i32
      %mul3A_45 = arith.muli %scan3A_41, %mul3A_44 : i32
      %add3A_46 = arith.addi %mul3A_43, %mul3A_45 : i32
      "tpu.region"() ({
        %run_scoped3A = tpu.sem_alloc : memref<!tpu.dma_semaphore, #tpu.memory_space<semaphore_mem>>
        %dma_start3A_99 = tpu.memref_slice %arg5[%add3A_46] : memref<320000xi32, #tpu.memory_space<hbm>> -> memref<2000xi32, #tpu.memory_space<hbm>>
        %dma_start3A_100 = tpu.memref_slice %arg5[%add3A_46] : memref<320000xi32, #tpu.memory_space<hbm>> -> memref<2000xi32, #tpu.memory_space<hbm>>
        tpu.enqueue_dma source(%dma_start3A_100 : memref<2000xi32, #tpu.memory_space<hbm>>) target(%arg14 : memref<2000xi32, #tpu.memory_space<vmem>>) target_semaphore(%run_scoped3A : memref<!tpu.dma_semaphore, #tpu.memory_space<semaphore_mem>>)
        %dma_wait3A_101 = tpu.memref_slice %arg5[%add3A_46] : memref<320000xi32, #tpu.memory_space<hbm>> -> memref<2000xi32, #tpu.memory_space<hbm>>
        %dma_wait3A_102 = tpu.memref_slice %arg5[%add3A_46] : memref<320000xi32, #tpu.memory_space<hbm>> -> memref<2000xi32, #tpu.memory_space<hbm>>
        tpu.wait_dma2 semaphore(%run_scoped3A : memref<!tpu.dma_semaphore, #tpu.memory_space<semaphore_mem>>) src(%dma_wait3A_102 : memref<2000xi32, #tpu.memory_space<hbm>>) dst(%arg14 : memref<2000xi32, #tpu.memory_space<vmem>>)
        tpu.yield
      }) : () -> ()
      "tpu.region"() ({
        %run_scoped3A = tpu.sem_alloc : memref<!tpu.dma_semaphore, #tpu.memory_space<semaphore_mem>>
        %dma_start3A_99 = tpu.memref_slice %arg6[%add3A_46] : memref<320000xi32, #tpu.memory_space<hbm>> -> memref<2000xi32, #tpu.memory_space<hbm>>
        %dma_start3A_100 = tpu.memref_slice %arg6[%add3A_46] : memref<320000xi32, #tpu.memory_space<hbm>> -> memref<2000xi32, #tpu.memory_space<hbm>>
        tpu.enqueue_dma source(%dma_start3A_100 : memref<2000xi32, #tpu.memory_space<hbm>>) target(%arg15 : memref<2000xi32, #tpu.memory_space<vmem>>) target_semaphore(%run_scoped3A : memref<!tpu.dma_semaphore, #tpu.memory_space<semaphore_mem>>)
        %dma_wait3A_101 = tpu.memref_slice %arg6[%add3A_46] : memref<320000xi32, #tpu.memory_space<hbm>> -> memref<2000xi32, #tpu.memory_space<hbm>>
        %dma_wait3A_102 = tpu.memref_slice %arg6[%add3A_46] : memref<320000xi32, #tpu.memory_space<hbm>> -> memref<2000xi32, #tpu.memory_space<hbm>>
        tpu.wait_dma2 semaphore(%run_scoped3A : memref<!tpu.dma_semaphore, #tpu.memory_space<semaphore_mem>>) src(%dma_wait3A_102 : memref<2000xi32, #tpu.memory_space<hbm>>) dst(%arg15 : memref<2000xi32, #tpu.memory_space<vmem>>)
        tpu.yield
      }) : () -> ()
      %dma_start3A = arith.constant 0 : i32
      %dma_start3A_47 = tpu.memref_slice %arg15[%dma_start3A] : memref<2000xi32, #tpu.memory_space<vmem>> -> memref<40xi32, #tpu.memory_space<vmem>>
      %dma_start3A_48 = arith.constant 0 : i32
      %dma_start3A_49 = arith.constant 0 : i32
      %dma_start3A_50 = tpu.memref_slice %arg2[%dma_start3A_48, %dma_start3A_49] : memref<10000x128xf32, #tpu.memory_space<hbm>> -> memref<10000x128xf32, #tpu.memory_space<hbm>>
      tpu.enqueue_indirect_dma source(%dma_start3A_50 : memref<10000x128xf32, #tpu.memory_space<hbm>>) target(%arg17 : memref<40x128xf32, #tpu.memory_space<vmem>>) offsets(%dma_start3A_47 : memref<40xi32, #tpu.memory_space<vmem>>) semaphore(%arg27 : memref<!tpu.dma_semaphore, #tpu.memory_space<semaphore_mem>>)
      %dma_start3A_51 = arith.constant 0 : i32
      %dma_start3A_52 = tpu.memref_slice %arg14[%dma_start3A_51] : memref<2000xi32, #tpu.memory_space<vmem>> -> memref<40xi32, #tpu.memory_space<vmem>>
      %dma_start3A_53 = arith.constant 0 : i32
      %dma_start3A_54 = arith.constant 0 : i32
      %dma_start3A_55 = tpu.memref_slice %arg3[%dma_start3A_53, %dma_start3A_54] : memref<10000x128xf32, #tpu.memory_space<hbm>> -> memref<10000x128xf32, #tpu.memory_space<hbm>>
      tpu.enqueue_indirect_dma source(%dma_start3A_55 : memref<10000x128xf32, #tpu.memory_space<hbm>>) target(%arg18 : memref<40x128xf32, #tpu.memory_space<vmem>>) offsets(%dma_start3A_52 : memref<40xi32, #tpu.memory_space<vmem>>) semaphore(%arg27 : memref<!tpu.dma_semaphore, #tpu.memory_space<semaphore_mem>>)
      %dma_start3A_56 = arith.constant 0 : i32
      %dma_start3A_57 = tpu.memref_slice %arg14[%dma_start3A_56] : memref<2000xi32, #tpu.memory_space<vmem>> -> memref<40xi32, #tpu.memory_space<vmem>>
      %dma_start3A_58 = arith.constant 0 : i32
      %dma_start3A_59 = arith.constant 0 : i32
      %dma_start3A_60 = tpu.memref_slice %arg4[%dma_start3A_58, %dma_start3A_59] : memref<10000x128xf32, #tpu.memory_space<hbm>> -> memref<10000x128xf32, #tpu.memory_space<hbm>>
      tpu.enqueue_indirect_dma source(%dma_start3A_60 : memref<10000x128xf32, #tpu.memory_space<hbm>>) target(%arg19 : memref<40x128xf32, #tpu.memory_space<vmem>>) offsets(%dma_start3A_57 : memref<40xi32, #tpu.memory_space<vmem>>) semaphore(%arg27 : memref<!tpu.dma_semaphore, #tpu.memory_space<semaphore_mem>>)
      %scan3A_61 = arith.constant 0 : i32
      %scan3A_62 = arith.constant 0 : i32
      %scan3A_63 = arith.constant 25 : i32
      %scan3A_64 = arith.addi %scan3A_62, %scan3A_63 : i32
      %scan3A_65 = arith.constant 1 : i32
      scf.for %scan3A_99 = %scan3A_62 to %scan3A_64 step %scan3A_65  : i32 {
        %mul3A_100 = arith.constant 2 : i32
        %mul3A_101 = arith.muli %mul3A_100, %scan3A_99 : i32
        %add3A_102 = arith.constant 1 : i32
        %add3A_103 = arith.addi %mul3A_101, %add3A_102 : i32
        %mul3A_104 = arith.constant 40 : i32
        %mul3A_105 = arith.muli %add3A_103, %mul3A_104 : i32
        %dma_start3A_106 = tpu.memref_slice %arg15[%mul3A_105] : memref<2000xi32, #tpu.memory_space<vmem>> -> memref<40xi32, #tpu.memory_space<vmem>>
        %dma_start3A_107 = arith.constant 0 : i32
        %dma_start3A_108 = arith.constant 0 : i32
        %dma_start3A_109 = tpu.memref_slice %arg2[%dma_start3A_107, %dma_start3A_108] : memref<10000x128xf32, #tpu.memory_space<hbm>> -> memref<10000x128xf32, #tpu.memory_space<hbm>>
        tpu.enqueue_indirect_dma source(%dma_start3A_109 : memref<10000x128xf32, #tpu.memory_space<hbm>>) target(%arg20 : memref<40x128xf32, #tpu.memory_space<vmem>>) offsets(%dma_start3A_106 : memref<40xi32, #tpu.memory_space<vmem>>) semaphore(%arg28 : memref<!tpu.dma_semaphore, #tpu.memory_space<semaphore_mem>>)
        %dma_start3A_110 = tpu.memref_slice %arg14[%mul3A_105] : memref<2000xi32, #tpu.memory_space<vmem>> -> memref<40xi32, #tpu.memory_space<vmem>>
        %dma_start3A_111 = arith.constant 0 : i32
        %dma_start3A_112 = arith.constant 0 : i32
        %dma_start3A_113 = tpu.memref_slice %arg3[%dma_start3A_111, %dma_start3A_112] : memref<10000x128xf32, #tpu.memory_space<hbm>> -> memref<10000x128xf32, #tpu.memory_space<hbm>>
        tpu.enqueue_indirect_dma source(%dma_start3A_113 : memref<10000x128xf32, #tpu.memory_space<hbm>>) target(%arg21 : memref<40x128xf32, #tpu.memory_space<vmem>>) offsets(%dma_start3A_110 : memref<40xi32, #tpu.memory_space<vmem>>) semaphore(%arg28 : memref<!tpu.dma_semaphore, #tpu.memory_space<semaphore_mem>>)
        %dma_start3A_114 = tpu.memref_slice %arg14[%mul3A_105] : memref<2000xi32, #tpu.memory_space<vmem>> -> memref<40xi32, #tpu.memory_space<vmem>>
        %dma_start3A_115 = arith.constant 0 : i32
        %dma_start3A_116 = arith.constant 0 : i32
        %dma_start3A_117 = tpu.memref_slice %arg4[%dma_start3A_115, %dma_start3A_116] : memref<10000x128xf32, #tpu.memory_space<hbm>> -> memref<10000x128xf32, #tpu.memory_space<hbm>>
        tpu.enqueue_indirect_dma source(%dma_start3A_117 : memref<10000x128xf32, #tpu.memory_space<hbm>>) target(%arg22 : memref<40x128xf32, #tpu.memory_space<vmem>>) offsets(%dma_start3A_114 : memref<40xi32, #tpu.memory_space<vmem>>) semaphore(%arg28 : memref<!tpu.dma_semaphore, #tpu.memory_space<semaphore_mem>>)
        %mul3A_118 = arith.constant 40 : i32
        %mul3A_119 = arith.muli %mul3A_101, %mul3A_118 : i32
        %dma_wait3A_120 = tpu.memref_slice %arg15[%mul3A_119] : memref<2000xi32, #tpu.memory_space<vmem>> -> memref<40xi32, #tpu.memory_space<vmem>>
        %dma_wait3A_121 = arith.constant 0 : i32
        %dma_wait3A_122 = arith.constant 0 : i32
        %dma_wait3A_123 = tpu.memref_slice %arg2[%dma_wait3A_121, %dma_wait3A_122] : memref<10000x128xf32, #tpu.memory_space<hbm>> -> memref<10000x128xf32, #tpu.memory_space<hbm>>
        tpu.wait_indirect_dma semaphore(%arg27 : memref<!tpu.dma_semaphore, #tpu.memory_space<semaphore_mem>>) src(%dma_wait3A_123 : memref<10000x128xf32, #tpu.memory_space<hbm>>) dst(%arg17 : memref<40x128xf32, #tpu.memory_space<vmem>>)
        %dma_wait3A_124 = tpu.memref_slice %arg14[%mul3A_119] : memref<2000xi32, #tpu.memory_space<vmem>> -> memref<40xi32, #tpu.memory_space<vmem>>
        %dma_wait3A_125 = arith.constant 0 : i32
        %dma_wait3A_126 = arith.constant 0 : i32
        %dma_wait3A_127 = tpu.memref_slice %arg3[%dma_wait3A_125, %dma_wait3A_126] : memref<10000x128xf32, #tpu.memory_space<hbm>> -> memref<10000x128xf32, #tpu.memory_space<hbm>>
        tpu.wait_indirect_dma semaphore(%arg27 : memref<!tpu.dma_semaphore, #tpu.memory_space<semaphore_mem>>) src(%dma_wait3A_127 : memref<10000x128xf32, #tpu.memory_space<hbm>>) dst(%arg18 : memref<40x128xf32, #tpu.memory_space<vmem>>)
        %dma_wait3A_128 = tpu.memref_slice %arg14[%mul3A_119] : memref<2000xi32, #tpu.memory_space<vmem>> -> memref<40xi32, #tpu.memory_space<vmem>>
        %dma_wait3A_129 = arith.constant 0 : i32
        %dma_wait3A_130 = arith.constant 0 : i32
        %dma_wait3A_131 = tpu.memref_slice %arg4[%dma_wait3A_129, %dma_wait3A_130] : memref<10000x128xf32, #tpu.memory_space<hbm>> -> memref<10000x128xf32, #tpu.memory_space<hbm>>
        tpu.wait_indirect_dma semaphore(%arg27 : memref<!tpu.dma_semaphore, #tpu.memory_space<semaphore_mem>>) src(%dma_wait3A_131 : memref<10000x128xf32, #tpu.memory_space<hbm>>) dst(%arg19 : memref<40x128xf32, #tpu.memory_space<vmem>>)
        %gt3A = arith.constant 0 : i32
        %gt3A_132 = arith.cmpi sgt, %scan3A_99, %gt3A : i32
        %convert_element_type3A = arith.extui %gt3A_132 : i1 to i32
        %cond3A = arith.constant 0 : i32
        %cond3A_133 = arith.cmpi ne, %convert_element_type3A, %cond3A : i32
        scf.if %cond3A_133 {
          %sub3A = arith.constant 2 : i32
          %sub3A_204 = arith.subi %mul3A_101, %sub3A : i32
          %mul3A_205 = arith.constant 40 : i32
          %mul3A_206 = arith.muli %sub3A_204, %mul3A_205 : i32
          %dma_wait3A_207 = tpu.memref_slice %arg15[%mul3A_206] : memref<2000xi32, #tpu.memory_space<vmem>> -> memref<40xi32, #tpu.memory_space<vmem>>
          %dma_wait3A_208 = arith.constant 0 : i32
          %dma_wait3A_209 = arith.constant 0 : i32
          %dma_wait3A_210 = tpu.memref_slice %arg25[%dma_wait3A_208, %dma_wait3A_209] : memref<10112x128xf32, #tpu.memory_space<vmem_shared>> -> memref<10112x128xf32, #tpu.memory_space<vmem_shared>>
          tpu.wait_indirect_dma semaphore(%arg29 : memref<!tpu.dma_semaphore, #tpu.memory_space<semaphore_mem>>) src(%arg23 : memref<40x128xf32, #tpu.memory_space<vmem>>) dst(%dma_wait3A_210 : memref<10112x128xf32, #tpu.memory_space<vmem_shared>>)
          %dma_wait3A_211 = tpu.memref_slice %arg15[%mul3A_206] : memref<2000xi32, #tpu.memory_space<vmem>> -> memref<40xi32, #tpu.memory_space<vmem>>
          %dma_wait3A_212 = arith.constant 0 : i32
          %dma_wait3A_213 = tpu.memref_slice %arg26[%dma_wait3A_212] : memref<10112xi32, #tpu.memory_space<vmem_shared>> -> memref<10112xi32, #tpu.memory_space<vmem_shared>>
          tpu.wait_indirect_dma semaphore(%arg31 : memref<!tpu.dma_semaphore, #tpu.memory_space<semaphore_mem>>) src(%arg16 : memref<40xi32, #tpu.memory_space<vmem>>) dst(%dma_wait3A_213 : memref<10112xi32, #tpu.memory_space<vmem_shared>>)
        } else {
        }
        %scan3A_134 = arith.constant 0 : i32
        %scan3A_135 = arith.constant 0 : i32
        %scan3A_136 = arith.constant 40 : i32
        %scan3A_137 = arith.addi %scan3A_135, %scan3A_136 : i32
        %scan3A_138 = arith.constant 1 : i32
        scf.for %scan3A_204 = %scan3A_135 to %scan3A_137 step %scan3A_138  : i32 {
          %get3A_205 = arith.index_cast %scan3A_204 : i32 to index
          %get3A_206 = arith.constant 0 : index
          %get3A_207 = tpu.vector_load %arg17[%get3A_205, %get3A_206] {strides = array<i32>} : memref<40x128xf32, #tpu.memory_space<vmem>>, vector<16xf32>,
          %get3A_208 = arith.index_cast %scan3A_204 : i32 to index
          %get3A_209 = arith.constant 0 : index
          %get3A_210 = tpu.vector_load %arg18[%get3A_208, %get3A_209] {strides = array<i32>} : memref<40x128xf32, #tpu.memory_space<vmem>>, vector<16xf32>,
          %add3A_211 = arith.addf %get3A_207, %get3A_210 : vector<16xf32>
          %max3A = arith.constant 0.000000e+00 : f32
          %max3A_212 = vector.broadcast %max3A : f32 to vector<16xf32>
          %max3A_213 = arith.maximumf %add3A_211, %max3A_212 : vector<16xf32>
          %mul3A_214 = arith.mulf %max3A_213, %get3A_7 : vector<16xf32>
          %get3A_215 = arith.index_cast %scan3A_204 : i32 to index
          %get3A_216 = arith.constant 16 : index
          %get3A_217 = tpu.vector_load %arg17[%get3A_215, %get3A_216] {strides = array<i32>} : memref<40x128xf32, #tpu.memory_space<vmem>>, vector<16xf32>,
          %get3A_218 = arith.index_cast %scan3A_204 : i32 to index
          %get3A_219 = arith.constant 16 : index
          %get3A_220 = tpu.vector_load %arg18[%get3A_218, %get3A_219] {strides = array<i32>} : memref<40x128xf32, #tpu.memory_space<vmem>>, vector<16xf32>,
          %add3A_221 = arith.addf %get3A_217, %get3A_220 : vector<16xf32>
          %max3A_222 = arith.constant 0.000000e+00 : f32
          %max3A_223 = vector.broadcast %max3A_222 : f32 to vector<16xf32>
          %max3A_224 = arith.maximumf %add3A_221, %max3A_223 : vector<16xf32>
          %mul3A_225 = arith.mulf %max3A_224, %get3A_9 : vector<16xf32>
          %add3A_226 = arith.addf %mul3A_214, %mul3A_225 : vector<16xf32>
          %get3A_227 = arith.index_cast %scan3A_204 : i32 to index
          %get3A_228 = arith.constant 32 : index
          %get3A_229 = tpu.vector_load %arg17[%get3A_227, %get3A_228] {strides = array<i32>} : memref<40x128xf32, #tpu.memory_space<vmem>>, vector<16xf32>,
          %get3A_230 = arith.index_cast %scan3A_204 : i32 to index
          %get3A_231 = arith.constant 32 : index
          %get3A_232 = tpu.vector_load %arg18[%get3A_230, %get3A_231] {strides = array<i32>} : memref<40x128xf32, #tpu.memory_space<vmem>>, vector<16xf32>,
          %add3A_233 = arith.addf %get3A_229, %get3A_232 : vector<16xf32>
          %max3A_234 = arith.constant 0.000000e+00 : f32
          %max3A_235 = vector.broadcast %max3A_234 : f32 to vector<16xf32>
          %max3A_236 = arith.maximumf %add3A_233, %max3A_235 : vector<16xf32>
          %mul3A_237 = arith.mulf %max3A_236, %get3A_11 : vector<16xf32>
          %add3A_238 = arith.addf %add3A_226, %mul3A_237 : vector<16xf32>
          %get3A_239 = arith.index_cast %scan3A_204 : i32 to index
          %get3A_240 = arith.constant 48 : index
          %get3A_241 = tpu.vector_load %arg17[%get3A_239, %get3A_240] {strides = array<i32>} : memref<40x128xf32, #tpu.memory_space<vmem>>, vector<16xf32>,
          %get3A_242 = arith.index_cast %scan3A_204 : i32 to index
          %get3A_243 = arith.constant 48 : index
          %get3A_244 = tpu.vector_load %arg18[%get3A_242, %get3A_243] {strides = array<i32>} : memref<40x128xf32, #tpu.memory_space<vmem>>, vector<16xf32>,
          %add3A_245 = arith.addf %get3A_241, %get3A_244 : vector<16xf32>
          %max3A_246 = arith.constant 0.000000e+00 : f32
          %max3A_247 = vector.broadcast %max3A_246 : f32 to vector<16xf32>
          %max3A_248 = arith.maximumf %add3A_245, %max3A_247 : vector<16xf32>
          %mul3A_249 = arith.mulf %max3A_248, %get3A_13 : vector<16xf32>
          %add3A_250 = arith.addf %add3A_238, %mul3A_249 : vector<16xf32>
          %get3A_251 = arith.index_cast %scan3A_204 : i32 to index
          %get3A_252 = arith.constant 64 : index
          %get3A_253 = tpu.vector_load %arg17[%get3A_251, %get3A_252] {strides = array<i32>} : memref<40x128xf32, #tpu.memory_space<vmem>>, vector<16xf32>,
          %get3A_254 = arith.index_cast %scan3A_204 : i32 to index
          %get3A_255 = arith.constant 64 : index
          %get3A_256 = tpu.vector_load %arg18[%get3A_254, %get3A_255] {strides = array<i32>} : memref<40x128xf32, #tpu.memory_space<vmem>>, vector<16xf32>,
          %add3A_257 = arith.addf %get3A_253, %get3A_256 : vector<16xf32>
          %max3A_258 = arith.constant 0.000000e+00 : f32
          %max3A_259 = vector.broadcast %max3A_258 : f32 to vector<16xf32>
          %max3A_260 = arith.maximumf %add3A_257, %max3A_259 : vector<16xf32>
          %mul3A_261 = arith.mulf %max3A_260, %get3A_15 : vector<16xf32>
          %add3A_262 = arith.addf %add3A_250, %mul3A_261 : vector<16xf32>
          %get3A_263 = arith.index_cast %scan3A_204 : i32 to index
          %get3A_264 = arith.constant 80 : index
          %get3A_265 = tpu.vector_load %arg17[%get3A_263, %get3A_264] {strides = array<i32>} : memref<40x128xf32, #tpu.memory_space<vmem>>, vector<16xf32>,
          %get3A_266 = arith.index_cast %scan3A_204 : i32 to index
          %get3A_267 = arith.constant 80 : index
          %get3A_268 = tpu.vector_load %arg18[%get3A_266, %get3A_267] {strides = array<i32>} : memref<40x128xf32, #tpu.memory_space<vmem>>, vector<16xf32>,
          %add3A_269 = arith.addf %get3A_265, %get3A_268 : vector<16xf32>
          %max3A_270 = arith.constant 0.000000e+00 : f32
          %max3A_271 = vector.broadcast %max3A_270 : f32 to vector<16xf32>
          %max3A_272 = arith.maximumf %add3A_269, %max3A_271 : vector<16xf32>
          %mul3A_273 = arith.mulf %max3A_272, %get3A_17 : vector<16xf32>
          %add3A_274 = arith.addf %add3A_262, %mul3A_273 : vector<16xf32>
          %get3A_275 = arith.index_cast %scan3A_204 : i32 to index
          %get3A_276 = arith.constant 96 : index
          %get3A_277 = tpu.vector_load %arg17[%get3A_275, %get3A_276] {strides = array<i32>} : memref<40x128xf32, #tpu.memory_space<vmem>>, vector<16xf32>,
          %get3A_278 = arith.index_cast %scan3A_204 : i32 to index
          %get3A_279 = arith.constant 96 : index
          %get3A_280 = tpu.vector_load %arg18[%get3A_278, %get3A_279] {strides = array<i32>} : memref<40x128xf32, #tpu.memory_space<vmem>>, vector<16xf32>,
          %add3A_281 = arith.addf %get3A_277, %get3A_280 : vector<16xf32>
          %max3A_282 = arith.constant 0.000000e+00 : f32
          %max3A_283 = vector.broadcast %max3A_282 : f32 to vector<16xf32>
          %max3A_284 = arith.maximumf %add3A_281, %max3A_283 : vector<16xf32>
          %mul3A_285 = arith.mulf %max3A_284, %get3A_19 : vector<16xf32>
          %add3A_286 = arith.addf %add3A_274, %mul3A_285 : vector<16xf32>
          %get3A_287 = arith.index_cast %scan3A_204 : i32 to index
          %get3A_288 = arith.constant 112 : index
          %get3A_289 = tpu.vector_load %arg17[%get3A_287, %get3A_288] {strides = array<i32>} : memref<40x128xf32, #tpu.memory_space<vmem>>, vector<16xf32>,
          %get3A_290 = arith.index_cast %scan3A_204 : i32 to index
          %get3A_291 = arith.constant 112 : index
          %get3A_292 = tpu.vector_load %arg18[%get3A_290, %get3A_291] {strides = array<i32>} : memref<40x128xf32, #tpu.memory_space<vmem>>, vector<16xf32>,
          %add3A_293 = arith.addf %get3A_289, %get3A_292 : vector<16xf32>
          %max3A_294 = arith.constant 0.000000e+00 : f32
          %max3A_295 = vector.broadcast %max3A_294 : f32 to vector<16xf32>
          %max3A_296 = arith.maximumf %add3A_293, %max3A_295 : vector<16xf32>
          %mul3A_297 = arith.mulf %max3A_296, %get3A_21 : vector<16xf32>
          %add3A_298 = arith.addf %add3A_286, %mul3A_297 : vector<16xf32>
          %reduce_sum3A = arith.constant true
          %reduce_sum3A_299 = vector.broadcast %reduce_sum3A : i1 to vector<16xi1>
          %reduce_sum3A_300 = tpu.scan <sum>, %add3A_298 masked %reduce_sum3A_299 : vector<16xf32>, vector<16xi1> -> vector<16xf32>
          %reduce_sum3A_301 = vector.extract %reduce_sum3A_300[15] : f32 from vector<16xf32>
          %broadcast_in_dim3A = vector.broadcast %reduce_sum3A_301 : f32 to vector<16xf32>
          %add3A_302 = arith.addf %broadcast_in_dim3A, %get3A_23 : vector<16xf32>
          %neg3A = arith.constant 0.000000e+00 : f32
          %neg3A_303 = vector.broadcast %neg3A : f32 to vector<16xf32>
          %neg3A_304 = arith.subf %neg3A_303, %add3A_302 : vector<16xf32>
          %exp3A = math.exp %neg3A_304 : vector<16xf32>
          %add3A_305 = arith.constant 1.000000e+00 : f32
          %add3A_306 = vector.broadcast %add3A_305 : f32 to vector<16xf32>
          %add3A_307 = arith.addf %add3A_306, %exp3A : vector<16xf32>
          %div3A = arith.constant 1.000000e+00 : f32
          %div3A_308 = vector.broadcast %div3A : f32 to vector<16xf32>
          %div3A_309 = arith.divf %div3A_308, %add3A_307 : vector<16xf32>
          %get3A_310 = arith.index_cast %scan3A_204 : i32 to index
          %get3A_311 = arith.constant 0 : index
          %get3A_312 = tpu.vector_load %arg19[%get3A_310, %get3A_311] {strides = array<i32>} : memref<40x128xf32, #tpu.memory_space<vmem>>, vector<16xf32>,
          %mul3A_313 = arith.mulf %get3A_312, %div3A_309 : vector<16xf32>
          %swap3A = arith.index_cast %scan3A_204 : i32 to index
          %swap3A_314 = arith.constant 0 : index
          %swap3A_315 = tpu.vector_load %arg23[%swap3A, %swap3A_314] {strides = array<i32>} : memref<40x128xf32, #tpu.memory_space<vmem>>, vector<16xf32>,
          tpu.vector_store %arg23[%swap3A, %swap3A_314], %mul3A_313 {strides = array<i32>} : memref<40x128xf32, #tpu.memory_space<vmem>>, vector<16xf32>,
          %get3A_316 = arith.index_cast %scan3A_204 : i32 to index
          %get3A_317 = arith.constant 16 : index
          %get3A_318 = tpu.vector_load %arg19[%get3A_316, %get3A_317] {strides = array<i32>} : memref<40x128xf32, #tpu.memory_space<vmem>>, vector<16xf32>,
          %mul3A_319 = arith.mulf %get3A_318, %div3A_309 : vector<16xf32>
          %swap3A_320 = arith.index_cast %scan3A_204 : i32 to index
          %swap3A_321 = arith.constant 16 : index
          %swap3A_322 = tpu.vector_load %arg23[%swap3A_320, %swap3A_321] {strides = array<i32>} : memref<40x128xf32, #tpu.memory_space<vmem>>, vector<16xf32>,
          tpu.vector_store %arg23[%swap3A_320, %swap3A_321], %mul3A_319 {strides = array<i32>} : memref<40x128xf32, #tpu.memory_space<vmem>>, vector<16xf32>,
          %get3A_323 = arith.index_cast %scan3A_204 : i32 to index
          %get3A_324 = arith.constant 32 : index
          %get3A_325 = tpu.vector_load %arg19[%get3A_323, %get3A_324] {strides = array<i32>} : memref<40x128xf32, #tpu.memory_space<vmem>>, vector<16xf32>,
          %mul3A_326 = arith.mulf %get3A_325, %div3A_309 : vector<16xf32>
          %swap3A_327 = arith.index_cast %scan3A_204 : i32 to index
          %swap3A_328 = arith.constant 32 : index
          %swap3A_329 = tpu.vector_load %arg23[%swap3A_327, %swap3A_328] {strides = array<i32>} : memref<40x128xf32, #tpu.memory_space<vmem>>, vector<16xf32>,
          tpu.vector_store %arg23[%swap3A_327, %swap3A_328], %mul3A_326 {strides = array<i32>} : memref<40x128xf32, #tpu.memory_space<vmem>>, vector<16xf32>,
          %get3A_330 = arith.index_cast %scan3A_204 : i32 to index
          %get3A_331 = arith.constant 48 : index
          %get3A_332 = tpu.vector_load %arg19[%get3A_330, %get3A_331] {strides = array<i32>} : memref<40x128xf32, #tpu.memory_space<vmem>>, vector<16xf32>,
          %mul3A_333 = arith.mulf %get3A_332, %div3A_309 : vector<16xf32>
          %swap3A_334 = arith.index_cast %scan3A_204 : i32 to index
          %swap3A_335 = arith.constant 48 : index
          %swap3A_336 = tpu.vector_load %arg23[%swap3A_334, %swap3A_335] {strides = array<i32>} : memref<40x128xf32, #tpu.memory_space<vmem>>, vector<16xf32>,
          tpu.vector_store %arg23[%swap3A_334, %swap3A_335], %mul3A_333 {strides = array<i32>} : memref<40x128xf32, #tpu.memory_space<vmem>>, vector<16xf32>,
          %get3A_337 = arith.index_cast %scan3A_204 : i32 to index
          %get3A_338 = arith.constant 64 : index
          %get3A_339 = tpu.vector_load %arg19[%get3A_337, %get3A_338] {strides = array<i32>} : memref<40x128xf32, #tpu.memory_space<vmem>>, vector<16xf32>,
          %mul3A_340 = arith.mulf %get3A_339, %div3A_309 : vector<16xf32>
          %swap3A_341 = arith.index_cast %scan3A_204 : i32 to index
          %swap3A_342 = arith.constant 64 : index
          %swap3A_343 = tpu.vector_load %arg23[%swap3A_341, %swap3A_342] {strides = array<i32>} : memref<40x128xf32, #tpu.memory_space<vmem>>, vector<16xf32>,
          tpu.vector_store %arg23[%swap3A_341, %swap3A_342], %mul3A_340 {strides = array<i32>} : memref<40x128xf32, #tpu.memory_space<vmem>>, vector<16xf32>,
          %get3A_344 = arith.index_cast %scan3A_204 : i32 to index
          %get3A_345 = arith.constant 80 : index
          %get3A_346 = tpu.vector_load %arg19[%get3A_344, %get3A_345] {strides = array<i32>} : memref<40x128xf32, #tpu.memory_space<vmem>>, vector<16xf32>,
          %mul3A_347 = arith.mulf %get3A_346, %div3A_309 : vector<16xf32>
          %swap3A_348 = arith.index_cast %scan3A_204 : i32 to index
          %swap3A_349 = arith.constant 80 : index
          %swap3A_350 = tpu.vector_load %arg23[%swap3A_348, %swap3A_349] {strides = array<i32>} : memref<40x128xf32, #tpu.memory_space<vmem>>, vector<16xf32>,
          tpu.vector_store %arg23[%swap3A_348, %swap3A_349], %mul3A_347 {strides = array<i32>} : memref<40x128xf32, #tpu.memory_space<vmem>>, vector<16xf32>,
          %get3A_351 = arith.index_cast %scan3A_204 : i32 to index
          %get3A_352 = arith.constant 96 : index
          %get3A_353 = tpu.vector_load %arg19[%get3A_351, %get3A_352] {strides = array<i32>} : memref<40x128xf32, #tpu.memory_space<vmem>>, vector<16xf32>,
          %mul3A_354 = arith.mulf %get3A_353, %div3A_309 : vector<16xf32>
          %swap3A_355 = arith.index_cast %scan3A_204 : i32 to index
          %swap3A_356 = arith.constant 96 : index
          %swap3A_357 = tpu.vector_load %arg23[%swap3A_355, %swap3A_356] {strides = array<i32>} : memref<40x128xf32, #tpu.memory_space<vmem>>, vector<16xf32>,
          tpu.vector_store %arg23[%swap3A_355, %swap3A_356], %mul3A_354 {strides = array<i32>} : memref<40x128xf32, #tpu.memory_space<vmem>>, vector<16xf32>,
          %get3A_358 = arith.index_cast %scan3A_204 : i32 to index
          %get3A_359 = arith.constant 112 : index
          %get3A_360 = tpu.vector_load %arg19[%get3A_358, %get3A_359] {strides = array<i32>} : memref<40x128xf32, #tpu.memory_space<vmem>>, vector<16xf32>,
          %mul3A_361 = arith.mulf %get3A_360, %div3A_309 : vector<16xf32>
          %swap3A_362 = arith.index_cast %scan3A_204 : i32 to index
          %swap3A_363 = arith.constant 112 : index
          %swap3A_364 = tpu.vector_load %arg23[%swap3A_362, %swap3A_363] {strides = array<i32>} : memref<40x128xf32, #tpu.memory_space<vmem>>, vector<16xf32>,
          tpu.vector_store %arg23[%swap3A_362, %swap3A_363], %mul3A_361 {strides = array<i32>} : memref<40x128xf32, #tpu.memory_space<vmem>>, vector<16xf32>,
        }
        %scan3A_139 = arith.constant 40 : i32
        %mul3A_140 = arith.constant 40 : i32
        %mul3A_141 = arith.muli %mul3A_101, %mul3A_140 : i32
        %dma_start3A_142 = tpu.memref_slice %arg15[%mul3A_141] : memref<2000xi32, #tpu.memory_space<vmem>> -> memref<40xi32, #tpu.memory_space<vmem>>
        %dma_start3A_143 = arith.constant 0 : i32
        %dma_start3A_144 = arith.constant 0 : i32
        %dma_start3A_145 = tpu.memref_slice %arg25[%dma_start3A_143, %dma_start3A_144] : memref<10112x128xf32, #tpu.memory_space<vmem_shared>> -> memref<10112x128xf32, #tpu.memory_space<vmem_shared>>
        tpu.enqueue_indirect_dma source(%arg23 : memref<40x128xf32, #tpu.memory_space<vmem>>) target(%dma_start3A_145 : memref<10112x128xf32, #tpu.memory_space<vmem_shared>>) offsets(%dma_start3A_142 : memref<40xi32, #tpu.memory_space<vmem>>) semaphore(%arg29 : memref<!tpu.dma_semaphore, #tpu.memory_space<semaphore_mem>>) {add = true}
        %dma_start3A_146 = tpu.memref_slice %arg15[%mul3A_141] : memref<2000xi32, #tpu.memory_space<vmem>> -> memref<40xi32, #tpu.memory_space<vmem>>
        %dma_start3A_147 = arith.constant 0 : i32
        %dma_start3A_148 = tpu.memref_slice %arg26[%dma_start3A_147] : memref<10112xi32, #tpu.memory_space<vmem_shared>> -> memref<10112xi32, #tpu.memory_space<vmem_shared>>
        tpu.enqueue_indirect_dma source(%arg16 : memref<40xi32, #tpu.memory_space<vmem>>) target(%dma_start3A_148 : memref<10112xi32, #tpu.memory_space<vmem_shared>>) offsets(%dma_start3A_146 : memref<40xi32, #tpu.memory_space<vmem>>) semaphore(%arg31 : memref<!tpu.dma_semaphore, #tpu.memory_space<semaphore_mem>>) {add = true}
        %add3A_149 = arith.constant 2 : i32
        %add3A_150 = arith.addi %mul3A_101, %add3A_149 : i32
        %min3A = arith.constant 48 : i32
        %min3A_151 = arith.minsi %add3A_150, %min3A : i32
        %mul3A_152 = arith.constant 40 : i32
        %mul3A_153 = arith.muli %min3A_151, %mul3A_152 : i32
        %dma_start3A_154 = tpu.memref_slice %arg15[%mul3A_153] : memref<2000xi32, #tpu.memory_space<vmem>> -> memref<40xi32, #tpu.memory_space<vmem>>
        %dma_start3A_155 = arith.constant 0 : i32
        %dma_start3A_156 = arith.constant 0 : i32
        %dma_start3A_157 = tpu.memref_slice %arg2[%dma_start3A_155, %dma_start3A_156] : memref<10000x128xf32, #tpu.memory_space<hbm>> -> memref<10000x128xf32, #tpu.memory_space<hbm>>
        tpu.enqueue_indirect_dma source(%dma_start3A_157 : memref<10000x128xf32, #tpu.memory_space<hbm>>) target(%arg17 : memref<40x128xf32, #tpu.memory_space<vmem>>) offsets(%dma_start3A_154 : memref<40xi32, #tpu.memory_space<vmem>>) semaphore(%arg27 : memref<!tpu.dma_semaphore, #tpu.memory_space<semaphore_mem>>)
        %dma_start3A_158 = tpu.memref_slice %arg14[%mul3A_153] : memref<2000xi32, #tpu.memory_space<vmem>> -> memref<40xi32, #tpu.memory_space<vmem>>
        %dma_start3A_159 = arith.constant 0 : i32
        %dma_start3A_160 = arith.constant 0 : i32
        %dma_start3A_161 = tpu.memref_slice %arg3[%dma_start3A_159, %dma_start3A_160] : memref<10000x128xf32, #tpu.memory_space<hbm>> -> memref<10000x128xf32, #tpu.memory_space<hbm>>
        tpu.enqueue_indirect_dma source(%dma_start3A_161 : memref<10000x128xf32, #tpu.memory_space<hbm>>) target(%arg18 : memref<40x128xf32, #tpu.memory_space<vmem>>) offsets(%dma_start3A_158 : memref<40xi32, #tpu.memory_space<vmem>>) semaphore(%arg27 : memref<!tpu.dma_semaphore, #tpu.memory_space<semaphore_mem>>)
        %dma_start3A_162 = tpu.memref_slice %arg14[%mul3A_153] : memref<2000xi32, #tpu.memory_space<vmem>> -> memref<40xi32, #tpu.memory_space<vmem>>
        %dma_start3A_163 = arith.constant 0 : i32
        %dma_start3A_164 = arith.constant 0 : i32
        %dma_start3A_165 = tpu.memref_slice %arg4[%dma_start3A_163, %dma_start3A_164] : memref<10000x128xf32, #tpu.memory_space<hbm>> -> memref<10000x128xf32, #tpu.memory_space<hbm>>
        tpu.enqueue_indirect_dma source(%dma_start3A_165 : memref<10000x128xf32, #tpu.memory_space<hbm>>) target(%arg19 : memref<40x128xf32, #tpu.memory_space<vmem>>) offsets(%dma_start3A_162 : memref<40xi32, #tpu.memory_space<vmem>>) semaphore(%arg27 : memref<!tpu.dma_semaphore, #tpu.memory_space<semaphore_mem>>)
        %add3A_166 = arith.constant 1 : i32
        %add3A_167 = arith.addi %mul3A_101, %add3A_166 : i32
        %mul3A_168 = arith.constant 40 : i32
        %mul3A_169 = arith.muli %add3A_167, %mul3A_168 : i32
        %dma_wait3A_170 = tpu.memref_slice %arg15[%mul3A_169] : memref<2000xi32, #tpu.memory_space<vmem>> -> memref<40xi32, #tpu.memory_space<vmem>>
        %dma_wait3A_171 = arith.constant 0 : i32
        %dma_wait3A_172 = arith.constant 0 : i32
        %dma_wait3A_173 = tpu.memref_slice %arg2[%dma_wait3A_171, %dma_wait3A_172] : memref<10000x128xf32, #tpu.memory_space<hbm>> -> memref<10000x128xf32, #tpu.memory_space<hbm>>
        tpu.wait_indirect_dma semaphore(%arg28 : memref<!tpu.dma_semaphore, #tpu.memory_space<semaphore_mem>>) src(%dma_wait3A_173 : memref<10000x128xf32, #tpu.memory_space<hbm>>) dst(%arg20 : memref<40x128xf32, #tpu.memory_space<vmem>>)
        %dma_wait3A_174 = tpu.memref_slice %arg14[%mul3A_169] : memref<2000xi32, #tpu.memory_space<vmem>> -> memref<40xi32, #tpu.memory_space<vmem>>
        %dma_wait3A_175 = arith.constant 0 : i32
        %dma_wait3A_176 = arith.constant 0 : i32
        %dma_wait3A_177 = tpu.memref_slice %arg3[%dma_wait3A_175, %dma_wait3A_176] : memref<10000x128xf32, #tpu.memory_space<hbm>> -> memref<10000x128xf32, #tpu.memory_space<hbm>>
        tpu.wait_indirect_dma semaphore(%arg28 : memref<!tpu.dma_semaphore, #tpu.memory_space<semaphore_mem>>) src(%dma_wait3A_177 : memref<10000x128xf32, #tpu.memory_space<hbm>>) dst(%arg21 : memref<40x128xf32, #tpu.memory_space<vmem>>)
        %dma_wait3A_178 = tpu.memref_slice %arg14[%mul3A_169] : memref<2000xi32, #tpu.memory_space<vmem>> -> memref<40xi32, #tpu.memory_space<vmem>>
        %dma_wait3A_179 = arith.constant 0 : i32
        %dma_wait3A_180 = arith.constant 0 : i32
        %dma_wait3A_181 = tpu.memref_slice %arg4[%dma_wait3A_179, %dma_wait3A_180] : memref<10000x128xf32, #tpu.memory_space<hbm>> -> memref<10000x128xf32, #tpu.memory_space<hbm>>
        tpu.wait_indirect_dma semaphore(%arg28 : memref<!tpu.dma_semaphore, #tpu.memory_space<semaphore_mem>>) src(%dma_wait3A_181 : memref<10000x128xf32, #tpu.memory_space<hbm>>) dst(%arg22 : memref<40x128xf32, #tpu.memory_space<vmem>>)
        %gt3A_182 = arith.constant 0 : i32
        %gt3A_183 = arith.cmpi sgt, %scan3A_99, %gt3A_182 : i32
        %convert_element_type3A_184 = arith.extui %gt3A_183 : i1 to i32
        %cond3A_185 = arith.constant 0 : i32
        %cond3A_186 = arith.cmpi ne, %convert_element_type3A_184, %cond3A_185 : i32
        scf.if %cond3A_186 {
          %sub3A = arith.constant 1 : i32
          %sub3A_204 = arith.subi %mul3A_101, %sub3A : i32
          %mul3A_205 = arith.constant 40 : i32
          %mul3A_206 = arith.muli %sub3A_204, %mul3A_205 : i32
          %dma_wait3A_207 = tpu.memref_slice %arg15[%mul3A_206] : memref<2000xi32, #tpu.memory_space<vmem>> -> memref<40xi32, #tpu.memory_space<vmem>>
          %dma_wait3A_208 = arith.constant 0 : i32
          %dma_wait3A_209 = arith.constant 0 : i32
          %dma_wait3A_210 = tpu.memref_slice %arg25[%dma_wait3A_208, %dma_wait3A_209] : memref<10112x128xf32, #tpu.memory_space<vmem_shared>> -> memref<10112x128xf32, #tpu.memory_space<vmem_shared>>
          tpu.wait_indirect_dma semaphore(%arg30 : memref<!tpu.dma_semaphore, #tpu.memory_space<semaphore_mem>>) src(%arg24 : memref<40x128xf32, #tpu.memory_space<vmem>>) dst(%dma_wait3A_210 : memref<10112x128xf32, #tpu.memory_space<vmem_shared>>)
          %dma_wait3A_211 = tpu.memref_slice %arg15[%mul3A_206] : memref<2000xi32, #tpu.memory_space<vmem>> -> memref<40xi32, #tpu.memory_space<vmem>>
          %dma_wait3A_212 = arith.constant 0 : i32
          %dma_wait3A_213 = tpu.memref_slice %arg26[%dma_wait3A_212] : memref<10112xi32, #tpu.memory_space<vmem_shared>> -> memref<10112xi32, #tpu.memory_space<vmem_shared>>
          tpu.wait_indirect_dma semaphore(%arg32 : memref<!tpu.dma_semaphore, #tpu.memory_space<semaphore_mem>>) src(%arg16 : memref<40xi32, #tpu.memory_space<vmem>>) dst(%dma_wait3A_213 : memref<10112xi32, #tpu.memory_space<vmem_shared>>)
        } else {
        }
        %scan3A_187 = arith.constant 0 : i32
        %scan3A_188 = arith.constant 0 : i32
        %scan3A_189 = arith.constant 40 : i32
        %scan3A_190 = arith.addi %scan3A_188, %scan3A_189 : i32
        %scan3A_191 = arith.constant 1 : i32
        scf.for %scan3A_204 = %scan3A_188 to %scan3A_190 step %scan3A_191  : i32 {
          %get3A_205 = arith.index_cast %scan3A_204 : i32 to index
          %get3A_206 = arith.constant 0 : index
          %get3A_207 = tpu.vector_load %arg20[%get3A_205, %get3A_206] {strides = array<i32>} : memref<40x128xf32, #tpu.memory_space<vmem>>, vector<16xf32>,
          %get3A_208 = arith.index_cast %scan3A_204 : i32 to index
          %get3A_209 = arith.constant 0 : index
          %get3A_210 = tpu.vector_load %arg21[%get3A_208, %get3A_209] {strides = array<i32>} : memref<40x128xf32, #tpu.memory_space<vmem>>, vector<16xf32>,
          %add3A_211 = arith.addf %get3A_207, %get3A_210 : vector<16xf32>
          %max3A = arith.constant 0.000000e+00 : f32
          %max3A_212 = vector.broadcast %max3A : f32 to vector<16xf32>
          %max3A_213 = arith.maximumf %add3A_211, %max3A_212 : vector<16xf32>
          %mul3A_214 = arith.mulf %max3A_213, %get3A_7 : vector<16xf32>
          %get3A_215 = arith.index_cast %scan3A_204 : i32 to index
          %get3A_216 = arith.constant 16 : index
          %get3A_217 = tpu.vector_load %arg20[%get3A_215, %get3A_216] {strides = array<i32>} : memref<40x128xf32, #tpu.memory_space<vmem>>, vector<16xf32>,
          %get3A_218 = arith.index_cast %scan3A_204 : i32 to index
          %get3A_219 = arith.constant 16 : index
          %get3A_220 = tpu.vector_load %arg21[%get3A_218, %get3A_219] {strides = array<i32>} : memref<40x128xf32, #tpu.memory_space<vmem>>, vector<16xf32>,
          %add3A_221 = arith.addf %get3A_217, %get3A_220 : vector<16xf32>
          %max3A_222 = arith.constant 0.000000e+00 : f32
          %max3A_223 = vector.broadcast %max3A_222 : f32 to vector<16xf32>
          %max3A_224 = arith.maximumf %add3A_221, %max3A_223 : vector<16xf32>
          %mul3A_225 = arith.mulf %max3A_224, %get3A_9 : vector<16xf32>
          %add3A_226 = arith.addf %mul3A_214, %mul3A_225 : vector<16xf32>
          %get3A_227 = arith.index_cast %scan3A_204 : i32 to index
          %get3A_228 = arith.constant 32 : index
          %get3A_229 = tpu.vector_load %arg20[%get3A_227, %get3A_228] {strides = array<i32>} : memref<40x128xf32, #tpu.memory_space<vmem>>, vector<16xf32>,
          %get3A_230 = arith.index_cast %scan3A_204 : i32 to index
          %get3A_231 = arith.constant 32 : index
          %get3A_232 = tpu.vector_load %arg21[%get3A_230, %get3A_231] {strides = array<i32>} : memref<40x128xf32, #tpu.memory_space<vmem>>, vector<16xf32>,
          %add3A_233 = arith.addf %get3A_229, %get3A_232 : vector<16xf32>
          %max3A_234 = arith.constant 0.000000e+00 : f32
          %max3A_235 = vector.broadcast %max3A_234 : f32 to vector<16xf32>
          %max3A_236 = arith.maximumf %add3A_233, %max3A_235 : vector<16xf32>
          %mul3A_237 = arith.mulf %max3A_236, %get3A_11 : vector<16xf32>
          %add3A_238 = arith.addf %add3A_226, %mul3A_237 : vector<16xf32>
          %get3A_239 = arith.index_cast %scan3A_204 : i32 to index
          %get3A_240 = arith.constant 48 : index
          %get3A_241 = tpu.vector_load %arg20[%get3A_239, %get3A_240] {strides = array<i32>} : memref<40x128xf32, #tpu.memory_space<vmem>>, vector<16xf32>,
          %get3A_242 = arith.index_cast %scan3A_204 : i32 to index
          %get3A_243 = arith.constant 48 : index
          %get3A_244 = tpu.vector_load %arg21[%get3A_242, %get3A_243] {strides = array<i32>} : memref<40x128xf32, #tpu.memory_space<vmem>>, vector<16xf32>,
          %add3A_245 = arith.addf %get3A_241, %get3A_244 : vector<16xf32>
          %max3A_246 = arith.constant 0.000000e+00 : f32
          %max3A_247 = vector.broadcast %max3A_246 : f32 to vector<16xf32>
          %max3A_248 = arith.maximumf %add3A_245, %max3A_247 : vector<16xf32>
          %mul3A_249 = arith.mulf %max3A_248, %get3A_13 : vector<16xf32>
          %add3A_250 = arith.addf %add3A_238, %mul3A_249 : vector<16xf32>
          %get3A_251 = arith.index_cast %scan3A_204 : i32 to index
          %get3A_252 = arith.constant 64 : index
          %get3A_253 = tpu.vector_load %arg20[%get3A_251, %get3A_252] {strides = array<i32>} : memref<40x128xf32, #tpu.memory_space<vmem>>, vector<16xf32>,
          %get3A_254 = arith.index_cast %scan3A_204 : i32 to index
          %get3A_255 = arith.constant 64 : index
          %get3A_256 = tpu.vector_load %arg21[%get3A_254, %get3A_255] {strides = array<i32>} : memref<40x128xf32, #tpu.memory_space<vmem>>, vector<16xf32>,
          %add3A_257 = arith.addf %get3A_253, %get3A_256 : vector<16xf32>
          %max3A_258 = arith.constant 0.000000e+00 : f32
          %max3A_259 = vector.broadcast %max3A_258 : f32 to vector<16xf32>
          %max3A_260 = arith.maximumf %add3A_257, %max3A_259 : vector<16xf32>
          %mul3A_261 = arith.mulf %max3A_260, %get3A_15 : vector<16xf32>
          %add3A_262 = arith.addf %add3A_250, %mul3A_261 : vector<16xf32>
          %get3A_263 = arith.index_cast %scan3A_204 : i32 to index
          %get3A_264 = arith.constant 80 : index
          %get3A_265 = tpu.vector_load %arg20[%get3A_263, %get3A_264] {strides = array<i32>} : memref<40x128xf32, #tpu.memory_space<vmem>>, vector<16xf32>,
          %get3A_266 = arith.index_cast %scan3A_204 : i32 to index
          %get3A_267 = arith.constant 80 : index
          %get3A_268 = tpu.vector_load %arg21[%get3A_266, %get3A_267] {strides = array<i32>} : memref<40x128xf32, #tpu.memory_space<vmem>>, vector<16xf32>,
          %add3A_269 = arith.addf %get3A_265, %get3A_268 : vector<16xf32>
          %max3A_270 = arith.constant 0.000000e+00 : f32
          %max3A_271 = vector.broadcast %max3A_270 : f32 to vector<16xf32>
          %max3A_272 = arith.maximumf %add3A_269, %max3A_271 : vector<16xf32>
          %mul3A_273 = arith.mulf %max3A_272, %get3A_17 : vector<16xf32>
          %add3A_274 = arith.addf %add3A_262, %mul3A_273 : vector<16xf32>
          %get3A_275 = arith.index_cast %scan3A_204 : i32 to index
          %get3A_276 = arith.constant 96 : index
          %get3A_277 = tpu.vector_load %arg20[%get3A_275, %get3A_276] {strides = array<i32>} : memref<40x128xf32, #tpu.memory_space<vmem>>, vector<16xf32>,
          %get3A_278 = arith.index_cast %scan3A_204 : i32 to index
          %get3A_279 = arith.constant 96 : index
          %get3A_280 = tpu.vector_load %arg21[%get3A_278, %get3A_279] {strides = array<i32>} : memref<40x128xf32, #tpu.memory_space<vmem>>, vector<16xf32>,
          %add3A_281 = arith.addf %get3A_277, %get3A_280 : vector<16xf32>
          %max3A_282 = arith.constant 0.000000e+00 : f32
          %max3A_283 = vector.broadcast %max3A_282 : f32 to vector<16xf32>
          %max3A_284 = arith.maximumf %add3A_281, %max3A_283 : vector<16xf32>
          %mul3A_285 = arith.mulf %max3A_284, %get3A_19 : vector<16xf32>
          %add3A_286 = arith.addf %add3A_274, %mul3A_285 : vector<16xf32>
          %get3A_287 = arith.index_cast %scan3A_204 : i32 to index
          %get3A_288 = arith.constant 112 : index
          %get3A_289 = tpu.vector_load %arg20[%get3A_287, %get3A_288] {strides = array<i32>} : memref<40x128xf32, #tpu.memory_space<vmem>>, vector<16xf32>,
          %get3A_290 = arith.index_cast %scan3A_204 : i32 to index
          %get3A_291 = arith.constant 112 : index
          %get3A_292 = tpu.vector_load %arg21[%get3A_290, %get3A_291] {strides = array<i32>} : memref<40x128xf32, #tpu.memory_space<vmem>>, vector<16xf32>,
          %add3A_293 = arith.addf %get3A_289, %get3A_292 : vector<16xf32>
          %max3A_294 = arith.constant 0.000000e+00 : f32
          %max3A_295 = vector.broadcast %max3A_294 : f32 to vector<16xf32>
          %max3A_296 = arith.maximumf %add3A_293, %max3A_295 : vector<16xf32>
          %mul3A_297 = arith.mulf %max3A_296, %get3A_21 : vector<16xf32>
          %add3A_298 = arith.addf %add3A_286, %mul3A_297 : vector<16xf32>
          %reduce_sum3A = arith.constant true
          %reduce_sum3A_299 = vector.broadcast %reduce_sum3A : i1 to vector<16xi1>
          %reduce_sum3A_300 = tpu.scan <sum>, %add3A_298 masked %reduce_sum3A_299 : vector<16xf32>, vector<16xi1> -> vector<16xf32>
          %reduce_sum3A_301 = vector.extract %reduce_sum3A_300[15] : f32 from vector<16xf32>
          %broadcast_in_dim3A = vector.broadcast %reduce_sum3A_301 : f32 to vector<16xf32>
          %add3A_302 = arith.addf %broadcast_in_dim3A, %get3A_23 : vector<16xf32>
          %neg3A = arith.constant 0.000000e+00 : f32
          %neg3A_303 = vector.broadcast %neg3A : f32 to vector<16xf32>
          %neg3A_304 = arith.subf %neg3A_303, %add3A_302 : vector<16xf32>
          %exp3A = math.exp %neg3A_304 : vector<16xf32>
          %add3A_305 = arith.constant 1.000000e+00 : f32
          %add3A_306 = vector.broadcast %add3A_305 : f32 to vector<16xf32>
          %add3A_307 = arith.addf %add3A_306, %exp3A : vector<16xf32>
          %div3A = arith.constant 1.000000e+00 : f32
          %div3A_308 = vector.broadcast %div3A : f32 to vector<16xf32>
          %div3A_309 = arith.divf %div3A_308, %add3A_307 : vector<16xf32>
          %get3A_310 = arith.index_cast %scan3A_204 : i32 to index
          %get3A_311 = arith.constant 0 : index
          %get3A_312 = tpu.vector_load %arg22[%get3A_310, %get3A_311] {strides = array<i32>} : memref<40x128xf32, #tpu.memory_space<vmem>>, vector<16xf32>,
          %mul3A_313 = arith.mulf %get3A_312, %div3A_309 : vector<16xf32>
          %swap3A = arith.index_cast %scan3A_204 : i32 to index
          %swap3A_314 = arith.constant 0 : index
          %swap3A_315 = tpu.vector_load %arg24[%swap3A, %swap3A_314] {strides = array<i32>} : memref<40x128xf32, #tpu.memory_space<vmem>>, vector<16xf32>,
          tpu.vector_store %arg24[%swap3A, %swap3A_314], %mul3A_313 {strides = array<i32>} : memref<40x128xf32, #tpu.memory_space<vmem>>, vector<16xf32>,
          %get3A_316 = arith.index_cast %scan3A_204 : i32 to index
          %get3A_317 = arith.constant 16 : index
          %get3A_318 = tpu.vector_load %arg22[%get3A_316, %get3A_317] {strides = array<i32>} : memref<40x128xf32, #tpu.memory_space<vmem>>, vector<16xf32>,
          %mul3A_319 = arith.mulf %get3A_318, %div3A_309 : vector<16xf32>
          %swap3A_320 = arith.index_cast %scan3A_204 : i32 to index
          %swap3A_321 = arith.constant 16 : index
          %swap3A_322 = tpu.vector_load %arg24[%swap3A_320, %swap3A_321] {strides = array<i32>} : memref<40x128xf32, #tpu.memory_space<vmem>>, vector<16xf32>,
          tpu.vector_store %arg24[%swap3A_320, %swap3A_321], %mul3A_319 {strides = array<i32>} : memref<40x128xf32, #tpu.memory_space<vmem>>, vector<16xf32>,
          %get3A_323 = arith.index_cast %scan3A_204 : i32 to index
          %get3A_324 = arith.constant 32 : index
          %get3A_325 = tpu.vector_load %arg22[%get3A_323, %get3A_324] {strides = array<i32>} : memref<40x128xf32, #tpu.memory_space<vmem>>, vector<16xf32>,
          %mul3A_326 = arith.mulf %get3A_325, %div3A_309 : vector<16xf32>
          %swap3A_327 = arith.index_cast %scan3A_204 : i32 to index
          %swap3A_328 = arith.constant 32 : index
          %swap3A_329 = tpu.vector_load %arg24[%swap3A_327, %swap3A_328] {strides = array<i32>} : memref<40x128xf32, #tpu.memory_space<vmem>>, vector<16xf32>,
          tpu.vector_store %arg24[%swap3A_327, %swap3A_328], %mul3A_326 {strides = array<i32>} : memref<40x128xf32, #tpu.memory_space<vmem>>, vector<16xf32>,
          %get3A_330 = arith.index_cast %scan3A_204 : i32 to index
          %get3A_331 = arith.constant 48 : index
          %get3A_332 = tpu.vector_load %arg22[%get3A_330, %get3A_331] {strides = array<i32>} : memref<40x128xf32, #tpu.memory_space<vmem>>, vector<16xf32>,
          %mul3A_333 = arith.mulf %get3A_332, %div3A_309 : vector<16xf32>
          %swap3A_334 = arith.index_cast %scan3A_204 : i32 to index
          %swap3A_335 = arith.constant 48 : index
          %swap3A_336 = tpu.vector_load %arg24[%swap3A_334, %swap3A_335] {strides = array<i32>} : memref<40x128xf32, #tpu.memory_space<vmem>>, vector<16xf32>,
          tpu.vector_store %arg24[%swap3A_334, %swap3A_335], %mul3A_333 {strides = array<i32>} : memref<40x128xf32, #tpu.memory_space<vmem>>, vector<16xf32>,
          %get3A_337 = arith.index_cast %scan3A_204 : i32 to index
          %get3A_338 = arith.constant 64 : index
          %get3A_339 = tpu.vector_load %arg22[%get3A_337, %get3A_338] {strides = array<i32>} : memref<40x128xf32, #tpu.memory_space<vmem>>, vector<16xf32>,
          %mul3A_340 = arith.mulf %get3A_339, %div3A_309 : vector<16xf32>
          %swap3A_341 = arith.index_cast %scan3A_204 : i32 to index
          %swap3A_342 = arith.constant 64 : index
          %swap3A_343 = tpu.vector_load %arg24[%swap3A_341, %swap3A_342] {strides = array<i32>} : memref<40x128xf32, #tpu.memory_space<vmem>>, vector<16xf32>,
          tpu.vector_store %arg24[%swap3A_341, %swap3A_342], %mul3A_340 {strides = array<i32>} : memref<40x128xf32, #tpu.memory_space<vmem>>, vector<16xf32>,
          %get3A_344 = arith.index_cast %scan3A_204 : i32 to index
          %get3A_345 = arith.constant 80 : index
          %get3A_346 = tpu.vector_load %arg22[%get3A_344, %get3A_345] {strides = array<i32>} : memref<40x128xf32, #tpu.memory_space<vmem>>, vector<16xf32>,
          %mul3A_347 = arith.mulf %get3A_346, %div3A_309 : vector<16xf32>
          %swap3A_348 = arith.index_cast %scan3A_204 : i32 to index
          %swap3A_349 = arith.constant 80 : index
          %swap3A_350 = tpu.vector_load %arg24[%swap3A_348, %swap3A_349] {strides = array<i32>} : memref<40x128xf32, #tpu.memory_space<vmem>>, vector<16xf32>,
          tpu.vector_store %arg24[%swap3A_348, %swap3A_349], %mul3A_347 {strides = array<i32>} : memref<40x128xf32, #tpu.memory_space<vmem>>, vector<16xf32>,
          %get3A_351 = arith.index_cast %scan3A_204 : i32 to index
          %get3A_352 = arith.constant 96 : index
          %get3A_353 = tpu.vector_load %arg22[%get3A_351, %get3A_352] {strides = array<i32>} : memref<40x128xf32, #tpu.memory_space<vmem>>, vector<16xf32>,
          %mul3A_354 = arith.mulf %get3A_353, %div3A_309 : vector<16xf32>
          %swap3A_355 = arith.index_cast %scan3A_204 : i32 to index
          %swap3A_356 = arith.constant 96 : index
          %swap3A_357 = tpu.vector_load %arg24[%swap3A_355, %swap3A_356] {strides = array<i32>} : memref<40x128xf32, #tpu.memory_space<vmem>>, vector<16xf32>,
          tpu.vector_store %arg24[%swap3A_355, %swap3A_356], %mul3A_354 {strides = array<i32>} : memref<40x128xf32, #tpu.memory_space<vmem>>, vector<16xf32>,
          %get3A_358 = arith.index_cast %scan3A_204 : i32 to index
          %get3A_359 = arith.constant 112 : index
          %get3A_360 = tpu.vector_load %arg22[%get3A_358, %get3A_359] {strides = array<i32>} : memref<40x128xf32, #tpu.memory_space<vmem>>, vector<16xf32>,
          %mul3A_361 = arith.mulf %get3A_360, %div3A_309 : vector<16xf32>
          %swap3A_362 = arith.index_cast %scan3A_204 : i32 to index
          %swap3A_363 = arith.constant 112 : index
          %swap3A_364 = tpu.vector_load %arg24[%swap3A_362, %swap3A_363] {strides = array<i32>} : memref<40x128xf32, #tpu.memory_space<vmem>>, vector<16xf32>,
          tpu.vector_store %arg24[%swap3A_362, %swap3A_363], %mul3A_361 {strides = array<i32>} : memref<40x128xf32, #tpu.memory_space<vmem>>, vector<16xf32>,
        }
        %scan3A_192 = arith.constant 40 : i32
        %add3A_193 = arith.constant 1 : i32
        %add3A_194 = arith.addi %mul3A_101, %add3A_193 : i32
        %mul3A_195 = arith.constant 40 : i32
        %mul3A_196 = arith.muli %add3A_194, %mul3A_195 : i32
        %dma_start3A_197 = tpu.memref_slice %arg15[%mul3A_196] : memref<2000xi32, #tpu.memory_space<vmem>> -> memref<40xi32, #tpu.memory_space<vmem>>
        %dma_start3A_198 = arith.constant 0 : i32
        %dma_start3A_199 = arith.constant 0 : i32
        %dma_start3A_200 = tpu.memref_slice %arg25[%dma_start3A_198, %dma_start3A_199] : memref<10112x128xf32, #tpu.memory_space<vmem_shared>> -> memref<10112x128xf32, #tpu.memory_space<vmem_shared>>
        tpu.enqueue_indirect_dma source(%arg24 : memref<40x128xf32, #tpu.memory_space<vmem>>) target(%dma_start3A_200 : memref<10112x128xf32, #tpu.memory_space<vmem_shared>>) offsets(%dma_start3A_197 : memref<40xi32, #tpu.memory_space<vmem>>) semaphore(%arg30 : memref<!tpu.dma_semaphore, #tpu.memory_space<semaphore_mem>>) {add = true}
        %dma_start3A_201 = tpu.memref_slice %arg15[%mul3A_196] : memref<2000xi32, #tpu.memory_space<vmem>> -> memref<40xi32, #tpu.memory_space<vmem>>
        %dma_start3A_202 = arith.constant 0 : i32
        %dma_start3A_203 = tpu.memref_slice %arg26[%dma_start3A_202] : memref<10112xi32, #tpu.memory_space<vmem_shared>> -> memref<10112xi32, #tpu.memory_space<vmem_shared>>
        tpu.enqueue_indirect_dma source(%arg16 : memref<40xi32, #tpu.memory_space<vmem>>) target(%dma_start3A_203 : memref<10112xi32, #tpu.memory_space<vmem_shared>>) offsets(%dma_start3A_201 : memref<40xi32, #tpu.memory_space<vmem>>) semaphore(%arg32 : memref<!tpu.dma_semaphore, #tpu.memory_space<semaphore_mem>>) {add = true}
      }
      %scan3A_66 = arith.constant 25 : i32
      %dma_wait3A = arith.constant 1920 : i32
      %dma_wait3A_67 = tpu.memref_slice %arg15[%dma_wait3A] : memref<2000xi32, #tpu.memory_space<vmem>> -> memref<40xi32, #tpu.memory_space<vmem>>
      %dma_wait3A_68 = arith.constant 0 : i32
      %dma_wait3A_69 = arith.constant 0 : i32
      %dma_wait3A_70 = tpu.memref_slice %arg2[%dma_wait3A_68, %dma_wait3A_69] : memref<10000x128xf32, #tpu.memory_space<hbm>> -> memref<10000x128xf32, #tpu.memory_space<hbm>>
      tpu.wait_indirect_dma semaphore(%arg27 : memref<!tpu.dma_semaphore, #tpu.memory_space<semaphore_mem>>) src(%dma_wait3A_70 : memref<10000x128xf32, #tpu.memory_space<hbm>>) dst(%arg17 : memref<40x128xf32, #tpu.memory_space<vmem>>)
      %dma_wait3A_71 = arith.constant 1920 : i32
      %dma_wait3A_72 = tpu.memref_slice %arg14[%dma_wait3A_71] : memref<2000xi32, #tpu.memory_space<vmem>> -> memref<40xi32, #tpu.memory_space<vmem>>
      %dma_wait3A_73 = arith.constant 0 : i32
      %dma_wait3A_74 = arith.constant 0 : i32
      %dma_wait3A_75 = tpu.memref_slice %arg3[%dma_wait3A_73, %dma_wait3A_74] : memref<10000x128xf32, #tpu.memory_space<hbm>> -> memref<10000x128xf32, #tpu.memory_space<hbm>>
      tpu.wait_indirect_dma semaphore(%arg27 : memref<!tpu.dma_semaphore, #tpu.memory_space<semaphore_mem>>) src(%dma_wait3A_75 : memref<10000x128xf32, #tpu.memory_space<hbm>>) dst(%arg18 : memref<40x128xf32, #tpu.memory_space<vmem>>)
      %dma_wait3A_76 = arith.constant 1920 : i32
      %dma_wait3A_77 = tpu.memref_slice %arg14[%dma_wait3A_76] : memref<2000xi32, #tpu.memory_space<vmem>> -> memref<40xi32, #tpu.memory_space<vmem>>
      %dma_wait3A_78 = arith.constant 0 : i32
      %dma_wait3A_79 = arith.constant 0 : i32
      %dma_wait3A_80 = tpu.memref_slice %arg4[%dma_wait3A_78, %dma_wait3A_79] : memref<10000x128xf32, #tpu.memory_space<hbm>> -> memref<10000x128xf32, #tpu.memory_space<hbm>>
      tpu.wait_indirect_dma semaphore(%arg27 : memref<!tpu.dma_semaphore, #tpu.memory_space<semaphore_mem>>) src(%dma_wait3A_80 : memref<10000x128xf32, #tpu.memory_space<hbm>>) dst(%arg19 : memref<40x128xf32, #tpu.memory_space<vmem>>)
      %dma_wait3A_81 = arith.constant 1920 : i32
      %dma_wait3A_82 = tpu.memref_slice %arg15[%dma_wait3A_81] : memref<2000xi32, #tpu.memory_space<vmem>> -> memref<40xi32, #tpu.memory_space<vmem>>
      %dma_wait3A_83 = arith.constant 0 : i32
      %dma_wait3A_84 = arith.constant 0 : i32
      %dma_wait3A_85 = tpu.memref_slice %arg25[%dma_wait3A_83, %dma_wait3A_84] : memref<10112x128xf32, #tpu.memory_space<vmem_shared>> -> memref<10112x128xf32, #tpu.memory_space<vmem_shared>>
      tpu.wait_indirect_dma semaphore(%arg29 : memref<!tpu.dma_semaphore, #tpu.memory_space<semaphore_mem>>) src(%arg23 : memref<40x128xf32, #tpu.memory_space<vmem>>) dst(%dma_wait3A_85 : memref<10112x128xf32, #tpu.memory_space<vmem_shared>>)
      %dma_wait3A_86 = arith.constant 1920 : i32
      %dma_wait3A_87 = tpu.memref_slice %arg15[%dma_wait3A_86] : memref<2000xi32, #tpu.memory_space<vmem>> -> memref<40xi32, #tpu.memory_space<vmem>>
      %dma_wait3A_88 = arith.constant 0 : i32
      %dma_wait3A_89 = tpu.memref_slice %arg26[%dma_wait3A_88] : memref<10112xi32, #tpu.memory_space<vmem_shared>> -> memref<10112xi32, #tpu.memory_space<vmem_shared>>
      tpu.wait_indirect_dma semaphore(%arg31 : memref<!tpu.dma_semaphore, #tpu.memory_space<semaphore_mem>>) src(%arg16 : memref<40xi32, #tpu.memory_space<vmem>>) dst(%dma_wait3A_89 : memref<10112xi32, #tpu.memory_space<vmem_shared>>)
      %dma_wait3A_90 = arith.constant 1960 : i32
      %dma_wait3A_91 = tpu.memref_slice %arg15[%dma_wait3A_90] : memref<2000xi32, #tpu.memory_space<vmem>> -> memref<40xi32, #tpu.memory_space<vmem>>
      %dma_wait3A_92 = arith.constant 0 : i32
      %dma_wait3A_93 = arith.constant 0 : i32
      %dma_wait3A_94 = tpu.memref_slice %arg25[%dma_wait3A_92, %dma_wait3A_93] : memref<10112x128xf32, #tpu.memory_space<vmem_shared>> -> memref<10112x128xf32, #tpu.memory_space<vmem_shared>>
      tpu.wait_indirect_dma semaphore(%arg30 : memref<!tpu.dma_semaphore, #tpu.memory_space<semaphore_mem>>) src(%arg24 : memref<40x128xf32, #tpu.memory_space<vmem>>) dst(%dma_wait3A_94 : memref<10112x128xf32, #tpu.memory_space<vmem_shared>>)
      %dma_wait3A_95 = arith.constant 1960 : i32
      %dma_wait3A_96 = tpu.memref_slice %arg15[%dma_wait3A_95] : memref<2000xi32, #tpu.memory_space<vmem>> -> memref<40xi32, #tpu.memory_space<vmem>>
      %dma_wait3A_97 = arith.constant 0 : i32
      %dma_wait3A_98 = tpu.memref_slice %arg26[%dma_wait3A_97] : memref<10112xi32, #tpu.memory_space<vmem_shared>> -> memref<10112xi32, #tpu.memory_space<vmem_shared>>
      tpu.wait_indirect_dma semaphore(%arg32 : memref<!tpu.dma_semaphore, #tpu.memory_space<semaphore_mem>>) src(%arg16 : memref<40xi32, #tpu.memory_space<vmem>>) dst(%dma_wait3A_98 : memref<10112xi32, #tpu.memory_space<vmem_shared>>)
    }
    %scan3A_28 = arith.constant 5 : i32
    %barrier3A_29 = arith.constant 0 : index
    tpu.barrier barrier_id(%barrier3A_29)
    %mul3A_30 = arith.constant 632 : i32
    %mul3A_31 = arith.muli %arg1, %mul3A_30 : i32
    %mul3A_32 = arith.constant 632 : i32
    %mul3A_33 = arith.muli %arg1, %mul3A_32 : i32
    "tpu.region"() ({
      %run_scoped3A = tpu.sem_alloc : memref<!tpu.dma_semaphore, #tpu.memory_space<semaphore_mem>>
      %dma_start3A = arith.constant 0 : i32
      %dma_start3A_41 = tpu.memref_slice %arg11[%arg0, %mul3A_33, %dma_start3A] : memref<2x10112x128xf32, #tpu.memory_space<hbm>> -> memref<1x632x128xf32, #tpu.memory_space<hbm>>
      %dma_start3A_42 = tpu.memref_squeeze %dma_start3A_41 : memref<1x632x128xf32, #tpu.memory_space<hbm>> -> memref<632x128xf32, #tpu.memory_space<hbm>>
      %dma_start3A_43 = arith.constant 0 : i32
      %dma_start3A_44 = tpu.memref_slice %arg25[%mul3A_31, %dma_start3A_43] : memref<10112x128xf32, #tpu.memory_space<vmem_shared>> -> memref<632x128xf32, #tpu.memory_space<vmem_shared>>
      tpu.enqueue_dma source(%dma_start3A_44 : memref<632x128xf32, #tpu.memory_space<vmem_shared>>) target(%dma_start3A_42 : memref<632x128xf32, #tpu.memory_space<hbm>>) target_semaphore(%run_scoped3A : memref<!tpu.dma_semaphore, #tpu.memory_space<semaphore_mem>>)
      %dma_wait3A = arith.constant 0 : i32
      %dma_wait3A_45 = tpu.memref_slice %arg11[%arg0, %mul3A_33, %dma_wait3A] : memref<2x10112x128xf32, #tpu.memory_space<hbm>> -> memref<1x632x128xf32, #tpu.memory_space<hbm>>
      %dma_wait3A_46 = tpu.memref_squeeze %dma_wait3A_45 : memref<1x632x128xf32, #tpu.memory_space<hbm>> -> memref<632x128xf32, #tpu.memory_space<hbm>>
      %dma_wait3A_47 = arith.constant 0 : i32
      %dma_wait3A_48 = tpu.memref_slice %arg25[%mul3A_31, %dma_wait3A_47] : memref<10112x128xf32, #tpu.memory_space<vmem_shared>> -> memref<632x128xf32, #tpu.memory_space<vmem_shared>>
      tpu.wait_dma2 semaphore(%run_scoped3A : memref<!tpu.dma_semaphore, #tpu.memory_space<semaphore_mem>>) src(%dma_wait3A_48 : memref<632x128xf32, #tpu.memory_space<vmem_shared>>) dst(%dma_wait3A_46 : memref<632x128xf32, #tpu.memory_space<hbm>>)
      tpu.yield
    }) : () -> ()
    %mul3A_34 = arith.constant 632 : i32
    %mul3A_35 = arith.muli %arg1, %mul3A_34 : i32
    "tpu.region"() ({
      %run_scoped3A = tpu.sem_alloc : memref<!tpu.dma_semaphore, #tpu.memory_space<semaphore_mem>>
      %dma_start3A = arith.constant 0 : i32
      %dma_start3A_41 = tpu.memref_slice %arg14[%dma_start3A] : memref<2000xi32, #tpu.memory_space<vmem>> -> memref<632xi32, #tpu.memory_space<vmem>>
      %dma_start3A_42 = tpu.memref_slice %arg26[%mul3A_35] : memref<10112xi32, #tpu.memory_space<vmem_shared>> -> memref<632xi32, #tpu.memory_space<vmem_shared>>
      %dma_start3A_43 = arith.constant 0 : i32
      %dma_start3A_44 = tpu.memref_slice %arg14[%dma_start3A_43] : memref<2000xi32, #tpu.memory_space<vmem>> -> memref<632xi32, #tpu.memory_space<vmem>>
      %dma_start3A_45 = tpu.memref_slice %arg26[%mul3A_35] : memref<10112xi32, #tpu.memory_space<vmem_shared>> -> memref<632xi32, #tpu.memory_space<vmem_shared>>
      tpu.enqueue_dma source(%dma_start3A_45 : memref<632xi32, #tpu.memory_space<vmem_shared>>) target(%dma_start3A_44 : memref<632xi32, #tpu.memory_space<vmem>>) target_semaphore(%run_scoped3A : memref<!tpu.dma_semaphore, #tpu.memory_space<semaphore_mem>>)
      %dma_wait3A = arith.constant 0 : i32
      %dma_wait3A_46 = tpu.memref_slice %arg14[%dma_wait3A] : memref<2000xi32, #tpu.memory_space<vmem>> -> memref<632xi32, #tpu.memory_space<vmem>>
      %dma_wait3A_47 = tpu.memref_slice %arg26[%mul3A_35] : memref<10112xi32, #tpu.memory_space<vmem_shared>> -> memref<632xi32, #tpu.memory_space<vmem_shared>>
      %dma_wait3A_48 = arith.constant 0 : i32
      %dma_wait3A_49 = tpu.memref_slice %arg14[%dma_wait3A_48] : memref<2000xi32, #tpu.memory_space<vmem>> -> memref<632xi32, #tpu.memory_space<vmem>>
      %dma_wait3A_50 = tpu.memref_slice %arg26[%mul3A_35] : memref<10112xi32, #tpu.memory_space<vmem_shared>> -> memref<632xi32, #tpu.memory_space<vmem_shared>>
      tpu.wait_dma2 semaphore(%run_scoped3A : memref<!tpu.dma_semaphore, #tpu.memory_space<semaphore_mem>>) src(%dma_wait3A_50 : memref<632xi32, #tpu.memory_space<vmem_shared>>) dst(%dma_wait3A_49 : memref<632xi32, #tpu.memory_space<vmem>>)
      tpu.yield
    }) : () -> ()
    %mul3A_36 = arith.constant 10112 : i32
    %mul3A_37 = arith.muli %arg0, %mul3A_36 : i32
    %mul3A_38 = arith.constant 632 : i32
    %mul3A_39 = arith.muli %arg1, %mul3A_38 : i32
    %add3A_40 = arith.addi %mul3A_37, %mul3A_39 : i32
    "tpu.region"() ({
      %run_scoped3A = tpu.sem_alloc : memref<!tpu.dma_semaphore, #tpu.memory_space<semaphore_mem>>
      %dma_start3A = arith.constant 0 : i32
      %dma_start3A_41 = tpu.memref_slice %arg14[%dma_start3A] : memref<2000xi32, #tpu.memory_space<vmem>> -> memref<632xi32, #tpu.memory_space<vmem>>
      %dma_start3A_42 = tpu.memref_slice %arg12[%add3A_40] : memref<20224xi32, #tpu.memory_space<hbm>> -> memref<632xi32, #tpu.memory_space<hbm>>
      %dma_start3A_43 = tpu.memref_slice %arg12[%add3A_40] : memref<20224xi32, #tpu.memory_space<hbm>> -> memref<632xi32, #tpu.memory_space<hbm>>
      %dma_start3A_44 = arith.constant 0 : i32
      %dma_start3A_45 = tpu.memref_slice %arg14[%dma_start3A_44] : memref<2000xi32, #tpu.memory_space<vmem>> -> memref<632xi32, #tpu.memory_space<vmem>>
      tpu.enqueue_dma source(%dma_start3A_45 : memref<632xi32, #tpu.memory_space<vmem>>) target(%dma_start3A_43 : memref<632xi32, #tpu.memory_space<hbm>>) target_semaphore(%run_scoped3A : memref<!tpu.dma_semaphore, #tpu.memory_space<semaphore_mem>>)
      %dma_wait3A = arith.constant 0 : i32
      %dma_wait3A_46 = tpu.memref_slice %arg14[%dma_wait3A] : memref<2000xi32, #tpu.memory_space<vmem>> -> memref<632xi32, #tpu.memory_space<vmem>>
      %dma_wait3A_47 = tpu.memref_slice %arg12[%add3A_40] : memref<20224xi32, #tpu.memory_space<hbm>> -> memref<632xi32, #tpu.memory_space<hbm>>
      %dma_wait3A_48 = tpu.memref_slice %arg12[%add3A_40] : memref<20224xi32, #tpu.memory_space<hbm>> -> memref<632xi32, #tpu.memory_space<hbm>>
      %dma_wait3A_49 = arith.constant 0 : i32
      %dma_wait3A_50 = tpu.memref_slice %arg14[%dma_wait3A_49] : memref<2000xi32, #tpu.memory_space<vmem>> -> memref<632xi32, #tpu.memory_space<vmem>>
      tpu.wait_dma2 semaphore(%run_scoped3A : memref<!tpu.dma_semaphore, #tpu.memory_space<semaphore_mem>>) src(%dma_wait3A_50 : memref<632xi32, #tpu.memory_space<vmem>>) dst(%dma_wait3A_48 : memref<632xi32, #tpu.memory_space<hbm>>)
      tpu.yield
    }) : () -> ()
    return
  }
}

module attributes {stable_mosaic.version = 14 : i64} {
  func.func @_pre_body(%arg0: i32, %arg1: memref<2000x128xf32, #tpu.memory_space<vmem>>, %arg2: memref<128x128xf32, #tpu.memory_space<vmem>>, %arg3: memref<128x128xf32, #tpu.memory_space<vmem>>, %arg4: memref<1x128xf32, #tpu.memory_space<vmem>>, %arg5: memref<128x128xf32, #tpu.memory_space<vmem>>, %arg6: memref<1x128xf32, #tpu.memory_space<vmem>>, %arg7: memref<1x128xf32, #tpu.memory_space<vmem>>, %arg8: memref<2000x128xf32, #tpu.memory_space<vmem>>, %arg9: memref<2000x128xf32, #tpu.memory_space<vmem>>, %arg10: memref<2000x128xf32, #tpu.memory_space<vmem>>, %arg11: memref<2000x128xf32, #tpu.memory_space<vmem>>) attributes {dimension_semantics = [#tpu.dimension_semantics<arbitrary>], iteration_bounds = array<i64: 5>, scalar_prefetch = 0 : i64, scratch_operands = 0 : i64, tpu.core_type = #tpu.core_type<tc>, window_params = [{transform_indices = @transform_0, window_bounds = array<i64: 2000, 128>}, {pipeline_mode = #tpu.pipeline_mode<synchronous>, transform_indices = @transform_1, window_bounds = array<i64: 128, 128>}, {pipeline_mode = #tpu.pipeline_mode<synchronous>, transform_indices = @transform_2, window_bounds = array<i64: 128, 128>}, {pipeline_mode = #tpu.pipeline_mode<synchronous>, transform_indices = @transform_3, window_bounds = array<i64: 1, 128>}, {pipeline_mode = #tpu.pipeline_mode<synchronous>, transform_indices = @transform_4, window_bounds = array<i64: 128, 128>}, {pipeline_mode = #tpu.pipeline_mode<synchronous>, transform_indices = @transform_5, window_bounds = array<i64: 1, 128>}, {pipeline_mode = #tpu.pipeline_mode<synchronous>, transform_indices = @transform_6, window_bounds = array<i64: 1, 128>}, {transform_indices = @transform_7, window_bounds = array<i64: 2000, 128>}, {transform_indices = @transform_8, window_bounds = array<i64: 2000, 128>}, {transform_indices = @transform_9, window_bounds = array<i64: 2000, 128>}, {transform_indices = @transform_10, window_bounds = array<i64: 2000, 128>}]} {
    %get3A = arith.constant 0 : index
    %get3A_0 = arith.constant 0 : index
    %get3A_1 = vector.load %arg1[%get3A, %get3A_0] : memref<2000x128xf32, #tpu.memory_space<vmem>>, vector<2000x128xf32>
    %get3A_2 = arith.constant 0 : index
    %get3A_3 = arith.constant 0 : index
    %get3A_4 = vector.load %arg2[%get3A_2, %get3A_3] : memref<128x128xf32, #tpu.memory_space<vmem>>, vector<128x128xf32>
    %dot_general3A = arith.constant dense<0.000000e+00> : vector<2000x128xf32>
    %dot_general3A_5 = tpu.matmul %get3A_1, %get3A_4, %dot_general3A {dimension_numbers = #tpu.dot_dimension_numbers<[1], [0], [0], [1], [0, 0, 1, 1], [], []>, transpose_lhs_hint = false} : vector<2000x128xf32>, vector<128x128xf32>, vector<2000x128xf32> -> vector<2000x128xf32>
    %get3A_6 = arith.constant 0 : index
    %get3A_7 = arith.constant 0 : index
    %get3A_8 = vector.load %arg4[%get3A_6, %get3A_7] : memref<1x128xf32, #tpu.memory_space<vmem>>, vector<1x128xf32>
    %add3A = vector.broadcast %get3A_8 : vector<1x128xf32> to vector<2000x128xf32>
    %add3A_9 = arith.addf %dot_general3A_5, %add3A : vector<2000x128xf32>
    %get3A_10 = arith.constant 0 : index
    %get3A_11 = arith.constant 0 : index
    %get3A_12 = vector.load %arg3[%get3A_10, %get3A_11] : memref<128x128xf32, #tpu.memory_space<vmem>>, vector<128x128xf32>
    %dot_general3A_13 = arith.constant dense<0.000000e+00> : vector<2000x128xf32>
    %dot_general3A_14 = tpu.matmul %get3A_1, %get3A_12, %dot_general3A_13 {dimension_numbers = #tpu.dot_dimension_numbers<[1], [0], [0], [1], [0, 0, 1, 1], [], []>, transpose_lhs_hint = false} : vector<2000x128xf32>, vector<128x128xf32>, vector<2000x128xf32> -> vector<2000x128xf32>
    %get3A_15 = arith.constant 0 : index
    %get3A_16 = arith.constant 0 : index
    %get3A_17 = vector.load %arg5[%get3A_15, %get3A_16] : memref<128x128xf32, #tpu.memory_space<vmem>>, vector<128x128xf32>
    %dot_general3A_18 = arith.constant dense<0.000000e+00> : vector<2000x128xf32>
    %dot_general3A_19 = tpu.matmul %get3A_1, %get3A_17, %dot_general3A_18 {dimension_numbers = #tpu.dot_dimension_numbers<[1], [0], [0], [1], [0, 0, 1, 1], [], []>, transpose_lhs_hint = false} : vector<2000x128xf32>, vector<128x128xf32>, vector<2000x128xf32> -> vector<2000x128xf32>
    %add3A_20 = arith.addf %add3A_9, %dot_general3A_14 : vector<2000x128xf32>
    %max3A = arith.constant 0.000000e+00 : f32
    %max3A_21 = vector.broadcast %max3A : f32 to vector<2000x128xf32>
    %max3A_22 = arith.maximumf %add3A_20, %max3A_21 : vector<2000x128xf32>
    %get3A_23 = arith.constant 0 : index
    %get3A_24 = arith.constant 0 : index
    %get3A_25 = vector.load %arg6[%get3A_23, %get3A_24] : memref<1x128xf32, #tpu.memory_space<vmem>>, vector<1x128xf32>
    %mul3A = vector.broadcast %get3A_25 : vector<1x128xf32> to vector<2000x128xf32>
    %mul3A_26 = arith.mulf %max3A_22, %mul3A : vector<2000x128xf32>
    %reduce_sum3A = arith.constant dense<0.000000e+00> : vector<2000xf32>
    %reduce_sum3A_27 = vector.multi_reduction <add>, %mul3A_26, %reduce_sum3A [1] : vector<2000x128xf32> to vector<2000xf32>
    %broadcast_in_dim3A = vector.shape_cast %reduce_sum3A_27 : vector<2000xf32> to vector<2000x1xf32>
    %get3A_28 = arith.constant 0 : index
    %get3A_29 = arith.constant 0 : index
    %get3A_30 = vector.load %arg7[%get3A_28, %get3A_29] : memref<1x128xf32, #tpu.memory_space<vmem>>, vector<1x128xf32>
    %slice3A = vector.extract_strided_slice %get3A_30 {offsets = [0, 0], sizes = [1, 1], strides = [1, 1]} : vector<1x128xf32> to vector<1x1xf32>
    %add3A_31 = vector.broadcast %slice3A : vector<1x1xf32> to vector<2000x1xf32>
    %add3A_32 = arith.addf %broadcast_in_dim3A, %add3A_31 : vector<2000x1xf32>
    %neg3A = arith.constant 0.000000e+00 : f32
    %neg3A_33 = vector.broadcast %neg3A : f32 to vector<2000x1xf32>
    %neg3A_34 = arith.subf %neg3A_33, %add3A_32 : vector<2000x1xf32>
    %exp3A = math.exp %neg3A_34 : vector<2000x1xf32>
    %add3A_35 = arith.constant 1.000000e+00 : f32
    %add3A_36 = vector.broadcast %add3A_35 : f32 to vector<2000x1xf32>
    %add3A_37 = arith.addf %add3A_36, %exp3A : vector<2000x1xf32>
    %div3A = arith.constant 1.000000e+00 : f32
    %div3A_38 = vector.broadcast %div3A : f32 to vector<2000x1xf32>
    %div3A_39 = arith.divf %div3A_38, %add3A_37 : vector<2000x1xf32>
    %swap3A = arith.constant 0 : index
    %swap3A_40 = arith.constant 0 : index
    %swap3A_41 = vector.load %arg8[%swap3A, %swap3A_40] : memref<2000x128xf32, #tpu.memory_space<vmem>>, vector<2000x128xf32>
    tpu.vector_store %arg8[%swap3A, %swap3A_40], %add3A_9 {strides = array<i32>} : memref<2000x128xf32, #tpu.memory_space<vmem>>, vector<2000x128xf32>,
    %swap3A_42 = arith.constant 0 : index
    %swap3A_43 = arith.constant 0 : index
    %swap3A_44 = vector.load %arg9[%swap3A_42, %swap3A_43] : memref<2000x128xf32, #tpu.memory_space<vmem>>, vector<2000x128xf32>
    tpu.vector_store %arg9[%swap3A_42, %swap3A_43], %dot_general3A_14 {strides = array<i32>} : memref<2000x128xf32, #tpu.memory_space<vmem>>, vector<2000x128xf32>,
    %swap3A_45 = arith.constant 0 : index
    %swap3A_46 = arith.constant 0 : index
    %swap3A_47 = vector.load %arg10[%swap3A_45, %swap3A_46] : memref<2000x128xf32, #tpu.memory_space<vmem>>, vector<2000x128xf32>
    tpu.vector_store %arg10[%swap3A_45, %swap3A_46], %dot_general3A_19 {strides = array<i32>} : memref<2000x128xf32, #tpu.memory_space<vmem>>, vector<2000x128xf32>,
    %mul3A_48 = vector.broadcast %div3A_39 : vector<2000x1xf32> to vector<2000x128xf32>
    %mul3A_49 = arith.mulf %mul3A_48, %dot_general3A_19 : vector<2000x128xf32>
    %swap3A_50 = arith.constant 0 : index
    %swap3A_51 = arith.constant 0 : index
    %swap3A_52 = vector.load %arg11[%swap3A_50, %swap3A_51] : memref<2000x128xf32, #tpu.memory_space<vmem>>, vector<2000x128xf32>
    tpu.vector_store %arg11[%swap3A_50, %swap3A_51], %mul3A_49 {strides = array<i32>} : memref<2000x128xf32, #tpu.memory_space<vmem>>, vector<2000x128xf32>,
    return
  }
  func.func @transform_0(%arg0: i32) -> (i32, i32) {
    %c0_i32 = arith.constant 0 : i32
    %c0_i32_0 = arith.constant 0 : i32
    return %arg0, %c0_i32 : i32, i32
  }
  func.func @transform_1(%arg0: i32) -> (i32, i32) {
    %c0_i32 = arith.constant 0 : i32
    %c0_i32_0 = arith.constant 0 : i32
    %c0_i32_1 = arith.constant 0 : i32
    return %c0_i32, %c0_i32_0 : i32, i32
  }
  func.func @transform_2(%arg0: i32) -> (i32, i32) {
    %c0_i32 = arith.constant 0 : i32
    %c0_i32_0 = arith.constant 0 : i32
    %c0_i32_1 = arith.constant 0 : i32
    return %c0_i32, %c0_i32_0 : i32, i32
  }
  func.func @transform_3(%arg0: i32) -> (i32, i32) {
    %c0_i32 = arith.constant 0 : i32
    %c0_i32_0 = arith.constant 0 : i32
    %c0_i32_1 = arith.constant 0 : i32
    return %c0_i32, %c0_i32_0 : i32, i32
  }
  func.func @transform_4(%arg0: i32) -> (i32, i32) {
    %c0_i32 = arith.constant 0 : i32
    %c0_i32_0 = arith.constant 0 : i32
    %c0_i32_1 = arith.constant 0 : i32
    return %c0_i32, %c0_i32_0 : i32, i32
  }
  func.func @transform_5(%arg0: i32) -> (i32, i32) {
    %c0_i32 = arith.constant 0 : i32
    %c0_i32_0 = arith.constant 0 : i32
    %c0_i32_1 = arith.constant 0 : i32
    return %c0_i32, %c0_i32_0 : i32, i32
  }
  func.func @transform_6(%arg0: i32) -> (i32, i32) {
    %c0_i32 = arith.constant 0 : i32
    %c0_i32_0 = arith.constant 0 : i32
    %c0_i32_1 = arith.constant 0 : i32
    return %c0_i32, %c0_i32_0 : i32, i32
  }
  func.func @transform_7(%arg0: i32) -> (i32, i32) {
    %c0_i32 = arith.constant 0 : i32
    %c0_i32_0 = arith.constant 0 : i32
    return %arg0, %c0_i32 : i32, i32
  }
  func.func @transform_8(%arg0: i32) -> (i32, i32) {
    %c0_i32 = arith.constant 0 : i32
    %c0_i32_0 = arith.constant 0 : i32
    return %arg0, %c0_i32 : i32, i32
  }
  func.func @transform_9(%arg0: i32) -> (i32, i32) {
    %c0_i32 = arith.constant 0 : i32
    %c0_i32_0 = arith.constant 0 : i32
    return %arg0, %c0_i32 : i32, i32
  }
  func.func @transform_10(%arg0: i32) -> (i32, i32) {
    %c0_i32 = arith.constant 0 : i32
    %c0_i32_0 = arith.constant 0 : i32
    return %arg0, %c0_i32 : i32, i32
  }
}

module attributes {stable_mosaic.version = 14 : i64} {
  func.func @_combine_body(%arg0: i32, %arg1: memref<2x2000x128xf32, #tpu.memory_space<vmem>>, %arg2: memref<2000x1xf32, #tpu.memory_space<vmem>>, %arg3: memref<2000x128xf32, #tpu.memory_space<vmem>>, %arg4: memref<1x128xf32, #tpu.memory_space<vmem>>, %arg5: memref<2000x128xf32, #tpu.memory_space<vmem>>) attributes {dimension_semantics = [#tpu.dimension_semantics<arbitrary>], iteration_bounds = array<i64: 5>, scalar_prefetch = 0 : i64, scratch_operands = 0 : i64, tpu.core_type = #tpu.core_type<tc>, window_params = [{transform_indices = @transform_0, window_bounds = array<i64: 2, 2000, 128>}, {transform_indices = @transform_1, window_bounds = array<i64: 2000, 1>}, {transform_indices = @transform_2, window_bounds = array<i64: 2000, 128>}, {pipeline_mode = #tpu.pipeline_mode<synchronous>, transform_indices = @transform_3, window_bounds = array<i64: 1, 128>}, {transform_indices = @transform_4, window_bounds = array<i64: 2000, 128>}]} {
    %get3A = arith.constant 0 : index
    %get3A_0 = arith.constant 0 : index
    %get3A_1 = arith.constant 0 : index
    %get3A_2 = vector.load %arg1[%get3A, %get3A_0, %get3A_1] : memref<2x2000x128xf32, #tpu.memory_space<vmem>>, vector<1x2000x128xf32>
    %get3A_3 = vector.shape_cast %get3A_2 : vector<1x2000x128xf32> to vector<2000x128xf32>
    %get3A_4 = arith.constant 1 : index
    %get3A_5 = arith.constant 0 : index
    %get3A_6 = arith.constant 0 : index
    %get3A_7 = vector.load %arg1[%get3A_4, %get3A_5, %get3A_6] : memref<2x2000x128xf32, #tpu.memory_space<vmem>>, vector<1x2000x128xf32>
    %get3A_8 = vector.shape_cast %get3A_7 : vector<1x2000x128xf32> to vector<2000x128xf32>
    %add3A = arith.addf %get3A_3, %get3A_8 : vector<2000x128xf32>
    %get3A_9 = arith.constant 0 : index
    %get3A_10 = arith.constant 0 : index
    %get3A_11 = vector.load %arg3[%get3A_9, %get3A_10] : memref<2000x128xf32, #tpu.memory_space<vmem>>, vector<2000x128xf32>
    %add3A_12 = arith.addf %add3A, %get3A_11 : vector<2000x128xf32>
    %get3A_13 = arith.constant 0 : index
    %get3A_14 = arith.constant 0 : index
    %get3A_15 = vector.load %arg2[%get3A_13, %get3A_14] : memref<2000x1xf32, #tpu.memory_space<vmem>>, vector<2000x1xf32>
    %add3A_16 = arith.constant 1.000000e+00 : f32
    %add3A_17 = vector.broadcast %add3A_16 : f32 to vector<2000x1xf32>
    %add3A_18 = arith.addf %get3A_15, %add3A_17 : vector<2000x1xf32>
    %div3A = vector.broadcast %add3A_18 : vector<2000x1xf32> to vector<2000x128xf32>
    %div3A_19 = arith.divf %add3A_12, %div3A : vector<2000x128xf32>
    %get3A_20 = arith.constant 0 : index
    %get3A_21 = arith.constant 0 : index
    %get3A_22 = vector.load %arg4[%get3A_20, %get3A_21] : memref<1x128xf32, #tpu.memory_space<vmem>>, vector<1x128xf32>
    %add3A_23 = vector.broadcast %get3A_22 : vector<1x128xf32> to vector<2000x128xf32>
    %add3A_24 = arith.addf %div3A_19, %add3A_23 : vector<2000x128xf32>
    %max3A = arith.constant 0.000000e+00 : f32
    %max3A_25 = vector.broadcast %max3A : f32 to vector<2000x128xf32>
    %max3A_26 = arith.maximumf %add3A_24, %max3A_25 : vector<2000x128xf32>
    %swap3A = arith.constant 0 : index
    %swap3A_27 = arith.constant 0 : index
    %swap3A_28 = vector.load %arg5[%swap3A, %swap3A_27] : memref<2000x128xf32, #tpu.memory_space<vmem>>, vector<2000x128xf32>
    tpu.vector_store %arg5[%swap3A, %swap3A_27], %max3A_26 {strides = array<i32>} : memref<2000x128xf32, #tpu.memory_space<vmem>>, vector<2000x128xf32>,
    return
  }
  func.func @transform_0(%arg0: i32) -> (i32, i32, i32) {
    %c0_i32 = arith.constant 0 : i32
    %c0_i32_0 = arith.constant 0 : i32
    %c0_i32_1 = arith.constant 0 : i32
    return %c0_i32, %arg0, %c0_i32_0 : i32, i32, i32
  }
  func.func @transform_1(%arg0: i32) -> (i32, i32) {
    %c0_i32 = arith.constant 0 : i32
    %c0_i32_0 = arith.constant 0 : i32
    return %arg0, %c0_i32 : i32, i32
  }
  func.func @transform_2(%arg0: i32) -> (i32, i32) {
    %c0_i32 = arith.constant 0 : i32
    %c0_i32_0 = arith.constant 0 : i32
    return %arg0, %c0_i32 : i32, i32
  }
  func.func @transform_3(%arg0: i32) -> (i32, i32) {
    %c0_i32 = arith.constant 0 : i32
    %c0_i32_0 = arith.constant 0 : i32
    %c0_i32_1 = arith.constant 0 : i32
    return %c0_i32, %c0_i32_0 : i32, i32
  }
  func.func @transform_4(%arg0: i32) -> (i32, i32) {
    %c0_i32 = arith.constant 0 : i32
    %c0_i32_0 = arith.constant 0 : i32
    return %arg0, %c0_i32 : i32, i32
  }
}

module attributes {stable_mosaic.version = 14 : i64} {
  func.func @_combine_body(%arg0: i32, %arg1: memref<2x2000x128xf32, #tpu.memory_space<vmem>>, %arg2: memref<2000x1xf32, #tpu.memory_space<vmem>>, %arg3: memref<2000x128xf32, #tpu.memory_space<vmem>>, %arg4: memref<1x128xf32, #tpu.memory_space<vmem>>, %arg5: memref<2000x128xf32, #tpu.memory_space<vmem>>) attributes {dimension_semantics = [#tpu.dimension_semantics<arbitrary>], iteration_bounds = array<i64: 5>, scalar_prefetch = 0 : i64, scratch_operands = 0 : i64, tpu.core_type = #tpu.core_type<tc>, window_params = [{transform_indices = @transform_0, window_bounds = array<i64: 2, 2000, 128>}, {transform_indices = @transform_1, window_bounds = array<i64: 2000, 1>}, {transform_indices = @transform_2, window_bounds = array<i64: 2000, 128>}, {pipeline_mode = #tpu.pipeline_mode<synchronous>, transform_indices = @transform_3, window_bounds = array<i64: 1, 128>}, {transform_indices = @transform_4, window_bounds = array<i64: 2000, 128>}]} {
    %get3A = arith.constant 0 : index
    %get3A_0 = arith.constant 0 : index
    %get3A_1 = arith.constant 0 : index
    %get3A_2 = vector.load %arg1[%get3A, %get3A_0, %get3A_1] : memref<2x2000x128xf32, #tpu.memory_space<vmem>>, vector<1x2000x128xf32>
    %get3A_3 = vector.shape_cast %get3A_2 : vector<1x2000x128xf32> to vector<2000x128xf32>
    %get3A_4 = arith.constant 1 : index
    %get3A_5 = arith.constant 0 : index
    %get3A_6 = arith.constant 0 : index
    %get3A_7 = vector.load %arg1[%get3A_4, %get3A_5, %get3A_6] : memref<2x2000x128xf32, #tpu.memory_space<vmem>>, vector<1x2000x128xf32>
    %get3A_8 = vector.shape_cast %get3A_7 : vector<1x2000x128xf32> to vector<2000x128xf32>
    %add3A = arith.addf %get3A_3, %get3A_8 : vector<2000x128xf32>
    %get3A_9 = arith.constant 0 : index
    %get3A_10 = arith.constant 0 : index
    %get3A_11 = vector.load %arg3[%get3A_9, %get3A_10] : memref<2000x128xf32, #tpu.memory_space<vmem>>, vector<2000x128xf32>
    %add3A_12 = arith.addf %add3A, %get3A_11 : vector<2000x128xf32>
    %get3A_13 = arith.constant 0 : index
    %get3A_14 = arith.constant 0 : index
    %get3A_15 = vector.load %arg2[%get3A_13, %get3A_14] : memref<2000x1xf32, #tpu.memory_space<vmem>>, vector<2000x1xf32>
    %add3A_16 = arith.constant 1.000000e+00 : f32
    %add3A_17 = vector.broadcast %add3A_16 : f32 to vector<2000x1xf32>
    %add3A_18 = arith.addf %get3A_15, %add3A_17 : vector<2000x1xf32>
    %div3A = vector.broadcast %add3A_18 : vector<2000x1xf32> to vector<2000x128xf32>
    %div3A_19 = arith.divf %add3A_12, %div3A : vector<2000x128xf32>
    %get3A_20 = arith.constant 0 : index
    %get3A_21 = arith.constant 0 : index
    %get3A_22 = vector.load %arg4[%get3A_20, %get3A_21] : memref<1x128xf32, #tpu.memory_space<vmem>>, vector<1x128xf32>
    %add3A_23 = vector.broadcast %get3A_22 : vector<1x128xf32> to vector<2000x128xf32>
    %add3A_24 = arith.addf %div3A_19, %add3A_23 : vector<2000x128xf32>
    %swap3A = arith.constant 0 : index
    %swap3A_25 = arith.constant 0 : index
    %swap3A_26 = vector.load %arg5[%swap3A, %swap3A_25] : memref<2000x128xf32, #tpu.memory_space<vmem>>, vector<2000x128xf32>
    tpu.vector_store %arg5[%swap3A, %swap3A_25], %add3A_24 {strides = array<i32>} : memref<2000x128xf32, #tpu.memory_space<vmem>>, vector<2000x128xf32>,
    return
  }
  func.func @transform_0(%arg0: i32) -> (i32, i32, i32) {
    %c0_i32 = arith.constant 0 : i32
    %c0_i32_0 = arith.constant 0 : i32
    %c0_i32_1 = arith.constant 0 : i32
    return %c0_i32, %arg0, %c0_i32_0 : i32, i32, i32
  }
  func.func @transform_1(%arg0: i32) -> (i32, i32) {
    %c0_i32 = arith.constant 0 : i32
    %c0_i32_0 = arith.constant 0 : i32
    return %arg0, %c0_i32 : i32, i32
  }
  func.func @transform_2(%arg0: i32) -> (i32, i32) {
    %c0_i32 = arith.constant 0 : i32
    %c0_i32_0 = arith.constant 0 : i32
    return %arg0, %c0_i32 : i32, i32
  }
  func.func @transform_3(%arg0: i32) -> (i32, i32) {
    %c0_i32 = arith.constant 0 : i32
    %c0_i32_0 = arith.constant 0 : i32
    %c0_i32_1 = arith.constant 0 : i32
    return %c0_i32, %c0_i32_0 : i32, i32
  }
  func.func @transform_4(%arg0: i32) -> (i32, i32) {
    %c0_i32 = arith.constant 0 : i32
    %c0_i32_0 = arith.constant 0 : i32
    return %arg0, %c0_i32 : i32, i32
  }
}

</mosaic_0001>

<sc_bundles>
// kernel: kernel.11.cloned.1.call-start
scs
__scs_entry_jumppad:
0x0: {  	(pc) =	sbr.rel $0x88, $3  }
0x1: {  	(tag) =	ssettag $0x0;
	lr =	simm.s32 $0x1  }
0x2: {  	[smem:$0x3F93] =	sst lr;
	_ =	strace $0xD0000000  }
0x3: {  	_ = 	snop  }
0x4: {  	_ = 	snop  }
0x5: {  	_ = 	snop  }
0x6: {  	_ = 	snop  }
0x7: {  	_ = 	snop  }
__scs_overlays_trampoline_lowered:
0x8: {  	[smem:$0x3FA2] =	sst s0  }
0x9: {  	[smem:$0x3FA3] =	sst s1  }
0xa: {  	[smem:$0x3FA4] =	sst s2  }
0xb: {  	[smem:$0x3FA5] =	sst s3  }
0xc: {  	[smem:$0x3FA6] =	sst s4  }
0xd: {  	[smem:$0x3FA7] =	sst s5  }
0xe: {  	[smem:$0x3FA8] =	sst s6  }
0xf: {  	[smem:$0x3FA9] =	sst s7  }
0x10: {  	[smem:$0x3FAA] =	sst s8  }
0x11: {  	[smem:$0x3FAB] =	sst s9;
	s0 =	simm.s32 @!p0 $0x0  }
0x12: {  	s1 =	sld [smem:$0x3F91];
	s0 =	simm.s32 @p0 $0x1  }
0x13: {  	[smem:$0x3FAC] =	sst s0;
	s0 =	simm.s32 @!p1 $0x0  }
0x14: {  	s2 =	sld [smem:$0x3F90];
	s0 =	simm.s32 @p1 $0x1  }
0x15: {  	[smem:$0x3FAD] =	sst s0;
	s0 =	simm.s32 @!p2 $0x0  }
0x16: {  	s3 =	sld [smem:$0x3FDB];
	s0 =	simm.s32 @p2 $0x1  }
0x17: {  	s4 =	simm.s32 $0x1BF5;
	[smem:$0x3FAF] =	sst s0  }
0x18: {  	s0 =	sld [smem:$0x3F92];
	_ =	swait.ge [sflag:s4], $0x0  }
0x19: {  	s7 =	sld [smem:$0x3F93]  }
0x1a: {  	s8 =	sadd.s32 $0xFFFFE003, lr  }
0x1b: {  	s9 =	sadd.s32 $0xFFFFFEF7, lr;
	s5 =	simm.s32 $0xFFFFFFFF;
	p2 =	slt.u32 s8, $0xFFFFF086  }
0x1c: {  	p1 =	slt.u32 s9, $0xF7A;
	s5 =	simm.s32 @!p2 $0x0  }
0x1d: {  	s5 =	simm.s32 @p1 $0x1;
	p0 =	seq.s32 s7, s2  }
0x1e: {  	s7 =	smul.u32 @!p0 $0xF7A, s2;
	p2 =	seq.s32 @!p0 s5, $0x0  }
0x1f: {  	s9 =	smul.u32 $0xF7A, s1;
	s8 =	simm.s32 @!p0 $0x1BF5;
	p2 =	por !p2, p0  }
0x20: {  	[sflag:s8] =	ssyncset.s32 @!p0 $0xFFFFF086;
	s6 =	sadd.s32 @!p0 s3, s7;
	s7 =	simm.s32 @!p0 $0x108  }
0x21: {  	s3 =	sadd.s32 s3, s9;
	s6 =	sadd.s32 @!p0 $0x88, s6;
	s7 =	simm.s32 @p2 $0x1082  }
0x22: {  	[simem:s7], [sflag:s8] =	dma.local @!p0 [hbm:s6], $0xF7A  }
0x23: {  	s9 =	sor.u32 $0xD0000000, s2;
	s6 =	simm.s32 $0x108;
	_ =	swait.ge @!p0 [sflag:s8], $0x0  }
0x24: {  	s3 =	sadd.s32 $0x88, s3;
	s6 =	simm.s32 @!p1 $0x1082;
	[sflag:s4] =	ssyncset.s32 $0xFFFFF086  }
0x25: {  	[simem:s6], [sflag:s4] =	dma.local [hbm:s3], $0xF7A  }
0x26: {  	[smem:$0x3F93] =	sst s1;
	(tag) =	ssettag s2;
	_ =	strace s9  }
0x27: {  	s1 =	sld [smem:$0x3FA3]  }
0x28: {  	s2 =	sld [smem:$0x3FA4]  }
0x29: {  	s4 =	sld [smem:$0x3FA6]  }
0x2a: {  	p0 =	seq.s32 s5, $0x0;
	s5 =	sld [smem:$0x3FA7]  }
0x2b: {  	s6 =	sld [smem:$0x3FA8]  }
0x2c: {  	s7 =	sld [smem:$0x3FA9]  }
0x2d: {  	s3 =	simm.s32 $0x108;
	s8 =	sld [smem:$0x3FAA]  }
0x2e: {  	s3 =	simm.s32 @!p0 $0x1082;
	s9 =	sld [smem:$0x3FAB]  }
0x2f: {  	lr =	sadd.s32 s0, s3;
	s0 =	sld [smem:$0x3FA2]  }
0x30: {  	s3 =	sld [smem:$0x3FA5]  }
0x31: {  	[smem:$0x3FAE] =	sst s10  }
0x32: {  	s10 =	sld [smem:$0x3FAC];
	_ =	sdelay $0x3  }
0x33: {  	p0 =	seq.s32 s10, $0x1;
	s10 =	sld [smem:$0x3FAE];
	_ =	sdelay $0x3  }
0x34: {  	[smem:$0x3FAE] =	sst s10  }
0x35: {  	s10 =	sld [smem:$0x3FAD];
	_ =	sdelay $0x3  }
0x36: {  	p1 =	seq.s32 s10, $0x1;
	s10 =	sld [smem:$0x3FAE];
	_ =	sdelay $0x3  }
0x37: {  	[smem:$0x3FAE] =	sst s10  }
0x38: {  	s10 =	sld [smem:$0x3FAF]  }
0x39: {  	_ = 	snop;
	(pc) =	sbr.ind lr, $3  }
0x3a: {  	_ = 	snop  }
0x3b: {  	_ = 	snop  }
0x3c: {  	p2 =	seq.s32 s10, $0x1;
	s10 =	sld [smem:$0x3FAE]  }
0x3d: {  	_ =	shalt  }
0x3e: {  	_ =	shalt  }
0x3f: {  	_ =	shalt  }
0x40: {  	_ =	shalt  }
0x41: {  	_ =	shalt  }
0x42: {  	_ =	shalt  }
0x43: {  	_ =	shalt  }
0x44: {  	_ =	shalt  }
0x45: {  	_ =	shalt  }
0x46: {  	_ =	shalt  }
0x47: {  	_ =	shalt  }
0x48: {  	_ =	shalt  }
0x49: {  	_ =	shalt  }
0x4a: {  	_ =	shalt  }
0x4b: {  	_ =	shalt  }
0x4c: {  	_ =	shalt  }
0x4d: {  	_ =	shalt  }
0x4e: {  	_ =	shalt  }
0x4f: {  	_ =	shalt  }
0x50: {  	_ =	shalt  }
0x51: {  	_ =	shalt  }
0x52: {  	_ =	shalt  }
0x53: {  	_ =	shalt  }
0x54: {  	_ =	shalt  }
0x55: {  	_ =	shalt  }
0x56: {  	_ =	shalt  }
0x57: {  	_ =	shalt  }
0x58: {  	_ =	shalt  }
0x59: {  	_ =	shalt  }
0x5a: {  	_ =	shalt  }
0x5b: {  	_ =	shalt  }
0x5c: {  	_ =	shalt  }
0x5d: {  	_ =	shalt  }
0x5e: {  	_ =	shalt  }
0x5f: {  	_ =	shalt  }
0x60: {  	_ =	shalt  }
0x61: {  	_ =	shalt  }
0x62: {  	_ =	shalt  }
0x63: {  	_ =	shalt  }
0x64: {  	_ =	shalt  }
0x65: {  	_ =	shalt  }
0x66: {  	_ =	shalt  }
0x67: {  	_ =	shalt  }
0x68: {  	_ =	shalt  }
0x69: {  	_ =	shalt  }
0x6a: {  	_ =	shalt  }
0x6b: {  	_ =	shalt  }
0x6c: {  	_ =	shalt  }
0x6d: {  	_ =	shalt  }
0x6e: {  	_ =	shalt  }
0x6f: {  	_ =	shalt  }
0x70: {  	_ =	shalt  }
0x71: {  	_ =	shalt  }
0x72: {  	_ =	shalt  }
0x73: {  	_ =	shalt  }
0x74: {  	_ =	shalt  }
0x75: {  	_ =	shalt  }
0x76: {  	_ =	shalt  }
0x77: {  	_ =	shalt  }
0x78: {  	_ =	shalt  }
0x79: {  	_ =	shalt  }
0x7a: {  	_ =	shalt  }
0x7b: {  	_ =	shalt  }
0x7c: {  	_ =	shalt  }
0x7d: {  	_ =	shalt  }
0x7e: {  	_ =	shalt  }
0x7f: {  	_ =	shalt  }
0x80: {  	_ =	shalt  }
0x81: {  	_ =	shalt  }
0x82: {  	_ =	shalt  }
0x83: {  	_ =	shalt  }
0x84: {  	_ =	shalt  }
0x85: {  	_ =	shalt  }
0x86: {  	_ =	shalt  }
0x87: {  	_ =	shalt  }
.Lfunc_end0:
.L_simem_size_0:
called_computation.1_lowered:
.L_overlay_start_0:
0x88: {  	s2 =	sld [smem:$0x3FD9]  }
0x89: {  	s3 =	sld [smem:$0x3FFE];
	_ =	sdelay $0x1  }
0x8a: {  	s1 =	srdreg.scid  }
0x8b: {  	s0 =	sand.u32 $0x1, s1  }
0x8c: {  	s14 =	sshll.u32 s0, $0xA;
	s2 =	sadd.s32 s3, s2  }
0x8d: {  	s2 =	sadd.s32 s2, s14  }
0x8e: {  	[smem:$0x3FBA] =	sst s2  }
0x8f: {  	_ = 	snop  }
0x90: {  	s2 =	sld [smem:$0x3FD0];
	_ =	sdelay $0x2  }
0x91: {  	s15 =	simm.s32 $0xA;
	s4 =	simm.s32 $0x10  }
0x92: {  	[smem:s4], [sflag:s15] =	dma.local [hbm:s2], $0x1  }
0x93: {  	_ =	swait.eq [sflag:s15], $0x1  }
0x94: {  	[sflag:s15] =	ssyncset.done $0x0  }
0x95: {  	[sflag:s15] =	ssyncadd.s32 $0xFFFFFFFF  }
0x96: {  	s16 =	sld [smem:$0x11];
	(tm) =	ssettm $0x1  }
0x97: {  	s17 =	sld [smem:$0x3FFB];
	_ =	sdelay $0x3  }
0x98: {  	_ =	strace s17  }
0x99: {  	s3 =	sld [smem:$0x3FFC];
	_ =	sdelay $0x3  }
0x9a: {  	_ =	strace s3  }
0x9b: {  	s3 =	sld [smem:$0x3FFD];
	_ =	sdelay $0x3  }
0x9c: {  	_ =	strace s3  }
0x9d: {  	_ =	strace $0x8FFFFFFF  }
0x9e: {  	s18 =	sld [smem:$0x3FDB];
	_ =	sdelay $0x1  }
0x9f: {  	s19 =	simm.s32 $_scs_section_size  }
0xa0: {  	s5 =	simm.s32 $_size__tile_overlayer_lowered;
	s6 =	simm.s32 $_tile_overlayer_lowered  }
0xa1: {  	s22 =	simm.s32 $0x1BFF;
	s21 =	sshll.u32 s6, $0x1;
	s3 =	sadd.s32 s19, s18  }
0xa2: {  	s7 =	simm.s32 $0x0;
	s20 =	sshll.u32 s5, $0x1;
	s5 =	sadd.s32 s21, s3  }
0xa3: {  	[timem:s7], [sflag:s22] =	dma.local [hbm:s5], s20  }
0xa4: {  	_ =	swait.ge [sflag:s22], s20  }
0xa5: {  	s4 =	ssub.s32 $0x0, s20;
	[sflag:s22] =	ssyncset.done $0x0  }
0xa6: {  	[sflag:s22] =	ssyncadd.s32 s4;
	_ =	sdelay $0x1  }
0xa7: {  	s23 =	simm.s32 $0x1B8B  }
0xa8: {  	_ =	swait.ge [sflag:s23], $0x1  }
0xa9: {  	[sflag:s23] =	ssyncset.done $0x0  }
0xaa: {  	s25 =	simm.s32 $0x1B8E;
	s24 =	sld [smem:$0x3FFE];
	[sflag:s23] =	ssyncadd.s32 $0xFFFFFFFF  }
0xab: {  	s26 =	simm.s32 $execute0_lowered;
	[smem:$0x3FD2] =	sst s25  }
0xac: {  	s5 =	sshll.u32 s26, $0x1;
	_ =	strace $0x80000049;
	[dreg:$0x1] =	wrdreg $0xFFFFFFFF  }
0xad: {  	s28 =	simm.s32 $_size_execute0_lowered;
	s3 =	sadd.s32 s3, s5;
	[dreg:$0x0] =	wrdreg $0x0  }
0xae: {  	s5 =	sshll.u32 s28, $0x1;
	[dreg:$0x2] =	wrdreg s3  }
0xaf: {  	[dreg:$0x3] =	wrdreg s5  }
0xb0: {  	[dreg:$0x4] =	wrdreg $0xC0  }
0xb1: {  	_ =	task [dreg:s7], $0x5FFFF  }
0xb2: {  	[dreg:$0x1] =	wrdreg $0xFFFFFFFF  }
0xb3: {  	[dreg:$0x0] =	wrdreg $0x60  }
0xb4: {  	[dreg:$0x2] =	wrdreg s16  }
0xb5: {  	[dreg:$0x3] =	wrdreg s24  }
0xb6: {  	[dreg:$0x4] =	wrdreg $0xB1800  }
0xb7: {  	[dreg:$0x5] =	wrdreg $0x1ED800  }
0xb8: {  	[dreg:$0x6] =	wrdreg $0x9  }
0xb9: {  	_ =	task.clear_ibuf [dreg:s7], $0x7FFFF;
	_ =	strace $0x90000049  }
0xba: {  	s29 =	simm.s32 $0x9;
	_ =	strace $0x8000004B  }
0xbb: {  	_ =	swait.ge [sflag:s29], $0x1  }
0xbc: {  	[sflag:s29] =	ssyncadd.s32 $0xFFFFFFFF  }
0xbd: {  	_ =	strace $0x9000004B  }
0xbe: {  	_ =	sfence  }
0xbf: {  	s30 =	sld [smem:$0x0];
	_ =	sdelay $0x2  }
0xc0: {  	s31 =	sshll.u32 s1, $0xD;
	s1 =	sshrl.u32 s1, $0x2  }
0xc1: {  	s3 =	sand.u32 $0x4000, s31;
	s1 =	sadd.s32 s1, s30  }
0xc2: {  	s0 =	sor.u32 s3, s0;
	s1 =	sshll.u32 s1, $0x11  }
0xc3: {  	s0 =	sor.u32 s1, s0  }
0xc4: {  	s0 =	sadd.s32 $0x8F2B, s0  }
0xc5: {  	[sflag:s0] =	ssyncadd.remote.s32 $0x1  }
0xc6: {  	_ =	sfence.sel $0xFFFF  }
0xc7: {  	[dreg:$0x0] =	wrdreg $0xFFFFFFFF;
	(pc) =	sbr.abs _section_cstart, $3  }
0xc8: {  	[dreg:$0x1] =	wrdreg $0xFFFFFFFF  }
0xc9: {  	_ =	task.clear_ibuf [dreg:s7], $0x2FFFF;
	_ =	strace $0x9FFFFFFF  }
0xca: {  	(tm) =	ssettm $0x7FFFFFFF  }
0xcb: {  	_ =	shalt  }
tec
execute0_lowered:
.L_overlay_start_1:
0x0: {  	(tag) =	ssettag $0x1  }
0x1: {  	s1 =	rddreg [dreg:$0x0]  }
0x2: {  	s0 =	rddreg [dreg:$0x1]  }
0x3: {  	s2 =	rddreg [dreg:$0x2]  }
0x4: {  	s3 =	rddreg [dreg:$0x3];
	s15 =	simm.s32 $0x0  }
0x5: {  	s14 =	stileid.u32;
	s4 =	srdreg.scid;
	s28 =	simm.s32 $0x2580  }
0x6: {  	s29 =	simm.s32 $0x3980;
	s30 =	simm.s32 $0x4D80;
	s31 =	simm.s32 $0x6180  }
0x7: {  	[smem:$0x7FF] =	sst s15;
	s6 =	sadd.s32 $0x16800, s0;
	s5 =	smul.u32 $0x278, s14  }
0x8: {  	s4 =	sand.u32 $0x1, s4;
	s7 =	sadd.s32 $0x40C00, s0;
	s8 =	sadd.s32 $0xCA00, s0  }
0x9: {  	s9 =	sadd.s32 $0x2C00, s0;
	_ =	strace $0x8000004A;
	[dreg:$0x5] =	wrdreg s8  }
0xa: {  	s16 =	sadd.s32 $0x90800, s0;
	s17 =	smul.u32 $0x13C00, s14;
	[dreg:$0x6] =	wrdreg s9  }
0xb: {  	s10 =	sadd.s32 $0x3E400, s0;
	s12 =	sadd.s32 $0x3DC00, s0;
	[dreg:$0x7] =	wrdreg s16  }
0xc: {  	s24 =	sshll.u32 s14, $0x6;
	s13 =	smul.u32 $0x13C000, s4;
	[dreg:$0x8] =	wrdreg s10  }
0xd: {  	s11 =	smul.u32 $0x2780, s4;
	[dreg:$0x9] =	wrdreg s12;
	s20 =	ssub.s32 $0x2, s4  }
0xe: {  	s4 =	sshll.u32 s4, $0x4;
	s12 =	simm.s32 $0x9D80;
	s18 =	sshrl.u32 s5, $0x3  }
0xf: {  	s21 =	sshrl.u32 s20, $0x1;
	s4 =	sor.u32 s14, s4;
	s10 =	sadd.s32 s18, s0  }
0x10: {  	s8 =	sadd.s32 s17, s13;
	s19 =	sadd.s32 s5, s11;
	s13 =	smul.u32 $0x4F000, s14  }
0x11: {  	s22 =	ssub.s32 s20, s21;
	s14 =	sadd.s32 s5, s3;
	s4 =	smul.u32 $0x2710, s4  }
0x12: {  	s21 =	simm.s32 $0x7;
	s17 =	simm.s32 $0x5;
	s18 =	simm.s32 $0x4  }
0x13: {  	s8 =	sshrl.u32 s8, $0x3;
	s9 =	sshrl.u32 s19, $0x3;
	s10 =	sadd.s32 $0x3DE00, s10  }
0x14: {  	s26 =	smax.u32 s22, $0x1;
	s22 =	simm.s32 $0x100;
	[dreg:$0xc] =	wrdreg s14  }
0x15: {  	s19 =	simm.s32 $0x6;
	s8 =	sadd.s32 s8, s0;
	[dreg:$0xb] =	wrdreg s10  }
0x16: {  	s0 =	sadd.s32 s9, s0;
	s23 =	sshrl.u32 s13, $0x2;
	[dreg:$0xd] =	wrdreg s4  }
0x17: {  	s13 =	sor.u32 $0x1C07, s24;
	[dreg:$0x10] =	wrdreg s26;
	s26 =	simm.s32 $0x1180  }
0x18: {  	s4 =	simm.s32 $0x1;
	s10 =	simm.s32 $0x8980;
	s9 =	simm.s32 $0x0  }
0x19: {  	s11 =	sadd.s32 s23, s2;
	s25 =	sadd.s32 $0x90A00, s8;
	[dreg:$0xa] =	wrdreg s13  }
0x1a: {  	s0 =	sadd.s32 $0x67E00, s0;
	s23 =	simm.s32 $0x1100;
	[dreg:$0xe] =	wrdreg s25  }
0x1b: {  	[dreg:$0xf] =	wrdreg s0;
	s8 =	sshrl.u32 s11, $0x3;
	s25 =	simm.s32 $0x28  }
0x1c: {  	s0 =	simm.s32 $0x7580;
	s11 =	simm.s32 $0x2;
	[dreg:$0x11] =	wrdreg s8  }
.LBB2_1:
0x1d: {  	[dreg:$0x12] =	wrdreg s9  }
0x1e: {  	s5 =	rddreg [dreg:$0x8]  }
0x1f: {  	[spmem:s8], [sflag:s13] =	dma.local [hbm:s5], $0x2780  }
0x20: {  	_ =	swait.ge [sflag:s21], $0x2780  }
0x21: {  	[sflag:s21] =	ssyncset.done $0x0  }
0x22: {  	s16 =	rddreg [dreg:$0xb];
	[sflag:s21] =	ssyncadd.s32 $0xFFFFD880  }
0x23: {  	[tilespmem:s22], [sflag:$0x7] =	stream.linear.gather [hbm4b:s16+s15], $0x278, $0x38;
	[tilespmem:$0x1EFF8] =	vst v63  }
0x24: {  	_ =	swait.ge [sflag:s21], $0x278  }
0x25: {  	[sflag:s21] =	ssyncset.done $0x0  }
0x26: {  	[sflag:s21] =	ssyncadd.s32 $0xFFFFFD88  }
0x27: {  	[spmem:s14] =	stream.linear.scatter [tilespmem:s22], [sflag:$0x7], $0x278, $0x38;
	[tilespmem:$0x1EFF8] =	vst v63  }
0x28: {  	_ =	swait.ge [sflag:s21], $0x278  }
0x29: {  	[sflag:s21] =	ssyncset.done $0x0  }
0x2a: {  	s20 =	rddreg [dreg:$0x7];
	[sflag:s21] =	ssyncadd.s32 $0xFFFFFD88  }
0x2b: {  	[tilespmem:s15], [sflag:$0x7] =	stream.linear.gather [hbm4b:s20+s15], $0x100, $0x38;
	[tilespmem:$0x1EFF8] =	vst v63  }
0x2c: {  	_ =	swait.ge [sflag:s21], $0x100  }
0x2d: {  	[sflag:s21] =	ssyncset.done $0x0  }
0x2e: {  	s24 =	rddreg [dreg:$0x9];
	[sflag:s21] =	ssyncadd.s32 $0xFFFFFF00  }
0x2f: {  	[tilespmem:s23], [sflag:$0x7] =	stream.linear.gather [hbm4b:s24+s15], $0x80, $0x38;
	[tilespmem:$0x1EFF8] =	vst v63  }
0x30: {  	_ =	swait.ge [sflag:s21], $0x80  }
0x31: {  	[sflag:s21] =	ssyncset.done $0x0  }
0x32: {  	[sflag:s21] =	ssyncadd.s32 $0xFFFFFF80  }
0x33: {  	v0 =	vld [tilespmem:$0x0]  }
0x34: {  	v1 =	vld [tilespmem:$0x10]  }
0x35: {  	v2 =	vld [tilespmem:$0x20]  }
0x36: {  	v3 =	vld [tilespmem:$0x30]  }
0x37: {  	v4 =	vld [tilespmem:$0x40]  }
0x38: {  	v5 =	vld [tilespmem:$0x50]  }
0x39: {  	v6 =	vld [tilespmem:$0x60]  }
0x3a: {  	v7 =	vld [tilespmem:$0x70]  }
0x3b: {  	s13 =	simm.s32 $0x0;
	v8 =	vld [tilespmem:$0x80];
	[bflag:$0x0] =	sbarrier.arrive $0xFFFF  }
.LBB2_2:
0x3c: {  	s5 =	smul.u32 $0x7D0, s13  }
0x3d: {  	s8 =	rddreg [dreg:$0xd]  }
0x3e: {  	s5 =	sadd.s32 s8, s5  }
0x3f: {  	s16 =	rddreg [dreg:$0x5];
	s5 =	sshrl.u32 s5, $0x3  }
0x40: {  	s15 =	simm.s32 $0x0;
	s8 =	sadd.s32 s16, s5  }
0x41: {  	[tilespmem:s22], [sflag:$0x7] =	stream.linear.gather [hbm4b:s8+s15], $0x7D0, $0x38;
	[tilespmem:$0x1EFF8] =	vst v63  }
0x42: {  	_ =	swait.ge [sflag:s21], $0x7D0  }
0x43: {  	[sflag:s21] =	ssyncset.done $0x0;
	s20 =	rddreg [dreg:$0x6]  }
0x44: {  	s24 =	simm.s32 $0x900;
	[sflag:s21] =	ssyncadd.s32 $0xFFFFF830;
	s5 =	sadd.s32 s20, s5  }
0x45: {  	[tilespmem:s24], [sflag:$0x7] =	stream.linear.gather [hbm4b:s5+s15], $0x7D0, $0x38;
	[tilespmem:$0x1EFF8] =	vst v63  }
0x46: {  	_ =	swait.ge [sflag:s21], $0x7D0  }
0x47: {  	[sflag:s21] =	ssyncset.done $0x0  }
0x48: {  	[sflag:s21] =	ssyncadd.s32 $0xFFFFF830  }
0x49: {  	[tilespmem:s26], [sflag:$0x1] =	stream.indirect.gather [hbm4b:s1+s25], $0x80, s24, s25, $0xb8;
	[tilespmem:$0x1EFF8] =	vst v63  }
0x4a: {  	_ = 	snop  }
0x4b: {  	[tilespmem:s28], [sflag:$0x1] =	stream.indirect.gather [hbm4b:s6+s25], $0x80, s22, s25, $0xb8;
	[tilespmem:$0x1EFF8] =	vst v63  }
0x4c: {  	_ = 	snop  }
0x4d: {  	[tilespmem:s29], [sflag:$0x1] =	stream.indirect.gather [hbm4b:s7+s25], $0x80, s22, s25, $0xb8;
	[tilespmem:$0x1EFF8] =	vst v63  }
.LBB2_3:
0x4e: {  	s5 =	smul.u32 $0x50, s15;
	_ =	sdelay $0x1  }
0x4f: {  	s20 =	sadd.s32 $0x928, s5  }
0x50: {  	[tilespmem:s30], [sflag:$0x2] =	stream.indirect.gather [hbm4b:s1+s25], $0x80, s20, s25, $0xb8;
	[tilespmem:$0x1EFF8] =	vst v63  }
0x51: {  	s5 =	sadd.s32 $0x128, s5  }
0x52: {  	[tilespmem:s31], [sflag:$0x2] =	stream.indirect.gather [hbm4b:s6+s25], $0x80, s5, s25, $0xb8;
	[tilespmem:$0x1EFF8] =	vst v63  }
0x53: {  	_ = 	snop  }
0x54: {  	[tilespmem:s0], [sflag:$0x2] =	stream.indirect.gather [hbm4b:s7+s25], $0x80, s5, s25, $0xb8;
	[tilespmem:$0x1EFF8] =	vst v63  }
0x55: {  	_ =	swait.ge [sflag:s4], $0x1400  }
0x56: {  	[sflag:s4] =	ssyncset.done $0x0  }
0x57: {  	[sflag:s4] =	ssyncadd.s32 $0xFFFFEC00  }
0x58: {  	_ =	swait.ge [sflag:s4], $0x1400  }
0x59: {  	[sflag:s4] =	ssyncset.done $0x0  }
0x5a: {  	[sflag:s4] =	ssyncadd.s32 $0xFFFFEC00  }
0x5b: {  	_ =	swait.ge [sflag:s4], $0x1400  }
0x5c: {  	p0 =	seq.s32 s15, $0x0;
	[sflag:s4] =	ssyncset.done $0x0  }
0x5d: {  	s5 =	simm.s32 @!p0 $0x3;
	[sflag:s4] =	ssyncadd.s32 $0xFFFFEC00  }
0x5e: {  	_ =	swait.ge @!p0 [sflag:s5], $0x1400  }
0x5f: {  	[sflag:s5] =	ssyncset.done @!p0 $0x0  }
0x60: {  	[sflag:s5] =	ssyncadd.s32 @!p0 $0xFFFFEC00;
	s5 =	simm.s32 @!p0 $0x5  }
0x61: {  	_ =	swait.ge @!p0 [sflag:s5], $0x28  }
0x62: {  	[sflag:s5] =	ssyncset.done @!p0 $0x0  }
0x63: {  	s9 =	simm.s32 $0x0;
	[sflag:s5] =	ssyncadd.s32 @!p0 $0xFFFFFFD8  }
0x64: {  	v9 =	vld [tilespmem:s9+$0x1180]  }
0x65: {  	v10 =	vld [tilespmem:s9+$0x2580]  }
0x66: {  	v11 =	vld [tilespmem:s9+$0x1190]  }
0x67: {  	v12 =	vld [tilespmem:s9+$0x2590]  }
0x68: {  	v13 =	vld [tilespmem:s9+$0x11A0]  }
0x69: {  	v14 =	vld [tilespmem:s9+$0x25A0]  }
0x6a: {  	v15 =	vld [tilespmem:s9+$0x11B0]  }
0x6b: {  	v16 =	vld [tilespmem:s9+$0x25B0]  }
0x6c: {  	v9 =	vadd.f32 v10, v9;
	v10 =	vadd.f32 v12, v11;
	v11 =	vld [tilespmem:s9+$0x11C0]  }
0x6d: {  	v12 =	vld [tilespmem:s9+$0x25C0]  }
0x6e: {  	v17 =	vld [tilespmem:s9+$0x25D0];
	v13 =	vadd.f32 v14, v13;
	v9 =	vmax.f32 v9, $0.0e+00;
	v10 =	vmax.f32 v10, $0.0e+00  }
0x6f: {  	v14 =	vld [tilespmem:s9+$0x11D0];
	v9 =	vmul.f32 v9, v0;
	v10 =	vmul.f32 v10, v1  }
0x70: {  	v15 =	vadd.f32 v16, v15;
	v16 =	vld [tilespmem:s9+$0x11E0];
	v13 =	vmax.f32 v13, $0.0e+00  }
0x71: {  	v9 =	vadd.f32 v10, v9;
	v10 =	vmul.f32 v13, v2;
	v13 =	vld [tilespmem:s9+$0x25E0]  }
0x72: {  	v18 =	vld [tilespmem:s9+$0x11F0];
	v15 =	vmax.f32 v15, $0.0e+00;
	v11 =	vadd.f32 v12, v11  }
0x73: {  	v12 =	vld [tilespmem:s9+$0x25F0];
	v9 =	vadd.f32 v10, v9;
	v10 =	vmul.f32 v15, v3  }
0x74: {  	v14 =	vadd.f32 v17, v14;
	v11 =	vmax.f32 v11, $0.0e+00  }
0x75: {  	v9 =	vadd.f32 v10, v9;
	v10 =	vmul.f32 v11, v4  }
0x76: {  	v11 =	vmax.f32 v14, $0.0e+00;
	v13 =	vadd.f32 v13, v16  }
0x77: {  	v29 =	vld [tilespmem:s9+$0x3980];
	v9 =	vadd.f32 v10, v9;
	v10 =	vmul.f32 v11, v5  }
0x78: {  	v28 =	vld [tilespmem:s9+$0x3990];
	v11 =	vadd.f32 v12, v18;
	v12 =	vmax.f32 v13, $0.0e+00  }
0x79: {  	v27 =	vld [tilespmem:s9+$0x39A0];
	v9 =	vadd.f32 v10, v9;
	v10 =	vmul.f32 v12, v6  }
0x7a: {  	v24 =	vld [tilespmem:s9+$0x39B0];
	v11 =	vmax.f32 v11, $0.0e+00  }
0x7b: {  	v25 =	vld [tilespmem:s9+$0x39C0];
	v9 =	vadd.f32 v10, v9;
	v10 =	vmul.f32 v11, v7  }
0x7c: {  	v23 =	vld [tilespmem:s9+$0x39D0]  }
0x7d: {  	s5 =	simm.s32 $0x80;
	v26 =	vld [tilespmem:s9+$0x39E0];
	v9 =	vadd.f32 v10, v9  }
0x7e: {  	v14 =	vld [tilespmem:s5+$0x2590]  }
0x7f: {  	v13 =	vld [tilespmem:s5+$0x2580];
	(xrf2) =	vadd.scan.msk.f32 $0xffff, v9  }
0x80: {  	v11 =	vld [tilespmem:s5+$0x1180]  }
0x81: {  	v10 =	vld [tilespmem:s5+$0x1190]  }
0x82: {  	v15 =	vld [tilespmem:s5+$0x25A0]  }
0x83: {  	v12 =	vld [tilespmem:s5+$0x11A0]  }
0x84: {  	v17 =	vld [tilespmem:s5+$0x11B0]  }
0x85: {  	v18 =	vld [tilespmem:s5+$0x25B0]  }
0x86: {  	v19 =	vld [tilespmem:s5+$0x11C0];
	v13 =	vadd.f32 v13, v11;
	v10 =	vadd.f32 v14, v10  }
0x87: {  	v20 =	vld [tilespmem:s5+$0x25C0]  }
0x88: {  	v21 =	vld [tilespmem:s5+$0x11D0];
	v15 =	vadd.f32 v15, v12;
	v13 =	vmax.f32 v13, $0.0e+00;
	v10 =	vmax.f32 v10, $0.0e+00  }
0x89: {  	v22 =	vld [tilespmem:s5+$0x25D0];
	v13 =	vmul.f32 v13, v0;
	v10 =	vmul.f32 v10, v1;
	v9, _, _ =	vpop (xrf2)  }
0x8a: {  	v30 =	vld [tilespmem:s5+$0x11E0];
	v17 =	vadd.f32 v18, v17;
	v34 =	vmax.f32 v15, $0.0e+00;
	v33 =	vbroadcast v9, $0xF  }
0x8b: {  	v31 =	vld [tilespmem:s5+$0x25E0];
	v34 =	vmul.f32 v34, v2;
	v18 =	vadd.f32 v10, v13  }
0x8c: {  	v32 =	vld [tilespmem:s5+$0x25F0];
	v19 =	vadd.f32 v20, v19;
	v17 =	vmax.f32 v17, $0.0e+00;
	v14 =	vadd.f32 v33, v8  }
0x8d: {  	s8 =	simm.s32 $0x100;
	v16 =	vld [tilespmem:s5+$0x11F0];
	v17 =	vmul.f32 v17, v3;
	v18 =	vadd.f32 v34, v18  }
0x8e: {  	v47 =	vld [tilespmem:s8+$0x25A0];
	v21 =	vadd.f32 v22, v21;
	v19 =	vmax.f32 v19, $0.0e+00;
	v33 =	vsub.f32 $0.0e+00, v14  }
0x8f: {  	v48 =	vld [tilespmem:s8+$0x11B0];
	v17 =	vadd.f32 v17, v18;
	v18 =	vmul.f32 v19, v4  }
0x90: {  	v49 =	vld [tilespmem:s8+$0x25B0];
	v30 =	vadd.f32 v31, v30;
	v21 =	vmax.f32 v21, $0.0e+00;
	v33 =	vmul.f32 $1.442695020e+00, v33  }
0x91: {  	v35 =	vld [tilespmem:s8+$0x11C0];
	v17 =	vadd.f32 v18, v17;
	v18 =	vmul.f32 v21, v5  }
0x92: {  	v36 =	vld [tilespmem:s8+$0x25C0];
	v30 =	vmax.f32 v30, $0.0e+00;
	v16 =	vadd.f32 v32, v16;
	(erf) = vpow2.f32 v33  }
0x93: {  	v37 =	vld [tilespmem:s8+$0x11D0];
	v17 =	vadd.f32 v18, v17;
	v18 =	vmul.f32 v30, v6  }
0x94: {  	v38 =	vld [tilespmem:s8+$0x25D0];
	v16 =	vmax.f32 v16, $0.0e+00  }
0x95: {  	v39 =	vld [tilespmem:s8+$0x11E0];
	v16 =	vmul.f32 v16, v7;
	v17 =	vadd.f32 v18, v17  }
0x96: {  	v22 =	vld [tilespmem:s8+$0x1180]  }
0x97: {  	v31 =	vld [tilespmem:s8+$0x1190];
	v16 =	vadd.f32 v16, v17  }
0x98: {  	v19 =	vld [tilespmem:s8+$0x2580]  }
0x99: {  	v21 =	vld [tilespmem:s8+$0x2590];
	(xrf2) =	vadd.scan.msk.f32 $0xffff, v16  }
0x9a: {  	v40 =	vld [tilespmem:s8+$0x25E0]  }
0x9b: {  	v20 =	vld [tilespmem:s8+$0x11A0];
	v18 =	vpop (erf)  }
0x9c: {  	v12 =	vld [tilespmem:s5+$0x39A0];
	v17 =	vadd.f32 $1.000000000e+00, v18  }
0x9d: {  	v11 =	vld [tilespmem:s5+$0x3990]  }
0x9e: {  	v15 =	vld [tilespmem:s5+$0x39C0];
	v16 =	vadd.f32 v19, v22;
	(erf) = vrcp.f32 v17;
	v17 =	vadd.f32 v21, v31  }
0x9f: {  	v10 =	vld [tilespmem:s5+$0x39D0]  }
0xa0: {  	v13 =	vld [tilespmem:s5+$0x39E0];
	v19 =	vadd.f32 v47, v20;
	v16 =	vmax.f32 v16, $0.0e+00;
	v17 =	vmax.f32 v17, $0.0e+00  }
0xa1: {  	v9 =	vld [tilespmem:s5+$0x3980];
	v16 =	vmul.f32 v16, v0;
	v17 =	vmul.f32 v17, v1  }
0xa2: {  	v50 =	vadd.f32 v49, v48;
	v14 =	vld [tilespmem:s5+$0x39B0];
	v22 =	vmax.f32 v19, $0.0e+00  }
0xa3: {  	v30 =	vld [tilespmem:s8+$0x11F0];
	v22 =	vmul.f32 v22, v2;
	v54, _, _ =	vpop (xrf2);
	v51 =	vadd.f32 v17, v16  }
0xa4: {  	v52 =	vadd.f32 v36, v35;
	v32 =	vmax.f32 v50, $0.0e+00;
	v31 =	vld [tilespmem:s8+$0x25F0];
	v36 =	vbroadcast v54, $0xF  }
0xa5: {  	v32 =	vmul.f32 v32, v3;
	v21 =	vld [tilespmem:s9+$0x39F0];
	v33 =	vadd.f32 v22, v51  }
0xa6: {  	v37 =	vadd.f32 v38, v37;
	v34 =	vmax.f32 v52, $0.0e+00;
	v20 =	vld [tilespmem:s8+$0x3990];
	v36 =	vadd.f32 v36, v8  }
0xa7: {  	v55 =	vmul.f32 v34, v4;
	v19 =	vld [tilespmem:s8+$0x39A0];
	v32 =	vadd.f32 v32, v33  }
0xa8: {  	v57 =	vadd.f32 v40, v39;
	v37 =	vmax.f32 v37, $0.0e+00;
	v18 =	vld [tilespmem:s8+$0x3980];
	v36 =	vsub.f32 $0.0e+00, v36  }
0xa9: {  	v58 =	vmul.f32 v37, v5;
	v16 =	vld [tilespmem:s8+$0x39B0];
	v30 =	vadd.f32 v31, v30;
	v53 =	vpop (erf);
	v32 =	vadd.f32 v55, v32  }
0xaa: {  	v17 =	vld [tilespmem:s8+$0x39C0];
	v31 =	vmax.f32 v57, $0.0e+00;
	v61 =	vmul.f32 $1.442695020e+00, v36;
	v41 =	vmul.f32 v21, v53  }
0xab: {  	v31 =	vmul.f32 v31, v6;
	v22 =	vld [tilespmem:s8+$0x39E0];
	v56 =	vmul.f32 v53, v29;
	v32 =	vadd.f32 v58, v32  }
0xac: {  	s24 =	simm.s32 $0x180;
	v30 =	vmax.f32 v30, $0.0e+00;
	v21 =	vld [tilespmem:s8+$0x39D0];
	v59 =	vmul.f32 v53, v28;
	(erf) = vpow2.f32 v61;
	[tilespmem:s9+$0x89F0] =	vst v41  }
0xad: {  	v62 =	vmul.f32 v30, v7;
	v60 =	vmul.f32 v53, v27;
	v29 =	vld [tilespmem:s24+$0x11A0];
	[tilespmem:s9+$0x8980] =	vst v56;
	v31 =	vadd.f32 v31, v32  }
0xae: {  	v63 =	vmul.f32 v53, v24;
	v28 =	vld [tilespmem:s24+$0x1180];
	[tilespmem:s9+$0x8990] =	vst v59  }
0xaf: {  	v30 =	vmul.f32 v53, v25;
	v27 =	vld [tilespmem:s24+$0x2580];
	[tilespmem:s9+$0x89A0] =	vst v60;
	v25 =	vadd.f32 v62, v31  }
0xb0: {  	s16 =	sshll.u32 s15, $0x1;
	s14 =	simm.s32 $0x800;
	v24 =	vld [tilespmem:s24+$0x1190];
	[tilespmem:s9+$0x89B0] =	vst v63;
	v31 =	vmul.f32 v53, v23;
	v23 =	vmul.f32 v53, v26  }
.LBB2_4:
0xb1: {  	p1 =	sne.s32 s14, $0x4E00;
	v26 =	vld [tilespmem:s24+$0x2590];
	(xrf2) =	vadd.scan.msk.f32 $0xffff, v25;
	[tilespmem:s9+$0x89C0] =	vst v30;
	v32 =	vmovc v10;
	v10 =	vmov v21;
	v33 =	vmov v13  }
0xb2: {  	v13 =	vmov v22;
	v21 =	vld [tilespmem:s24+$0x25A0];
	[tilespmem:s9+$0x89D0] =	vst v31  }
0xb3: {  	v22 =	vld [tilespmem:s24+$0x11F0];
	[tilespmem:s9+$0x89E0] =	vst v23;
	s9 =	smov.u32 s5;
	s5 =	smov.u32 s8;
	s8 =	smov.u32 s24  }
0xb4: {  	v23 =	vld [tilespmem:s8+$0x11B0]  }
0xb5: {  	v25 =	vadd.f32 v27, v28;
	v27 =	vld [tilespmem:s8+$0x25B0];
	v28 =	vpop (erf)  }
0xb6: {  	v24 =	vadd.f32 v26, v24;
	v26 =	vld [tilespmem:s8+$0x11C0];
	v28 =	vadd.f32 $1.000000000e+00, v28  }
0xb7: {  	v21 =	vadd.f32 v21, v29;
	v29 =	vld [tilespmem:s8+$0x25C0]  }
0xb8: {  	v25 =	vmax.f32 v25, $0.0e+00;
	v24 =	vmax.f32 v24, $0.0e+00;
	v30 =	vld [tilespmem:s8+$0x11D0];
	(erf) = vrcp.f32 v28  }
0xb9: {  	v25 =	vmul.f32 v25, v0;
	v24 =	vmul.f32 v24, v1;
	v28 =	vld [tilespmem:s8+$0x25D0]  }
0xba: {  	v21 =	vmax.f32 v21, $0.0e+00;
	v23 =	vadd.f32 v27, v23;
	v27 =	vld [tilespmem:s8+$0x11E0]  }
0xbb: {  	v21 =	vmul.f32 v21, v2;
	v24 =	vadd.f32 v24, v25;
	v25 =	vld [tilespmem:s8+$0x25E0];
	v31, _, _ =	vpop (xrf2)  }
0xbc: {  	v23 =	vmax.f32 v23, $0.0e+00;
	v26 =	vadd.f32 v29, v26;
	v29 =	vld [tilespmem:s8+$0x25F0];
	v31 =	vbroadcast v31, $0xF  }
0xbd: {  	v21 =	vadd.f32 v21, v24;
	v23 =	vmul.f32 v23, v3;
	v24 =	vld [tilespmem:s9+$0x39F0]  }
0xbe: {  	v26 =	vmax.f32 v26, $0.0e+00;
	v28 =	vadd.f32 v28, v30;
	v30 =	vld [tilespmem:s8+$0x3980];
	v31 =	vadd.f32 v31, v8  }
0xbf: {  	v21 =	vadd.f32 v23, v21;
	v23 =	vmul.f32 v26, v4;
	v26 =	vld [tilespmem:s8+$0x3990]  }
0xc0: {  	v28 =	vmax.f32 v28, $0.0e+00;
	v25 =	vadd.f32 v25, v27;
	v34 =	vld [tilespmem:s8+$0x39A0];
	v27 =	vsub.f32 $0.0e+00, v31  }
0xc1: {  	v21 =	vadd.f32 v23, v21;
	v23 =	vmul.f32 v28, v5;
	v22 =	vadd.f32 v29, v22;
	v35 =	vld [tilespmem:s8+$0x39B0];
	v36 =	vpop (erf)  }
0xc2: {  	v25 =	vmax.f32 v25, $0.0e+00;
	v37 =	vld [tilespmem:s8+$0x39C0];
	v27 =	vmul.f32 $1.442695020e+00, v27;
	v24 =	vmul.f32 v24, v36  }
0xc3: {  	v28 =	vmul.f32 v36, v9;
	v9 =	vmovc v18;
	v23 =	vadd.f32 v23, v21;
	v25 =	vmul.f32 v25, v6;
	v21 =	vld [tilespmem:s8+$0x39D0]  }
.Ltmp0:
0xc4: {  	s24 =	sshra.s32 s14, $0x2;
	v31 =	vmax.f32 v22, $0.0e+00;
	v18 =	vmovc v30;
	v22 =	vld [tilespmem:s8+$0x39E0];
	(erf) = vpow2.f32 v27;
	v27 =	vmul.f32 v36, v11;
	[tilespmem:s9+$0x89F0] =	vst v24;
	v11 =	vmovc v20;
	(pc) =	sbr.rel @p1 .LBB2_4-.Ltmp0, $4  }
0xc5: {  	v24 =	vmul.f32 v31, v7;
	v31 =	vmul.f32 v36, v12;
	v29 =	vld [tilespmem:s24+$0x11A0];
	v23 =	vadd.f32 v25, v23;
	[tilespmem:s9+$0x8980] =	vst v28  }
0xc6: {  	v38 =	vmul.f32 v36, v14;
	v30 =	vmul.f32 v36, v15;
	v20 =	vmovc v26;
	v12 =	vmov v19;
	v28 =	vld [tilespmem:s24+$0x1180];
	[tilespmem:s9+$0x8990] =	vst v27  }
0xc7: {  	v27 =	vld [tilespmem:s24+$0x2580];
	v25 =	vadd.f32 v24, v23;
	[tilespmem:s9+$0x89A0] =	vst v31;
	v31 =	vmul.f32 v36, v32;
	v23 =	vmul.f32 v36, v33  }
0xc8: {  	s14 =	sadd.s32 $0x200, s14;
	v14 =	vmovc v16;
	v15 =	vmovc v17;
	v19 =	vmov v34;
	v16 =	vmov v35;
	v17 =	vmov v37;
	v24 =	vld [tilespmem:s24+$0x1190];
	[tilespmem:s9+$0x89B0] =	vst v38  }
0xc9: {  	v26 =	vld [tilespmem:s24+$0x2590];
	[tilespmem:s9+$0x89C0] =	vst v30  }
0xca: {  	v30 =	vld [tilespmem:s24+$0x25A0];
	[tilespmem:s9+$0x89D0] =	vst v31  }
0xcb: {  	v31 =	vld [tilespmem:s24+$0x11F0];
	[tilespmem:s9+$0x89E0] =	vst v23  }
0xcc: {  	v23 =	vld [tilespmem:s24+$0x11B0]  }
0xcd: {  	v32 =	vld [tilespmem:s24+$0x25B0]  }
0xce: {  	v27 =	vadd.f32 v27, v28;
	v28 =	vld [tilespmem:s24+$0x25C0];
	v24 =	vadd.f32 v26, v24  }
0xcf: {  	v26 =	vld [tilespmem:s24+$0x11C0]  }
0xd0: {  	v33 =	vld [tilespmem:s24+$0x25D0];
	v27 =	vmax.f32 v27, $0.0e+00;
	v29 =	vadd.f32 v30, v29;
	v24 =	vmax.f32 v24, $0.0e+00  }
0xd1: {  	v30 =	vld [tilespmem:s24+$0x11D0];
	v27 =	vmul.f32 v27, v0;
	v24 =	vmul.f32 v24, v1  }
0xd2: {  	(xrf2) =	vadd.scan.msk.f32 $0xffff, v25;
	v25 =	vmax.f32 v29, $0.0e+00;
	v23 =	vadd.f32 v32, v23;
	v29 =	vld [tilespmem:s24+$0x11E0]  }
0xd3: {  	v25 =	vmul.f32 v25, v2;
	v24 =	vadd.f32 v24, v27;
	v27 =	vld [tilespmem:s24+$0x25E0]  }
0xd4: {  	v23 =	vmax.f32 v23, $0.0e+00;
	v26 =	vadd.f32 v28, v26  }
0xd5: {  	v23 =	vmul.f32 v23, v3;
	v24 =	vadd.f32 v25, v24  }
0xd6: {  	v25 =	vmax.f32 v26, $0.0e+00;
	v26 =	vadd.f32 v33, v30  }
0xd7: {  	v28 =	vld [tilespmem:s24+$0x25F0];
	v23 =	vadd.f32 v23, v24  }
0xd8: {  	v24 =	vmul.f32 v25, v4;
	v25 =	vmax.f32 v26, $0.0e+00;
	v26 =	vadd.f32 v27, v29;
	_ =	sdelay $0x1  }
0xd9: {  	v26 =	vmax.f32 v26, $0.0e+00  }
0xda: {  	v23 =	vadd.f32 v24, v23;
	v24 =	vmul.f32 v25, v5  }
0xdb: {  	v25 =	vadd.f32 v28, v31  }
0xdc: {  	v23 =	vadd.f32 v24, v23;
	v24 =	vmul.f32 v26, v6;
	v26, _, _ =	vpop (xrf2)  }
0xdd: {  	v27 =	vpop (erf);
	v25 =	vmax.f32 v25, $0.0e+00;
	v26 =	vbroadcast v26, $0xF  }
0xde: {  	v23 =	vadd.f32 v24, v23;
	v24 =	vmul.f32 v25, v7;
	v25 =	vadd.f32 $1.000000000e+00, v27  }
0xdf: {  	v26 =	vadd.f32 v26, v8  }
0xe0: {  	(erf) = vrcp.f32 v25  }
0xe1: {  	v23 =	vadd.f32 v24, v23;
	v24 =	vsub.f32 $0.0e+00, v26;
	_ =	sdelay $0x1  }
0xe2: {  	(xrf2) =	vadd.scan.msk.f32 $0xffff, v23;
	v23 =	vmul.f32 $1.442695020e+00, v24;
	_ =	sdelay $0x1  }
0xe3: {  	(erf) = vpow2.f32 v23;
	v23 =	vld [tilespmem:s5+$0x39F0];
	_ =	sdelay $0x2  }
0xe4: {  	v44 =	vld [tilespmem:s24+$0x39E0]  }
0xe5: {  	v29 =	vld [tilespmem:s24+$0x39C0];
	v28 =	vpop (erf)  }
0xe6: {  	v31 =	vld [tilespmem:s24+$0x39D0];
	v23 =	vmul.f32 v23, v28  }
0xe7: {  	v27 =	vld [tilespmem:s24+$0x39B0]  }
0xe8: {  	v25 =	vld [tilespmem:s24+$0x3990]  }
0xe9: {  	v26 =	vld [tilespmem:s24+$0x39A0];
	v9 =	vmul.f32 v28, v9;
	v30, _, _ =	vpop (xrf2)  }
0xea: {  	v24 =	vld [tilespmem:s24+$0x3980];
	v11 =	vmul.f32 v28, v11;
	v30 =	vbroadcast v30, $0xF;
	[tilespmem:s5+$0x89F0] =	vst v23;
	v23 =	vpop (erf)  }
0xeb: {  	v15 =	vmul.f32 v28, v15;
	[tilespmem:s5+$0x8980] =	vst v9;
	v9 =	vmul.f32 v28, v12;
	v12 =	vadd.f32 $1.000000000e+00, v23  }
0xec: {  	[tilespmem:s5+$0x8990] =	vst v11;
	v30 =	vadd.f32 v30, v8  }
0xed: {  	v11 =	vmul.f32 v28, v14;
	[tilespmem:s5+$0x89C0] =	vst v15;
	(erf) = vrcp.f32 v12  }
0xee: {  	[tilespmem:s5+$0x89A0] =	vst v9;
	v9 =	vmul.f32 v28, v10;
	v14 =	vsub.f32 $0.0e+00, v30  }
0xef: {  	[tilespmem:s5+$0x89B0] =	vst v11;
	v11 =	vmul.f32 v28, v13  }
0xf0: {  	[tilespmem:s5+$0x89D0] =	vst v9;
	v10 =	vmul.f32 $1.442695020e+00, v14  }
0xf1: {  	[tilespmem:s5+$0x89E0] =	vst v11  }
0xf2: {  	v9 =	vld [tilespmem:s8+$0x39F0];
	(erf) = vpow2.f32 v10;
	_ =	sdelay $0x3  }
0xf3: {  	v10 =	vpop (erf)  }
0xf4: {  	v9 =	vmul.f32 v9, v10;
	_ =	sdelay $0x2  }
0xf5: {  	v11 =	vmul.f32 v10, v18  }
0xf6: {  	v12 =	vmul.f32 v10, v20;
	[tilespmem:s8+$0x89F0] =	vst v9;
	v9 =	vpop (erf)  }
0xf7: {  	v13 =	vmul.f32 v10, v17;
	[tilespmem:s8+$0x8980] =	vst v11;
	v9 =	vadd.f32 $1.000000000e+00, v9  }
0xf8: {  	v11 =	vmul.f32 v10, v19;
	[tilespmem:s8+$0x8990] =	vst v12  }
0xf9: {  	v12 =	vmul.f32 v10, v16;
	[tilespmem:s8+$0x89C0] =	vst v13;
	(erf) = vrcp.f32 v9  }
0xfa: {  	[tilespmem:s8+$0x89A0] =	vst v11;
	v9 =	vmul.f32 v10, v21  }
0xfb: {  	[tilespmem:s8+$0x89B0] =	vst v12;
	v10 =	vmul.f32 v10, v22  }
0xfc: {  	[tilespmem:s8+$0x89D0] =	vst v9  }
0xfd: {  	[tilespmem:s8+$0x89E0] =	vst v10  }
0xfe: {  	v9 =	vld [tilespmem:s24+$0x39F0];
	_ =	sdelay $0x3  }
0xff: {  	v10 =	vpop (erf)  }
0x100: {  	v9 =	vmul.f32 v9, v10  }
0x101: {  	v11 =	vmul.f32 v10, v24  }
0x102: {  	v12 =	vmul.f32 v10, v25;
	[tilespmem:s24+$0x89F0] =	vst v9  }
0x103: {  	[tilespmem:s24+$0x8980] =	vst v11;
	v9 =	vmul.f32 v10, v26  }
0x104: {  	[tilespmem:s24+$0x8990] =	vst v12;
	v11 =	vmul.f32 v10, v27  }
0x105: {  	v12 =	vmul.f32 v10, v29;
	[tilespmem:s24+$0x89A0] =	vst v9  }
0x106: {  	s9 =	smul.u32 $0x140, s15;
	v9 =	vmul.f32 v10, v31;
	[tilespmem:s24+$0x89B0] =	vst v11  }
0x107: {  	v10 =	vmul.f32 v10, v44;
	[tilespmem:s24+$0x89C0] =	vst v12  }
0x108: {  	s5 =	sshra.s32 s9, $0x2;
	[tilespmem:s24+$0x89D0] =	vst v9  }
0x109: {  	s14 =	smin.u32 s16, $0x2E;
	s5 =	sadd.s32 $0x900, s5;
	[tilespmem:s24+$0x89E0] =	vst v10  }
0x10a: {  	[spmem:s2] =	stream.indirect.scatter.add.f32 [tilespmem:s10], [sflag:$0x3], $0x80, s5, s25, $0xb8;
	[tilespmem:$0x1EFF8] =	vst v63  }
0x10b: {  	s8 =	smul.u32 $0x28, s14  }
0x10c: {  	[spmem:s3] =	stream.indirect.scatter.add.s32 [tilespmem:s23], [sflag:$0x5], $0x1, s5, s25, $0xb8;
	[tilespmem:$0x1EFF8] =	vst v63  }
0x10d: {  	s16 =	sadd.s32 $0x950, s8  }
0x10e: {  	[tilespmem:s26], [sflag:$0x1] =	stream.indirect.gather [hbm4b:s1+s25], $0x80, s16, s25, $0xb8;
	[tilespmem:$0x1EFF8] =	vst v63  }
0x10f: {  	s24 =	sadd.s32 $0x150, s8  }
0x110: {  	[tilespmem:s28], [sflag:$0x1] =	stream.indirect.gather [hbm4b:s6+s25], $0x80, s24, s25, $0xb8;
	[tilespmem:$0x1EFF8] =	vst v63  }
0x111: {  	_ = 	snop  }
0x112: {  	[tilespmem:s29], [sflag:$0x1] =	stream.indirect.gather [hbm4b:s7+s25], $0x80, s24, s25, $0xb8;
	[tilespmem:$0x1EFF8] =	vst v63  }
0x113: {  	_ =	swait.ge [sflag:s11], $0x1400  }
0x114: {  	[sflag:s11] =	ssyncset.done $0x0  }
0x115: {  	[sflag:s11] =	ssyncadd.s32 $0xFFFFEC00  }
0x116: {  	_ =	swait.ge [sflag:s11], $0x1400  }
0x117: {  	[sflag:s11] =	ssyncset.done $0x0  }
0x118: {  	[sflag:s11] =	ssyncadd.s32 $0xFFFFEC00  }
0x119: {  	_ =	swait.ge [sflag:s11], $0x1400  }
0x11a: {  	[sflag:s11] =	ssyncset.done $0x0  }
0x11b: {  	s5 =	simm.s32 @!p0 $0x4;
	[sflag:s11] =	ssyncadd.s32 $0xFFFFEC00  }
0x11c: {  	_ =	swait.ge @!p0 [sflag:s5], $0x1400  }
0x11d: {  	[sflag:s5] =	ssyncset.done @!p0 $0x0  }
0x11e: {  	[sflag:s5] =	ssyncadd.s32 @!p0 $0xFFFFEC00;
	s5 =	simm.s32 @!p0 $0x6  }
0x11f: {  	_ =	swait.ge @!p0 [sflag:s5], $0x28  }
0x120: {  	[sflag:s5] =	ssyncset.done @!p0 $0x0  }
0x121: {  	s9 =	simm.s32 $0x0;
	[sflag:s5] =	ssyncadd.s32 @!p0 $0xFFFFFFD8  }
0x122: {  	v9 =	vld [tilespmem:s9+$0x4D80]  }
0x123: {  	v10 =	vld [tilespmem:s9+$0x6180]  }
0x124: {  	v11 =	vld [tilespmem:s9+$0x4D90]  }
0x125: {  	v12 =	vld [tilespmem:s9+$0x6190]  }
0x126: {  	v13 =	vld [tilespmem:s9+$0x4DA0]  }
0x127: {  	v14 =	vld [tilespmem:s9+$0x61A0]  }
0x128: {  	v15 =	vld [tilespmem:s9+$0x4DB0]  }
0x129: {  	v16 =	vld [tilespmem:s9+$0x61B0]  }
0x12a: {  	v9 =	vadd.f32 v10, v9;
	v10 =	vadd.f32 v12, v11;
	v11 =	vld [tilespmem:s9+$0x4DC0]  }
0x12b: {  	v12 =	vld [tilespmem:s9+$0x61C0]  }
0x12c: {  	v17 =	vld [tilespmem:s9+$0x61D0];
	v13 =	vadd.f32 v14, v13;
	v9 =	vmax.f32 v9, $0.0e+00;
	v10 =	vmax.f32 v10, $0.0e+00  }
0x12d: {  	v14 =	vld [tilespmem:s9+$0x4DD0];
	v9 =	vmul.f32 v9, v0;
	v10 =	vmul.f32 v10, v1  }
0x12e: {  	v15 =	vadd.f32 v16, v15;
	v16 =	vld [tilespmem:s9+$0x4DE0];
	v13 =	vmax.f32 v13, $0.0e+00  }
0x12f: {  	v9 =	vadd.f32 v10, v9;
	v10 =	vmul.f32 v13, v2;
	v13 =	vld [tilespmem:s9+$0x61E0]  }
0x130: {  	v18 =	vld [tilespmem:s9+$0x4DF0];
	v15 =	vmax.f32 v15, $0.0e+00;
	v11 =	vadd.f32 v12, v11  }
0x131: {  	v12 =	vld [tilespmem:s9+$0x61F0];
	v9 =	vadd.f32 v10, v9;
	v10 =	vmul.f32 v15, v3  }
0x132: {  	v14 =	vadd.f32 v17, v14;
	v11 =	vmax.f32 v11, $0.0e+00  }
0x133: {  	v9 =	vadd.f32 v10, v9;
	v10 =	vmul.f32 v11, v4  }
0x134: {  	v11 =	vmax.f32 v14, $0.0e+00;
	v13 =	vadd.f32 v13, v16  }
0x135: {  	v29 =	vld [tilespmem:s9+$0x7580];
	v9 =	vadd.f32 v10, v9;
	v10 =	vmul.f32 v11, v5  }
0x136: {  	v28 =	vld [tilespmem:s9+$0x7590];
	v11 =	vadd.f32 v12, v18;
	v12 =	vmax.f32 v13, $0.0e+00  }
0x137: {  	v27 =	vld [tilespmem:s9+$0x75A0];
	v9 =	vadd.f32 v10, v9;
	v10 =	vmul.f32 v12, v6  }
0x138: {  	v23 =	vld [tilespmem:s9+$0x75B0];
	v11 =	vmax.f32 v11, $0.0e+00  }
0x139: {  	v24 =	vld [tilespmem:s9+$0x75C0];
	v9 =	vadd.f32 v10, v9;
	v10 =	vmul.f32 v11, v7  }
0x13a: {  	v25 =	vld [tilespmem:s9+$0x75D0]  }
0x13b: {  	s5 =	simm.s32 $0x80;
	v26 =	vld [tilespmem:s9+$0x75E0];
	v9 =	vadd.f32 v10, v9  }
0x13c: {  	v14 =	vld [tilespmem:s5+$0x6190]  }
0x13d: {  	v13 =	vld [tilespmem:s5+$0x6180];
	(xrf2) =	vadd.scan.msk.f32 $0xffff, v9  }
0x13e: {  	v11 =	vld [tilespmem:s5+$0x4D80]  }
0x13f: {  	v10 =	vld [tilespmem:s5+$0x4D90]  }
0x140: {  	v15 =	vld [tilespmem:s5+$0x61A0]  }
0x141: {  	v12 =	vld [tilespmem:s5+$0x4DA0]  }
0x142: {  	v17 =	vld [tilespmem:s5+$0x4DB0]  }
0x143: {  	v18 =	vld [tilespmem:s5+$0x61B0]  }
0x144: {  	v19 =	vld [tilespmem:s5+$0x4DC0];
	v13 =	vadd.f32 v13, v11;
	v10 =	vadd.f32 v14, v10  }
0x145: {  	v20 =	vld [tilespmem:s5+$0x61C0]  }
0x146: {  	v21 =	vld [tilespmem:s5+$0x4DD0];
	v15 =	vadd.f32 v15, v12;
	v13 =	vmax.f32 v13, $0.0e+00;
	v10 =	vmax.f32 v10, $0.0e+00  }
0x147: {  	v22 =	vld [tilespmem:s5+$0x61D0];
	v13 =	vmul.f32 v13, v0;
	v10 =	vmul.f32 v10, v1;
	v9, _, _ =	vpop (xrf2)  }
0x148: {  	v30 =	vld [tilespmem:s5+$0x4DE0];
	v17 =	vadd.f32 v18, v17;
	v34 =	vmax.f32 v15, $0.0e+00;
	v46 =	vbroadcast v9, $0xF  }
0x149: {  	v31 =	vld [tilespmem:s5+$0x61E0];
	v34 =	vmul.f32 v34, v2;
	v18 =	vadd.f32 v10, v13  }
0x14a: {  	v45 =	vld [tilespmem:s5+$0x61F0];
	v19 =	vadd.f32 v20, v19;
	v17 =	vmax.f32 v17, $0.0e+00;
	v14 =	vadd.f32 v46, v8  }
0x14b: {  	s8 =	simm.s32 $0x100;
	v16 =	vld [tilespmem:s5+$0x4DF0];
	v17 =	vmul.f32 v17, v3;
	v18 =	vadd.f32 v34, v18  }
0x14c: {  	v47 =	vld [tilespmem:s8+$0x61A0];
	v21 =	vadd.f32 v22, v21;
	v19 =	vmax.f32 v19, $0.0e+00;
	v33 =	vsub.f32 $0.0e+00, v14  }
0x14d: {  	v48 =	vld [tilespmem:s8+$0x4DB0];
	v17 =	vadd.f32 v17, v18;
	v18 =	vmul.f32 v19, v4  }
0x14e: {  	v49 =	vld [tilespmem:s8+$0x61B0];
	v30 =	vadd.f32 v31, v30;
	v21 =	vmax.f32 v21, $0.0e+00;
	v33 =	vmul.f32 $1.442695020e+00, v33  }
0x14f: {  	v35 =	vld [tilespmem:s8+$0x4DC0];
	v17 =	vadd.f32 v18, v17;
	v18 =	vmul.f32 v21, v5  }
0x150: {  	v36 =	vld [tilespmem:s8+$0x61C0];
	v30 =	vmax.f32 v30, $0.0e+00;
	v16 =	vadd.f32 v45, v16;
	(erf) = vpow2.f32 v33  }
0x151: {  	v37 =	vld [tilespmem:s8+$0x4DD0];
	v17 =	vadd.f32 v18, v17;
	v18 =	vmul.f32 v30, v6  }
0x152: {  	v38 =	vld [tilespmem:s8+$0x61D0];
	v16 =	vmax.f32 v16, $0.0e+00  }
0x153: {  	v39 =	vld [tilespmem:s8+$0x4DE0];
	v16 =	vmul.f32 v16, v7;
	v17 =	vadd.f32 v18, v17  }
0x154: {  	v22 =	vld [tilespmem:s8+$0x4D80]  }
0x155: {  	v31 =	vld [tilespmem:s8+$0x4D90];
	v16 =	vadd.f32 v16, v17  }
0x156: {  	v19 =	vld [tilespmem:s8+$0x6180]  }
0x157: {  	v21 =	vld [tilespmem:s8+$0x6190];
	(xrf2) =	vadd.scan.msk.f32 $0xffff, v16  }
0x158: {  	v40 =	vld [tilespmem:s8+$0x61E0]  }
0x159: {  	v20 =	vld [tilespmem:s8+$0x4DA0];
	v18 =	vpop (erf)  }
0x15a: {  	v12 =	vld [tilespmem:s5+$0x75A0];
	v17 =	vadd.f32 $1.000000000e+00, v18  }
0x15b: {  	v11 =	vld [tilespmem:s5+$0x7590]  }
0x15c: {  	v15 =	vld [tilespmem:s5+$0x75C0];
	v16 =	vadd.f32 v19, v22;
	(erf) = vrcp.f32 v17;
	v17 =	vadd.f32 v21, v31  }
0x15d: {  	v10 =	vld [tilespmem:s5+$0x75D0]  }
0x15e: {  	v13 =	vld [tilespmem:s5+$0x75E0];
	v19 =	vadd.f32 v47, v20;
	v16 =	vmax.f32 v16, $0.0e+00;
	v17 =	vmax.f32 v17, $0.0e+00  }
0x15f: {  	v9 =	vld [tilespmem:s5+$0x7580];
	v16 =	vmul.f32 v16, v0;
	v17 =	vmul.f32 v17, v1  }
0x160: {  	v50 =	vadd.f32 v49, v48;
	v14 =	vld [tilespmem:s5+$0x75B0];
	v22 =	vmax.f32 v19, $0.0e+00  }
0x161: {  	v30 =	vld [tilespmem:s8+$0x4DF0];
	v22 =	vmul.f32 v22, v2;
	v54, _, _ =	vpop (xrf2);
	v51 =	vadd.f32 v17, v16  }
0x162: {  	v52 =	vadd.f32 v36, v35;
	v32 =	vmax.f32 v50, $0.0e+00;
	v31 =	vld [tilespmem:s8+$0x61F0];
	v36 =	vbroadcast v54, $0xF  }
0x163: {  	v32 =	vmul.f32 v32, v3;
	v21 =	vld [tilespmem:s9+$0x75F0];
	v33 =	vadd.f32 v22, v51  }
0x164: {  	v37 =	vadd.f32 v38, v37;
	v34 =	vmax.f32 v52, $0.0e+00;
	v20 =	vld [tilespmem:s8+$0x7590];
	v36 =	vadd.f32 v36, v8  }
0x165: {  	v55 =	vmul.f32 v34, v4;
	v19 =	vld [tilespmem:s8+$0x75A0];
	v32 =	vadd.f32 v32, v33  }
0x166: {  	v57 =	vadd.f32 v40, v39;
	v37 =	vmax.f32 v37, $0.0e+00;
	v18 =	vld [tilespmem:s8+$0x7580];
	v36 =	vsub.f32 $0.0e+00, v36  }
0x167: {  	v58 =	vmul.f32 v37, v5;
	v16 =	vld [tilespmem:s8+$0x75B0];
	v30 =	vadd.f32 v31, v30;
	v53 =	vpop (erf);
	v32 =	vadd.f32 v55, v32  }
0x168: {  	v17 =	vld [tilespmem:s8+$0x75C0];
	v31 =	vmax.f32 v57, $0.0e+00;
	v61 =	vmul.f32 $1.442695020e+00, v36;
	v41 =	vmul.f32 v21, v53  }
0x169: {  	v31 =	vmul.f32 v31, v6;
	v22 =	vld [tilespmem:s8+$0x75E0];
	v56 =	vmul.f32 v53, v29;
	v32 =	vadd.f32 v58, v32  }
0x16a: {  	s16 =	simm.s32 $0x180;
	v30 =	vmax.f32 v30, $0.0e+00;
	v21 =	vld [tilespmem:s8+$0x75D0];
	v59 =	vmul.f32 v53, v28;
	(erf) = vpow2.f32 v61;
	[tilespmem:s9+$0x9DF0] =	vst v41  }
0x16b: {  	v62 =	vmul.f32 v30, v7;
	v60 =	vmul.f32 v53, v27;
	v29 =	vld [tilespmem:s16+$0x4DA0];
	[tilespmem:s9+$0x9D80] =	vst v56;
	v31 =	vadd.f32 v31, v32  }
0x16c: {  	v63 =	vmul.f32 v53, v23;
	v28 =	vld [tilespmem:s16+$0x4D80];
	[tilespmem:s9+$0x9D90] =	vst v59  }
0x16d: {  	v30 =	vmul.f32 v53, v24;
	v27 =	vld [tilespmem:s16+$0x6180];
	[tilespmem:s9+$0x9DA0] =	vst v60;
	v24 =	vadd.f32 v62, v31  }
0x16e: {  	s14 =	simm.s32 $0x800;
	v23 =	vld [tilespmem:s16+$0x4D90];
	[tilespmem:s9+$0x9DB0] =	vst v63;
	v31 =	vmul.f32 v53, v25;
	v25 =	vmul.f32 v53, v26  }
.LBB2_6:
0x16f: {  	p0 =	sne.s32 s14, $0x4E00;
	v26 =	vld [tilespmem:s16+$0x6190];
	(xrf2) =	vadd.scan.msk.f32 $0xffff, v24;
	[tilespmem:s9+$0x9DC0] =	vst v30;
	v32 =	vmovc v10;
	v10 =	vmov v21;
	v33 =	vmov v13  }
0x170: {  	v13 =	vmov v22;
	v21 =	vld [tilespmem:s16+$0x61A0];
	[tilespmem:s9+$0x9DD0] =	vst v31  }
0x171: {  	v22 =	vld [tilespmem:s16+$0x4DF0];
	[tilespmem:s9+$0x9DE0] =	vst v25;
	s9 =	smov.u32 s5;
	s5 =	smov.u32 s8;
	s8 =	smov.u32 s16  }
0x172: {  	v24 =	vld [tilespmem:s8+$0x4DB0]  }
0x173: {  	v25 =	vadd.f32 v27, v28;
	v27 =	vld [tilespmem:s8+$0x61B0];
	v28 =	vpop (erf)  }
0x174: {  	v23 =	vadd.f32 v26, v23;
	v26 =	vld [tilespmem:s8+$0x4DC0];
	v28 =	vadd.f32 $1.000000000e+00, v28  }
0x175: {  	v21 =	vadd.f32 v21, v29;
	v29 =	vld [tilespmem:s8+$0x61C0]  }
0x176: {  	v25 =	vmax.f32 v25, $0.0e+00;
	v23 =	vmax.f32 v23, $0.0e+00;
	v30 =	vld [tilespmem:s8+$0x4DD0];
	(erf) = vrcp.f32 v28  }
0x177: {  	v25 =	vmul.f32 v25, v0;
	v23 =	vmul.f32 v23, v1;
	v28 =	vld [tilespmem:s8+$0x61D0]  }
0x178: {  	v21 =	vmax.f32 v21, $0.0e+00;
	v24 =	vadd.f32 v27, v24;
	v27 =	vld [tilespmem:s8+$0x4DE0]  }
0x179: {  	v21 =	vmul.f32 v21, v2;
	v23 =	vadd.f32 v23, v25;
	v25 =	vld [tilespmem:s8+$0x61E0];
	v31, _, _ =	vpop (xrf2)  }
0x17a: {  	v24 =	vmax.f32 v24, $0.0e+00;
	v26 =	vadd.f32 v29, v26;
	v29 =	vld [tilespmem:s8+$0x61F0];
	v31 =	vbroadcast v31, $0xF  }
0x17b: {  	v21 =	vadd.f32 v21, v23;
	v23 =	vmul.f32 v24, v3;
	v24 =	vld [tilespmem:s9+$0x75F0]  }
0x17c: {  	v26 =	vmax.f32 v26, $0.0e+00;
	v28 =	vadd.f32 v28, v30;
	v30 =	vld [tilespmem:s8+$0x7580];
	v31 =	vadd.f32 v31, v8  }
0x17d: {  	v21 =	vadd.f32 v23, v21;
	v23 =	vmul.f32 v26, v4;
	v26 =	vld [tilespmem:s8+$0x7590]  }
0x17e: {  	v28 =	vmax.f32 v28, $0.0e+00;
	v25 =	vadd.f32 v25, v27;
	v34 =	vld [tilespmem:s8+$0x75A0];
	v27 =	vsub.f32 $0.0e+00, v31  }
0x17f: {  	v21 =	vadd.f32 v23, v21;
	v23 =	vmul.f32 v28, v5;
	v22 =	vadd.f32 v29, v22;
	v35 =	vld [tilespmem:s8+$0x75B0];
	v36 =	vpop (erf)  }
0x180: {  	v25 =	vmax.f32 v25, $0.0e+00;
	v37 =	vld [tilespmem:s8+$0x75C0];
	v27 =	vmul.f32 $1.442695020e+00, v27;
	v24 =	vmul.f32 v24, v36  }
0x181: {  	v28 =	vmul.f32 v36, v9;
	v9 =	vmovc v18;
	v23 =	vadd.f32 v23, v21;
	v25 =	vmul.f32 v25, v6;
	v21 =	vld [tilespmem:s8+$0x75D0]  }
.Ltmp1:
0x182: {  	s16 =	sshra.s32 s14, $0x2;
	v31 =	vmax.f32 v22, $0.0e+00;
	v18 =	vmovc v30;
	v22 =	vld [tilespmem:s8+$0x75E0];
	(erf) = vpow2.f32 v27;
	v27 =	vmul.f32 v36, v11;
	[tilespmem:s9+$0x9DF0] =	vst v24;
	v11 =	vmovc v20;
	(pc) =	sbr.rel @p0 .LBB2_6-.Ltmp1, $4  }
0x183: {  	v24 =	vmul.f32 v31, v7;
	v29 =	vld [tilespmem:s16+$0x4DA0];
	v23 =	vadd.f32 v25, v23;
	[tilespmem:s9+$0x9D80] =	vst v28;
	v25 =	vmul.f32 v36, v12  }
0x184: {  	v38 =	vmul.f32 v36, v14;
	v30 =	vmul.f32 v36, v15;
	v20 =	vmovc v26;
	v12 =	vmov v19;
	v28 =	vld [tilespmem:s16+$0x4D80];
	[tilespmem:s9+$0x9D90] =	vst v27  }
0x185: {  	v31 =	vmul.f32 v36, v32;
	v27 =	vld [tilespmem:s16+$0x6180];
	v24 =	vadd.f32 v24, v23;
	[tilespmem:s9+$0x9DA0] =	vst v25;
	v25 =	vmul.f32 v36, v33  }
0x186: {  	s14 =	sadd.s32 $0x200, s14;
	v14 =	vmovc v16;
	v15 =	vmovc v17;
	v19 =	vmov v34;
	v16 =	vmov v35;
	v17 =	vmov v37;
	v23 =	vld [tilespmem:s16+$0x4D90];
	[tilespmem:s9+$0x9DB0] =	vst v38  }
0x187: {  	v26 =	vld [tilespmem:s16+$0x6190];
	[tilespmem:s9+$0x9DC0] =	vst v30  }
0x188: {  	v30 =	vld [tilespmem:s16+$0x61A0];
	[tilespmem:s9+$0x9DD0] =	vst v31  }
0x189: {  	v31 =	vld [tilespmem:s16+$0x4DF0];
	[tilespmem:s9+$0x9DE0] =	vst v25  }
0x18a: {  	v25 =	vld [tilespmem:s16+$0x4DB0]  }
0x18b: {  	v32 =	vld [tilespmem:s16+$0x61B0]  }
0x18c: {  	v27 =	vadd.f32 v27, v28;
	v56 =	vld [tilespmem:s16+$0x4DC0];
	v23 =	vadd.f32 v26, v23  }
0x18d: {  	v57 =	vld [tilespmem:s16+$0x61C0]  }
0x18e: {  	(xrf2) =	vadd.scan.msk.f32 $0xffff, v24;
	v58 =	vld [tilespmem:s16+$0x4DD0];
	v27 =	vmax.f32 v27, $0.0e+00;
	v29 =	vadd.f32 v30, v29;
	v23 =	vmax.f32 v23, $0.0e+00  }
0x18f: {  	v33 =	vld [tilespmem:s16+$0x61D0];
	v27 =	vmul.f32 v27, v0;
	v23 =	vmul.f32 v23, v1  }
0x190: {  	v60 =	vld [tilespmem:s16+$0x4DE0];
	v59 =	vmax.f32 v29, $0.0e+00;
	v25 =	vadd.f32 v32, v25  }
0x191: {  	v61 =	vld [tilespmem:s16+$0x61E0];
	v24 =	vmul.f32 v59, v2;
	v23 =	vadd.f32 v23, v27  }
0x192: {  	v26 =	vadd.f32 v57, v56;
	v25 =	vmax.f32 v25, $0.0e+00  }
0x193: {  	v62 =	vld [tilespmem:s16+$0x61F0];
	v63 =	vmul.f32 v25, v3;
	v23 =	vadd.f32 v24, v23  }
0x194: {  	v33 =	vadd.f32 v33, v58;
	v32 =	vmax.f32 v26, $0.0e+00  }
0x195: {  	v34 =	vmul.f32 v32, v4;
	v23 =	vadd.f32 v63, v23  }
0x196: {  	v36 =	vadd.f32 v61, v60;
	v35 =	vmax.f32 v33, $0.0e+00  }
0x197: {  	v37 =	vmul.f32 v35, v5;
	v23 =	vadd.f32 v34, v23  }
0x198: {  	v38 =	vadd.f32 v62, v31;
	v26 =	vmax.f32 v36, $0.0e+00;
	v40, _, _ =	vpop (xrf2)  }
0x199: {  	v39 =	vmul.f32 v26, v6;
	v26 =	vbroadcast v40, $0xF;
	v23 =	vadd.f32 v37, v23  }
0x19a: {  	v25 =	vmax.f32 v38, $0.0e+00  }
0x19b: {  	v41 =	vpop (erf);
	v42 =	vmul.f32 v25, v7;
	v26 =	vadd.f32 v26, v8;
	v23 =	vadd.f32 v39, v23  }
0x19c: {  	v43 =	vadd.f32 $1.000000000e+00, v41  }
0x19d: {  	v44 =	vsub.f32 $0.0e+00, v26;
	v23 =	vadd.f32 v42, v23  }
0x19e: {  	(erf) = vrcp.f32 v43  }
0x19f: {  	v45 =	vmul.f32 $1.442695020e+00, v44;
	(xrf2) =	vadd.scan.msk.f32 $0xffff, v23;
	_ =	sdelay $0x1  }
0x1a0: {  	(erf) = vpow2.f32 v45;
	_ =	sdelay $0x1  }
0x1a1: {  	v46 =	vld [tilespmem:s5+$0x75F0]  }
0x1a2: {  	v47 =	vld [tilespmem:s16+$0x7580]  }
0x1a3: {  	v48 =	vld [tilespmem:s16+$0x7590]  }
0x1a4: {  	v49 =	vld [tilespmem:s16+$0x75A0]  }
0x1a5: {  	v50 =	vld [tilespmem:s16+$0x75B0];
	v51 =	vpop (erf)  }
0x1a6: {  	v52 =	vld [tilespmem:s16+$0x75C0];
	v9 =	vmul.f32 v51, v9  }
0x1a7: {  	v54 =	vld [tilespmem:s16+$0x75D0];
	v11 =	vmul.f32 v51, v11;
	v53, _, _ =	vpop (xrf2)  }
0x1a8: {  	v55 =	vld [tilespmem:s16+$0x75E0];
	v15 =	vmul.f32 v51, v15;
	[tilespmem:s5+$0x9D80] =	vst v9;
	v56 =	vpop (erf);
	v30 =	vbroadcast v53, $0xF  }
0x1a9: {  	v9 =	vmul.f32 v51, v12;
	[tilespmem:s5+$0x9D90] =	vst v11;
	v57 =	vadd.f32 $1.000000000e+00, v56  }
0x1aa: {  	v11 =	vmul.f32 v51, v14;
	[tilespmem:s5+$0x9DC0] =	vst v15;
	v30 =	vadd.f32 v30, v8  }
0x1ab: {  	[tilespmem:s5+$0x9DA0] =	vst v9;
	v9 =	vmul.f32 v51, v10;
	(erf) = vrcp.f32 v57  }
0x1ac: {  	[tilespmem:s5+$0x9DB0] =	vst v11;
	v11 =	vmul.f32 v51, v13;
	v58 =	vsub.f32 $0.0e+00, v30  }
0x1ad: {  	[tilespmem:s5+$0x9DD0] =	vst v9;
	v23 =	vmul.f32 v46, v51  }
0x1ae: {  	[tilespmem:s5+$0x9DE0] =	vst v11;
	v10 =	vmul.f32 $1.442695020e+00, v58  }
0x1af: {  	[tilespmem:s5+$0x9DF0] =	vst v23  }
0x1b0: {  	v9 =	vld [tilespmem:s8+$0x75F0];
	(erf) = vpow2.f32 v10;
	_ =	sdelay $0x3  }
0x1b1: {  	v10 =	vpop (erf)  }
0x1b2: {  	v9 =	vmul.f32 v9, v10;
	_ =	sdelay $0x2  }
0x1b3: {  	v11 =	vmul.f32 v10, v18  }
0x1b4: {  	v59 =	vmul.f32 v10, v20;
	[tilespmem:s8+$0x9DF0] =	vst v9;
	v9 =	vpop (erf)  }
0x1b5: {  	v60 =	vmul.f32 v10, v16;
	[tilespmem:s8+$0x9D80] =	vst v11;
	v9 =	vadd.f32 $1.000000000e+00, v9  }
0x1b6: {  	v61 =	vmul.f32 v10, v17;
	[tilespmem:s8+$0x9D90] =	vst v59  }
0x1b7: {  	v11 =	vmul.f32 v10, v19;
	[tilespmem:s8+$0x9DB0] =	vst v60;
	(erf) = vrcp.f32 v9  }
0x1b8: {  	[tilespmem:s8+$0x9DC0] =	vst v61;
	v9 =	vmul.f32 v10, v21  }
0x1b9: {  	[tilespmem:s8+$0x9DA0] =	vst v11;
	v10 =	vmul.f32 v10, v22  }
0x1ba: {  	[tilespmem:s8+$0x9DD0] =	vst v9  }
0x1bb: {  	[tilespmem:s8+$0x9DE0] =	vst v10  }
0x1bc: {  	v9 =	vld [tilespmem:s16+$0x75F0];
	_ =	sdelay $0x3  }
0x1bd: {  	v10 =	vpop (erf)  }
0x1be: {  	v9 =	vmul.f32 v9, v10  }
0x1bf: {  	v11 =	vmul.f32 v10, v47  }
0x1c0: {  	v62 =	vmul.f32 v10, v48;
	[tilespmem:s16+$0x9DF0] =	vst v9  }
0x1c1: {  	v63 =	vmul.f32 v10, v52;
	[tilespmem:s16+$0x9D80] =	vst v11  }
0x1c2: {  	v9 =	vmul.f32 v10, v49;
	[tilespmem:s16+$0x9D90] =	vst v62  }
0x1c3: {  	v11 =	vmul.f32 v10, v50;
	[tilespmem:s16+$0x9DC0] =	vst v63  }
0x1c4: {  	s15 =	sadd.s32 $0x1, s15;
	[tilespmem:s16+$0x9DA0] =	vst v9;
	v9 =	vmul.f32 v10, v54  }
0x1c5: {  	p0 =	sne.s32 s15, $0x19;
	[tilespmem:s16+$0x9DB0] =	vst v11;
	v10 =	vmul.f32 v10, v55  }
.Ltmp2:
0x1c6: {  	[tilespmem:s16+$0x9DD0] =	vst v9;
	(pc) =	sbr.rel @p0 .LBB2_3-.Ltmp2, $4  }
0x1c7: {  	[tilespmem:s16+$0x9DE0] =	vst v10  }
0x1c8: {  	[spmem:s2] =	stream.indirect.scatter.add.f32 [tilespmem:s12], [sflag:$0x4], $0x80, s20, s25, $0xb8;
	[tilespmem:$0x1EFF8] =	vst v63  }
0x1c9: {  	_ = 	snop  }
0x1ca: {  	[spmem:s3] =	stream.indirect.scatter.add.s32 [tilespmem:s23], [sflag:$0x6], $0x1, s20, s25, $0xb8;
	[tilespmem:$0x1EFF8] =	vst v63  }
0x1cb: {  	_ =	swait.ge [sflag:s4], $0x1400  }
0x1cc: {  	[sflag:s4] =	ssyncset.done $0x0  }
0x1cd: {  	[sflag:s4] =	ssyncadd.s32 $0xFFFFEC00  }
0x1ce: {  	_ =	swait.ge [sflag:s4], $0x1400  }
0x1cf: {  	[sflag:s4] =	ssyncset.done $0x0  }
0x1d0: {  	[sflag:s4] =	ssyncadd.s32 $0xFFFFEC00  }
0x1d1: {  	_ =	swait.ge [sflag:s4], $0x1400  }
0x1d2: {  	[sflag:s4] =	ssyncset.done $0x0  }
0x1d3: {  	s5 =	simm.s32 $0x3;
	[sflag:s4] =	ssyncadd.s32 $0xFFFFEC00  }
0x1d4: {  	_ =	swait.ge [sflag:s5], $0x1400  }
0x1d5: {  	[sflag:s5] =	ssyncset.done $0x0  }
0x1d6: {  	[sflag:s5] =	ssyncadd.s32 $0xFFFFEC00  }
0x1d7: {  	_ =	swait.ge [sflag:s17], $0x28  }
0x1d8: {  	[sflag:s17] =	ssyncset.done $0x0  }
0x1d9: {  	s13 =	sadd.s32 $0x1, s13;
	[sflag:s17] =	ssyncadd.s32 $0xFFFFFFD8  }
0x1da: {  	p0 =	sne.s32 s13, $0x5;
	_ =	swait.ge [sflag:s18], $0x1400  }
.Ltmp3:
0x1db: {  	[sflag:s18] =	ssyncset.done $0x0;
	(pc) =	sbr.rel @p0 .LBB2_2-.Ltmp3, $4  }
0x1dc: {  	[sflag:s18] =	ssyncadd.s32 $0xFFFFEC00  }
0x1dd: {  	_ =	swait.ge [sflag:s19], $0x28  }
0x1de: {  	[sflag:s19] =	ssyncset.done $0x0  }
0x1df: {  	[sflag:s19] =	ssyncadd.s32 $0xFFFFFFD8  }
0x1e0: {  	[bflag:$0x0] =	sbarrier.arrive $0xFFFF  }
0x1e1: {  	s13 =	rddreg [dreg:$0xa]  }
0x1e2: {  	s5 =	rddreg [dreg:$0xe]  }
0x1e3: {  	s8 =	rddreg [dreg:$0x11]  }
0x1e4: {  	[hbm:s5], [sflag:s13] =	dma.local [spmem:s8], $0x2780  }
0x1e5: {  	_ =	swait.ge [sflag:s21], $0x2780  }
0x1e6: {  	[sflag:s21] =	ssyncset.done $0x0  }
0x1e7: {  	s14 =	rddreg [dreg:$0xc];
	[sflag:s21] =	ssyncadd.s32 $0xFFFFD880  }
0x1e8: {  	[tilespmem:s22], [sflag:$0x7] =	stream.linear.gather [spmem:s14], $0x278, $0x38;
	[tilespmem:$0x1EFF8] =	vst v63  }
0x1e9: {  	_ =	swait.ge [sflag:s21], $0x278  }
0x1ea: {  	[sflag:s21] =	ssyncset.done $0x0  }
0x1eb: {  	s15 =	simm.s32 $0x0;
	s20 =	rddreg [dreg:$0xf];
	[sflag:s21] =	ssyncadd.s32 $0xFFFFFD88  }
0x1ec: {  	[hbm4b:s20+s15] =	stream.linear.scatter [tilespmem:s22], [sflag:$0x7], $0x278, $0x38;
	[tilespmem:$0x1EFF8] =	vst v63  }
0x1ed: {  	_ =	swait.ge [sflag:s21], $0x278  }
0x1ee: {  	s9 =	rddreg [dreg:$0x12]  }
0x1ef: {  	s24 =	rddreg [dreg:$0x10];
	s9 =	sadd.s32 $0x1, s9  }
0x1f0: {  	p0 =	sne.s32 s9, s24  }
.Ltmp4:
0x1f1: {  	_ = 	snop;
	(pc) =	sbr.rel @p0 .LBB2_1-.Ltmp4, $3  }
0x1f2: {  	_ =	sdelay $0x1  }
0x1f3: {  	[sflag:s21] =	ssyncset.done $0x0  }
0x1f4: {  	[sflag:s21] =	ssyncadd.s32 $0xFFFFFD88  }
0x1f5: {  	_ =	sfence.sel $0x180000  }
0x1f6: {  	[bflag:$0x0] =	sbarrier.arrive $0xFFFF  }
0x1f7: {  	_ =	strace $0x9000004A  }
0x1f8: {  	s0 =	stileid.u32;
	[bflag:$0x2] =	sbarrier.arrive $0xFFFF  }
0x1f9: {  	p0 =	sne.s32 s0, $0x0;
	s0 =	rddreg [dreg:$0x4]  }
0x1fa: {  	s0 =	sadd.s32 @!p0 $0x100000, s0  }
0x1fb: {  	[sflag:s0] =	ssyncadd.tile.s32 @!p0 $0x1;
	_ =	shalt  }
.Lfunc_end2:
_tile_overlayer_lowered:
.L_overlay_start_2:
0x1fc: {  	(tag) =	ssettag $0x2  }
0x1fd: {  	s0 =	rddreg [dreg:$0x0];
	s2 =	stileid.u32  }
0x1fe: {  	s1 =	rddreg [dreg:$0x1];
	p0 =	sne.s32 s2, $0x0  }
0x1ff: {  	s3 =	rddreg [dreg:$0x2];
	[bflag:$0x3] =	sbarrier.arrive $0xFFFF;
	s2 =	simm.s32 @!p0 $0x1C07  }
0x200: {  	[timem:s3], [sflag:s2] =	dma.local @!p0 [hbm:s0], s1  }
0x201: {  	s0 =	simm.s32 @!p0 $0x7  }
0x202: {  	_ =	swait.ge @!p0 [sflag:s0], s1  }
0x203: {  	s1 =	ssub.s32 @!p0 $0x0, s1;
	[sflag:s0] =	ssyncset.done @!p0 $0x0  }
0x204: {  	[sflag:s0] =	ssyncadd.s32 @!p0 s1  }
0x205: {  	[bflag:$0x3] =	sbarrier.arrive $0xFFFF  }
0x206: {  	_ =	shalt  }

// kernel: kernel.8.cloned.1.call-start
scs
__scs_entry_jumppad:
0x0: {  	(pc) =	sbr.rel $0x88, $3  }
0x1: {  	(tag) =	ssettag $0x0;
	lr =	simm.s32 $0x1  }
0x2: {  	[smem:$0x3F93] =	sst lr;
	_ =	strace $0xD0000000  }
0x3: {  	_ = 	snop  }
0x4: {  	_ = 	snop  }
0x5: {  	_ = 	snop  }
0x6: {  	_ = 	snop  }
0x7: {  	_ = 	snop  }
__scs_overlays_trampoline_lowered:
0x8: {  	[smem:$0x3FA2] =	sst s0  }
0x9: {  	[smem:$0x3FA3] =	sst s1  }
0xa: {  	[smem:$0x3FA4] =	sst s2  }
0xb: {  	[smem:$0x3FA5] =	sst s3  }
0xc: {  	[smem:$0x3FA6] =	sst s4  }
0xd: {  	[smem:$0x3FA7] =	sst s5  }
0xe: {  	[smem:$0x3FA8] =	sst s6  }
0xf: {  	[smem:$0x3FA9] =	sst s7  }
0x10: {  	[smem:$0x3FAA] =	sst s8  }
0x11: {  	[smem:$0x3FAB] =	sst s9;
	s0 =	simm.s32 @!p0 $0x0  }
0x12: {  	s1 =	sld [smem:$0x3F91];
	s0 =	simm.s32 @p0 $0x1  }
0x13: {  	[smem:$0x3FAC] =	sst s0;
	s0 =	simm.s32 @!p1 $0x0  }
0x14: {  	s2 =	sld [smem:$0x3F90];
	s0 =	simm.s32 @p1 $0x1  }
0x15: {  	[smem:$0x3FAD] =	sst s0;
	s0 =	simm.s32 @!p2 $0x0  }
0x16: {  	s3 =	sld [smem:$0x3FDB];
	s0 =	simm.s32 @p2 $0x1  }
0x17: {  	s4 =	simm.s32 $0x1BF5;
	[smem:$0x3FAF] =	sst s0  }
0x18: {  	s0 =	sld [smem:$0x3F92];
	_ =	swait.ge [sflag:s4], $0x0  }
0x19: {  	s7 =	sld [smem:$0x3F93]  }
0x1a: {  	s8 =	sadd.s32 $0xFFFFE003, lr  }
0x1b: {  	s9 =	sadd.s32 $0xFFFFFEF7, lr;
	s5 =	simm.s32 $0xFFFFFFFF;
	p2 =	slt.u32 s8, $0xFFFFF086  }
0x1c: {  	p1 =	slt.u32 s9, $0xF7A;
	s5 =	simm.s32 @!p2 $0x0  }
0x1d: {  	s5 =	simm.s32 @p1 $0x1;
	p0 =	seq.s32 s7, s2  }
0x1e: {  	s7 =	smul.u32 @!p0 $0xF7A, s2;
	p2 =	seq.s32 @!p0 s5, $0x0  }
0x1f: {  	s9 =	smul.u32 $0xF7A, s1;
	s8 =	simm.s32 @!p0 $0x1BF5;
	p2 =	por !p2, p0  }
0x20: {  	[sflag:s8] =	ssyncset.s32 @!p0 $0xFFFFF086;
	s6 =	sadd.s32 @!p0 s3, s7;
	s7 =	simm.s32 @!p0 $0x108  }
0x21: {  	s3 =	sadd.s32 s3, s9;
	s6 =	sadd.s32 @!p0 $0x88, s6;
	s7 =	simm.s32 @p2 $0x1082  }
0x22: {  	[simem:s7], [sflag:s8] =	dma.local @!p0 [hbm:s6], $0xF7A  }
0x23: {  	s9 =	sor.u32 $0xD0000000, s2;
	s6 =	simm.s32 $0x108;
	_ =	swait.ge @!p0 [sflag:s8], $0x0  }
0x24: {  	s3 =	sadd.s32 $0x88, s3;
	s6 =	simm.s32 @!p1 $0x1082;
	[sflag:s4] =	ssyncset.s32 $0xFFFFF086  }
0x25: {  	[simem:s6], [sflag:s4] =	dma.local [hbm:s3], $0xF7A  }
0x26: {  	[smem:$0x3F93] =	sst s1;
	(tag) =	ssettag s2;
	_ =	strace s9  }
0x27: {  	s1 =	sld [smem:$0x3FA3]  }
0x28: {  	s2 =	sld [smem:$0x3FA4]  }
0x29: {  	s4 =	sld [smem:$0x3FA6]  }
0x2a: {  	p0 =	seq.s32 s5, $0x0;
	s5 =	sld [smem:$0x3FA7]  }
0x2b: {  	s6 =	sld [smem:$0x3FA8]  }
0x2c: {  	s7 =	sld [smem:$0x3FA9]  }
0x2d: {  	s3 =	simm.s32 $0x108;
	s8 =	sld [smem:$0x3FAA]  }
0x2e: {  	s3 =	simm.s32 @!p0 $0x1082;
	s9 =	sld [smem:$0x3FAB]  }
0x2f: {  	lr =	sadd.s32 s0, s3;
	s0 =	sld [smem:$0x3FA2]  }
0x30: {  	s3 =	sld [smem:$0x3FA5]  }
0x31: {  	[smem:$0x3FAE] =	sst s10  }
0x32: {  	s10 =	sld [smem:$0x3FAC];
	_ =	sdelay $0x3  }
0x33: {  	p0 =	seq.s32 s10, $0x1;
	s10 =	sld [smem:$0x3FAE];
	_ =	sdelay $0x3  }
0x34: {  	[smem:$0x3FAE] =	sst s10  }
0x35: {  	s10 =	sld [smem:$0x3FAD];
	_ =	sdelay $0x3  }
0x36: {  	p1 =	seq.s32 s10, $0x1;
	s10 =	sld [smem:$0x3FAE];
	_ =	sdelay $0x3  }
0x37: {  	[smem:$0x3FAE] =	sst s10  }
0x38: {  	s10 =	sld [smem:$0x3FAF]  }
0x39: {  	_ = 	snop;
	(pc) =	sbr.ind lr, $3  }
0x3a: {  	_ = 	snop  }
0x3b: {  	_ = 	snop  }
0x3c: {  	p2 =	seq.s32 s10, $0x1;
	s10 =	sld [smem:$0x3FAE]  }
0x3d: {  	_ =	shalt  }
0x3e: {  	_ =	shalt  }
0x3f: {  	_ =	shalt  }
0x40: {  	_ =	shalt  }
0x41: {  	_ =	shalt  }
0x42: {  	_ =	shalt  }
0x43: {  	_ =	shalt  }
0x44: {  	_ =	shalt  }
0x45: {  	_ =	shalt  }
0x46: {  	_ =	shalt  }
0x47: {  	_ =	shalt  }
0x48: {  	_ =	shalt  }
0x49: {  	_ =	shalt  }
0x4a: {  	_ =	shalt  }
0x4b: {  	_ =	shalt  }
0x4c: {  	_ =	shalt  }
0x4d: {  	_ =	shalt  }
0x4e: {  	_ =	shalt  }
0x4f: {  	_ =	shalt  }
0x50: {  	_ =	shalt  }
0x51: {  	_ =	shalt  }
0x52: {  	_ =	shalt  }
0x53: {  	_ =	shalt  }
0x54: {  	_ =	shalt  }
0x55: {  	_ =	shalt  }
0x56: {  	_ =	shalt  }
0x57: {  	_ =	shalt  }
0x58: {  	_ =	shalt  }
0x59: {  	_ =	shalt  }
0x5a: {  	_ =	shalt  }
0x5b: {  	_ =	shalt  }
0x5c: {  	_ =	shalt  }
0x5d: {  	_ =	shalt  }
0x5e: {  	_ =	shalt  }
0x5f: {  	_ =	shalt  }
0x60: {  	_ =	shalt  }
0x61: {  	_ =	shalt  }
0x62: {  	_ =	shalt  }
0x63: {  	_ =	shalt  }
0x64: {  	_ =	shalt  }
0x65: {  	_ =	shalt  }
0x66: {  	_ =	shalt  }
0x67: {  	_ =	shalt  }
0x68: {  	_ =	shalt  }
0x69: {  	_ =	shalt  }
0x6a: {  	_ =	shalt  }
0x6b: {  	_ =	shalt  }
0x6c: {  	_ =	shalt  }
0x6d: {  	_ =	shalt  }
0x6e: {  	_ =	shalt  }
0x6f: {  	_ =	shalt  }
0x70: {  	_ =	shalt  }
0x71: {  	_ =	shalt  }
0x72: {  	_ =	shalt  }
0x73: {  	_ =	shalt  }
0x74: {  	_ =	shalt  }
0x75: {  	_ =	shalt  }
0x76: {  	_ =	shalt  }
0x77: {  	_ =	shalt  }
0x78: {  	_ =	shalt  }
0x79: {  	_ =	shalt  }
0x7a: {  	_ =	shalt  }
0x7b: {  	_ =	shalt  }
0x7c: {  	_ =	shalt  }
0x7d: {  	_ =	shalt  }
0x7e: {  	_ =	shalt  }
0x7f: {  	_ =	shalt  }
0x80: {  	_ =	shalt  }
0x81: {  	_ =	shalt  }
0x82: {  	_ =	shalt  }
0x83: {  	_ =	shalt  }
0x84: {  	_ =	shalt  }
0x85: {  	_ =	shalt  }
0x86: {  	_ =	shalt  }
0x87: {  	_ =	shalt  }
.Lfunc_end0:
.L_simem_size_0:
called_computation_lowered:
.L_overlay_start_0:
0x88: {  	s2 =	sld [smem:$0x3FD9]  }
0x89: {  	s3 =	sld [smem:$0x3FFE];
	_ =	sdelay $0x1  }
0x8a: {  	s1 =	srdreg.scid  }
0x8b: {  	s0 =	sand.u32 $0x1, s1  }
0x8c: {  	s14 =	sshll.u32 s0, $0xA;
	s2 =	sadd.s32 s3, s2  }
0x8d: {  	s2 =	sadd.s32 s2, s14  }
0x8e: {  	[smem:$0x3FBA] =	sst s2  }
0x8f: {  	_ = 	snop  }
0x90: {  	s2 =	sld [smem:$0x3FD0];
	_ =	sdelay $0x2  }
0x91: {  	s15 =	simm.s32 $0xA;
	s4 =	simm.s32 $0x10  }
0x92: {  	[smem:s4], [sflag:s15] =	dma.local [hbm:s2], $0x1  }
0x93: {  	_ =	swait.eq [sflag:s15], $0x1  }
0x94: {  	[sflag:s15] =	ssyncset.done $0x0  }
0x95: {  	s16 =	sld [smem:$0x10];
	[sflag:s15] =	ssyncadd.s32 $0xFFFFFFFF  }
0x96: {  	s17 =	sld [smem:$0x11];
	(tm) =	ssettm $0x1  }
0x97: {  	s18 =	sld [smem:$0x3FFB];
	_ =	sdelay $0x3  }
0x98: {  	_ =	strace s18  }
0x99: {  	s4 =	sld [smem:$0x3FFC];
	_ =	sdelay $0x3  }
0x9a: {  	_ =	strace s4  }
0x9b: {  	s4 =	sld [smem:$0x3FFD];
	_ =	sdelay $0x3  }
0x9c: {  	_ =	strace s4  }
0x9d: {  	_ =	strace $0x8FFFFFFF  }
0x9e: {  	s19 =	sld [smem:$0x3FDB];
	_ =	sdelay $0x1  }
0x9f: {  	s5 =	simm.s32 $_scs_section_size  }
0xa0: {  	s6 =	simm.s32 $_size__tile_overlayer_lowered;
	s7 =	simm.s32 $_tile_overlayer_lowered  }
0xa1: {  	s22 =	simm.s32 $0x1BFF;
	s21 =	sshll.u32 s7, $0x1;
	s4 =	sadd.s32 s5, s19  }
0xa2: {  	s8 =	simm.s32 $0x0;
	s20 =	sshll.u32 s6, $0x1;
	s6 =	sadd.s32 s21, s4  }
0xa3: {  	[timem:s8], [sflag:s22] =	dma.local [hbm:s6], s20  }
0xa4: {  	_ =	swait.ge [sflag:s22], s20  }
0xa5: {  	s5 =	ssub.s32 $0x0, s20;
	[sflag:s22] =	ssyncset.done $0x0  }
0xa6: {  	[sflag:s22] =	ssyncadd.s32 s5;
	_ =	sdelay $0x1  }
0xa7: {  	s23 =	simm.s32 $0x1B8B  }
0xa8: {  	_ =	swait.ge [sflag:s23], $0x1  }
0xa9: {  	[sflag:s23] =	ssyncset.done $0x0  }
0xaa: {  	s25 =	simm.s32 $0x1B8E;
	s24 =	sld [smem:$0x3FFE];
	[sflag:s23] =	ssyncadd.s32 $0xFFFFFFFF  }
0xab: {  	s26 =	simm.s32 $execute0_lowered;
	[smem:$0x3FD2] =	sst s25  }
0xac: {  	s6 =	sshll.u32 s26, $0x1;
	_ =	strace $0x80000046;
	[dreg:$0x1] =	wrdreg $0xFFFFFFFF  }
0xad: {  	s28 =	simm.s32 $_size_execute0_lowered;
	s4 =	sadd.s32 s4, s6;
	[dreg:$0x0] =	wrdreg $0x0  }
0xae: {  	s6 =	sshll.u32 s28, $0x1;
	[dreg:$0x2] =	wrdreg s4  }
0xaf: {  	[dreg:$0x3] =	wrdreg s6  }
0xb0: {  	[dreg:$0x4] =	wrdreg $0xC0  }
0xb1: {  	_ =	task [dreg:s8], $0x5FFFF  }
0xb2: {  	[dreg:$0x1] =	wrdreg $0xFFFFFFFF  }
0xb3: {  	[dreg:$0x0] =	wrdreg $0x60  }
0xb4: {  	[dreg:$0x2] =	wrdreg s17  }
0xb5: {  	[dreg:$0x3] =	wrdreg s16  }
0xb6: {  	[dreg:$0x4] =	wrdreg s24  }
0xb7: {  	[dreg:$0x5] =	wrdreg $0xB1800  }
0xb8: {  	[dreg:$0x6] =	wrdreg $0x1ED800  }
0xb9: {  	[dreg:$0x7] =	wrdreg $0x9  }
0xba: {  	_ =	task.clear_ibuf [dreg:s8], $0x8FFFF;
	_ =	strace $0x90000046  }
0xbb: {  	s29 =	simm.s32 $0x9;
	_ =	strace $0x80000048  }
0xbc: {  	_ =	swait.ge [sflag:s29], $0x1  }
0xbd: {  	[sflag:s29] =	ssyncadd.s32 $0xFFFFFFFF  }
0xbe: {  	_ =	strace $0x90000048  }
0xbf: {  	_ =	sfence  }
0xc0: {  	s30 =	sld [smem:$0x0];
	_ =	sdelay $0x2  }
0xc1: {  	s31 =	sshll.u32 s1, $0xD;
	s1 =	sshrl.u32 s1, $0x2  }
0xc2: {  	s3 =	sand.u32 $0x4000, s31;
	s1 =	sadd.s32 s1, s30  }
0xc3: {  	s0 =	sor.u32 s3, s0;
	s1 =	sshll.u32 s1, $0x11  }
0xc4: {  	s0 =	sor.u32 s1, s0  }
0xc5: {  	s0 =	sadd.s32 $0x8F2B, s0  }
0xc6: {  	[sflag:s0] =	ssyncadd.remote.s32 $0x1  }
0xc7: {  	_ =	sfence.sel $0xFFFF  }
0xc8: {  	[dreg:$0x0] =	wrdreg $0xFFFFFFFF;
	(pc) =	sbr.abs _section_cstart, $3  }
0xc9: {  	[dreg:$0x1] =	wrdreg $0xFFFFFFFF  }
0xca: {  	_ =	task.clear_ibuf [dreg:s8], $0x2FFFF;
	_ =	strace $0x9FFFFFFF  }
0xcb: {  	(tm) =	ssettm $0x7FFFFFFF  }
tec
execute0_lowered:
.L_overlay_start_1:
0x0: {  	(tag) =	ssettag $0x1  }
0x1: {  	s1 =	rddreg [dreg:$0x0]  }
0x2: {  	s2 =	rddreg [dreg:$0x1]  }
0x3: {  	s0 =	rddreg [dreg:$0x2]  }
0x4: {  	s3 =	rddreg [dreg:$0x3]  }
0x5: {  	s5 =	rddreg [dreg:$0x4]  }
0x6: {  	s15 =	simm.s32 $0x0;
	s14 =	stileid.u32;
	s4 =	srdreg.scid  }
0x7: {  	s28 =	simm.s32 $0x2580;
	s29 =	simm.s32 $0x3980;
	s30 =	simm.s32 $0x4D80  }
0x8: {  	s31 =	simm.s32 $0x6180;
	[smem:$0x7FF] =	sst s15;
	s6 =	smul.u32 $0x278, s14  }
0x9: {  	s4 =	sand.u32 $0x1, s4;
	s7 =	sadd.s32 $0x16A00, s0;
	s8 =	sadd.s32 $0xCA00, s0  }
0xa: {  	s9 =	sadd.s32 $0x2C00, s0;
	_ =	strace $0x80000047;
	[dreg:$0x6] =	wrdreg s8  }
0xb: {  	s16 =	sadd.s32 $0x16800, s0;
	s17 =	smul.u32 $0x13C00, s14;
	[dreg:$0x7] =	wrdreg s9  }
0xc: {  	s10 =	sadd.s32 $0x3E400, s0;
	s12 =	sadd.s32 $0x3DC00, s0;
	[dreg:$0x8] =	wrdreg s16  }
0xd: {  	s24 =	sshll.u32 s14, $0x6;
	s13 =	smul.u32 $0x13C000, s4;
	[dreg:$0x9] =	wrdreg s10  }
0xe: {  	s11 =	smul.u32 $0x2780, s4;
	[dreg:$0xa] =	wrdreg s12;
	s20 =	ssub.s32 $0x2, s4  }
0xf: {  	s4 =	sshll.u32 s4, $0x4;
	s12 =	simm.s32 $0x9D80;
	s18 =	sshrl.u32 s6, $0x3  }
0x10: {  	s21 =	sshrl.u32 s20, $0x1;
	s4 =	sor.u32 s14, s4;
	s10 =	sadd.s32 s18, s0  }
0x11: {  	s8 =	sadd.s32 s17, s13;
	s19 =	sadd.s32 s6, s11;
	s13 =	smul.u32 $0x4F000, s14  }
0x12: {  	s22 =	ssub.s32 s20, s21;
	s14 =	sadd.s32 s6, s5;
	s4 =	smul.u32 $0x2710, s4  }
0x13: {  	s21 =	simm.s32 $0x7;
	s17 =	simm.s32 $0x5;
	s18 =	simm.s32 $0x4  }
0x14: {  	s8 =	sshrl.u32 s8, $0x3;
	s9 =	sshrl.u32 s19, $0x3;
	s10 =	sadd.s32 $0x3DE00, s10  }
0x15: {  	s26 =	smax.u32 s22, $0x1;
	s22 =	simm.s32 $0x100;
	[dreg:$0xd] =	wrdreg s14  }
0x16: {  	s19 =	simm.s32 $0x6;
	s8 =	sadd.s32 s8, s0;
	[dreg:$0xc] =	wrdreg s10  }
0x17: {  	s0 =	sadd.s32 s9, s0;
	s23 =	sshrl.u32 s13, $0x2;
	[dreg:$0xe] =	wrdreg s4  }
0x18: {  	s13 =	sor.u32 $0x1C07, s24;
	[dreg:$0x11] =	wrdreg s26;
	s26 =	simm.s32 $0x1180  }
0x19: {  	s4 =	simm.s32 $0x1;
	s10 =	simm.s32 $0x8980;
	s9 =	simm.s32 $0x0  }
0x1a: {  	s11 =	sadd.s32 s23, s3;
	s25 =	sadd.s32 $0x41600, s8;
	[dreg:$0xb] =	wrdreg s13  }
0x1b: {  	s0 =	sadd.s32 $0x40C00, s0;
	s23 =	simm.s32 $0x1100;
	[dreg:$0xf] =	wrdreg s25  }
0x1c: {  	[dreg:$0x10] =	wrdreg s0;
	s8 =	sshrl.u32 s11, $0x3;
	s25 =	simm.s32 $0x28  }
0x1d: {  	s0 =	simm.s32 $0x7580;
	s11 =	simm.s32 $0x2;
	[dreg:$0x12] =	wrdreg s8  }
.LBB2_1:
0x1e: {  	[dreg:$0x13] =	wrdreg s9  }
0x1f: {  	s6 =	rddreg [dreg:$0x9]  }
0x20: {  	[spmem:s8], [sflag:s13] =	dma.local [hbm:s6], $0x2780  }
0x21: {  	_ =	swait.ge [sflag:s21], $0x2780  }
0x22: {  	[sflag:s21] =	ssyncset.done $0x0  }
0x23: {  	s16 =	rddreg [dreg:$0xc];
	[sflag:s21] =	ssyncadd.s32 $0xFFFFD880  }
0x24: {  	[tilespmem:s22], [sflag:$0x7] =	stream.linear.gather [hbm4b:s16+s15], $0x278, $0x38;
	[tilespmem:$0x1EFF8] =	vst v63  }
0x25: {  	_ =	swait.ge [sflag:s21], $0x278  }
0x26: {  	[sflag:s21] =	ssyncset.done $0x0  }
0x27: {  	[sflag:s21] =	ssyncadd.s32 $0xFFFFFD88  }
0x28: {  	[spmem:s14] =	stream.linear.scatter [tilespmem:s22], [sflag:$0x7], $0x278, $0x38;
	[tilespmem:$0x1EFF8] =	vst v63  }
0x29: {  	_ =	swait.ge [sflag:s21], $0x278  }
0x2a: {  	[sflag:s21] =	ssyncset.done $0x0  }
0x2b: {  	s20 =	rddreg [dreg:$0x8];
	[sflag:s21] =	ssyncadd.s32 $0xFFFFFD88  }
0x2c: {  	[tilespmem:s15], [sflag:$0x7] =	stream.linear.gather [hbm4b:s20+s15], $0x100, $0x38;
	[tilespmem:$0x1EFF8] =	vst v63  }
0x2d: {  	_ =	swait.ge [sflag:s21], $0x100  }
0x2e: {  	[sflag:s21] =	ssyncset.done $0x0  }
0x2f: {  	s24 =	rddreg [dreg:$0xa];
	[sflag:s21] =	ssyncadd.s32 $0xFFFFFF00  }
0x30: {  	[tilespmem:s23], [sflag:$0x7] =	stream.linear.gather [hbm4b:s24+s15], $0x80, $0x38;
	[tilespmem:$0x1EFF8] =	vst v63  }
0x31: {  	_ =	swait.ge [sflag:s21], $0x80  }
0x32: {  	[sflag:s21] =	ssyncset.done $0x0  }
0x33: {  	[sflag:s21] =	ssyncadd.s32 $0xFFFFFF80  }
0x34: {  	v0 =	vld [tilespmem:$0x0]  }
0x35: {  	v1 =	vld [tilespmem:$0x10]  }
0x36: {  	v2 =	vld [tilespmem:$0x20]  }
0x37: {  	v3 =	vld [tilespmem:$0x30]  }
0x38: {  	v4 =	vld [tilespmem:$0x40]  }
0x39: {  	v5 =	vld [tilespmem:$0x50]  }
0x3a: {  	v6 =	vld [tilespmem:$0x60]  }
0x3b: {  	v7 =	vld [tilespmem:$0x70]  }
0x3c: {  	s13 =	simm.s32 $0x0;
	v8 =	vld [tilespmem:$0x80];
	[bflag:$0x0] =	sbarrier.arrive $0xFFFF  }
.LBB2_2:
0x3d: {  	s6 =	smul.u32 $0x7D0, s13  }
0x3e: {  	s8 =	rddreg [dreg:$0xe]  }
0x3f: {  	s6 =	sadd.s32 s8, s6  }
0x40: {  	s16 =	rddreg [dreg:$0x6];
	s6 =	sshrl.u32 s6, $0x3  }
0x41: {  	s15 =	simm.s32 $0x0;
	s8 =	sadd.s32 s16, s6  }
0x42: {  	[tilespmem:s22], [sflag:$0x7] =	stream.linear.gather [hbm4b:s8+s15], $0x7D0, $0x38;
	[tilespmem:$0x1EFF8] =	vst v63  }
0x43: {  	_ =	swait.ge [sflag:s21], $0x7D0  }
0x44: {  	[sflag:s21] =	ssyncset.done $0x0;
	s20 =	rddreg [dreg:$0x7]  }
0x45: {  	s24 =	simm.s32 $0x900;
	[sflag:s21] =	ssyncadd.s32 $0xFFFFF830;
	s6 =	sadd.s32 s20, s6  }
0x46: {  	[tilespmem:s24], [sflag:$0x7] =	stream.linear.gather [hbm4b:s6+s15], $0x7D0, $0x38;
	[tilespmem:$0x1EFF8] =	vst v63  }
0x47: {  	_ =	swait.ge [sflag:s21], $0x7D0  }
0x48: {  	[sflag:s21] =	ssyncset.done $0x0  }
0x49: {  	[sflag:s21] =	ssyncadd.s32 $0xFFFFF830  }
0x4a: {  	[tilespmem:s26], [sflag:$0x1] =	stream.indirect.gather [hbm4b:s1+s25], $0x80, s24, s25, $0xb8;
	[tilespmem:$0x1EFF8] =	vst v63  }
0x4b: {  	_ = 	snop  }
0x4c: {  	[tilespmem:s28], [sflag:$0x1] =	stream.indirect.gather [hbm4b:s2+s25], $0x80, s22, s25, $0xb8;
	[tilespmem:$0x1EFF8] =	vst v63  }
0x4d: {  	_ = 	snop  }
0x4e: {  	[tilespmem:s29], [sflag:$0x1] =	stream.indirect.gather [hbm4b:s7+s25], $0x80, s22, s25, $0xb8;
	[tilespmem:$0x1EFF8] =	vst v63  }
.LBB2_3:
0x4f: {  	s6 =	smul.u32 $0x50, s15;
	_ =	sdelay $0x1  }
0x50: {  	s20 =	sadd.s32 $0x928, s6  }
0x51: {  	[tilespmem:s30], [sflag:$0x2] =	stream.indirect.gather [hbm4b:s1+s25], $0x80, s20, s25, $0xb8;
	[tilespmem:$0x1EFF8] =	vst v63  }
0x52: {  	s6 =	sadd.s32 $0x128, s6  }
0x53: {  	[tilespmem:s31], [sflag:$0x2] =	stream.indirect.gather [hbm4b:s2+s25], $0x80, s6, s25, $0xb8;
	[tilespmem:$0x1EFF8] =	vst v63  }
0x54: {  	_ = 	snop  }
0x55: {  	[tilespmem:s0], [sflag:$0x2] =	stream.indirect.gather [hbm4b:s7+s25], $0x80, s6, s25, $0xb8;
	[tilespmem:$0x1EFF8] =	vst v63  }
0x56: {  	_ =	swait.ge [sflag:s4], $0x1400  }
0x57: {  	[sflag:s4] =	ssyncset.done $0x0  }
0x58: {  	[sflag:s4] =	ssyncadd.s32 $0xFFFFEC00  }
0x59: {  	_ =	swait.ge [sflag:s4], $0x1400  }
0x5a: {  	[sflag:s4] =	ssyncset.done $0x0  }
0x5b: {  	[sflag:s4] =	ssyncadd.s32 $0xFFFFEC00  }
0x5c: {  	_ =	swait.ge [sflag:s4], $0x1400  }
0x5d: {  	p0 =	seq.s32 s15, $0x0;
	[sflag:s4] =	ssyncset.done $0x0  }
0x5e: {  	s6 =	simm.s32 @!p0 $0x3;
	[sflag:s4] =	ssyncadd.s32 $0xFFFFEC00  }
0x5f: {  	_ =	swait.ge @!p0 [sflag:s6], $0x1400  }
0x60: {  	[sflag:s6] =	ssyncset.done @!p0 $0x0  }
0x61: {  	[sflag:s6] =	ssyncadd.s32 @!p0 $0xFFFFEC00;
	s6 =	simm.s32 @!p0 $0x5  }
0x62: {  	_ =	swait.ge @!p0 [sflag:s6], $0x28  }
0x63: {  	[sflag:s6] =	ssyncset.done @!p0 $0x0  }
0x64: {  	s9 =	simm.s32 $0x0;
	[sflag:s6] =	ssyncadd.s32 @!p0 $0xFFFFFFD8  }
0x65: {  	v9 =	vld [tilespmem:s9+$0x1180]  }
0x66: {  	v10 =	vld [tilespmem:s9+$0x2580]  }
0x67: {  	v11 =	vld [tilespmem:s9+$0x1190]  }
0x68: {  	v12 =	vld [tilespmem:s9+$0x2590]  }
0x69: {  	v13 =	vld [tilespmem:s9+$0x11A0]  }
0x6a: {  	v14 =	vld [tilespmem:s9+$0x25A0]  }
0x6b: {  	v15 =	vld [tilespmem:s9+$0x11B0]  }
0x6c: {  	v16 =	vld [tilespmem:s9+$0x25B0]  }
0x6d: {  	v9 =	vadd.f32 v10, v9;
	v10 =	vadd.f32 v12, v11;
	v11 =	vld [tilespmem:s9+$0x11C0]  }
0x6e: {  	v12 =	vld [tilespmem:s9+$0x25C0]  }
0x6f: {  	v17 =	vld [tilespmem:s9+$0x25D0];
	v13 =	vadd.f32 v14, v13;
	v9 =	vmax.f32 v9, $0.0e+00;
	v10 =	vmax.f32 v10, $0.0e+00  }
0x70: {  	v14 =	vld [tilespmem:s9+$0x11D0];
	v9 =	vmul.f32 v9, v0;
	v10 =	vmul.f32 v10, v1  }
0x71: {  	v15 =	vadd.f32 v16, v15;
	v16 =	vld [tilespmem:s9+$0x11E0];
	v13 =	vmax.f32 v13, $0.0e+00  }
0x72: {  	v9 =	vadd.f32 v10, v9;
	v10 =	vmul.f32 v13, v2;
	v13 =	vld [tilespmem:s9+$0x25E0]  }
0x73: {  	v18 =	vld [tilespmem:s9+$0x11F0];
	v15 =	vmax.f32 v15, $0.0e+00;
	v11 =	vadd.f32 v12, v11  }
0x74: {  	v12 =	vld [tilespmem:s9+$0x25F0];
	v9 =	vadd.f32 v10, v9;
	v10 =	vmul.f32 v15, v3  }
0x75: {  	v14 =	vadd.f32 v17, v14;
	v11 =	vmax.f32 v11, $0.0e+00  }
0x76: {  	v9 =	vadd.f32 v10, v9;
	v10 =	vmul.f32 v11, v4  }
0x77: {  	v11 =	vmax.f32 v14, $0.0e+00;
	v13 =	vadd.f32 v13, v16  }
0x78: {  	v29 =	vld [tilespmem:s9+$0x3980];
	v9 =	vadd.f32 v10, v9;
	v10 =	vmul.f32 v11, v5  }
0x79: {  	v28 =	vld [tilespmem:s9+$0x3990];
	v11 =	vadd.f32 v12, v18;
	v12 =	vmax.f32 v13, $0.0e+00  }
0x7a: {  	v27 =	vld [tilespmem:s9+$0x39A0];
	v9 =	vadd.f32 v10, v9;
	v10 =	vmul.f32 v12, v6  }
0x7b: {  	v24 =	vld [tilespmem:s9+$0x39B0];
	v11 =	vmax.f32 v11, $0.0e+00  }
0x7c: {  	v25 =	vld [tilespmem:s9+$0x39C0];
	v9 =	vadd.f32 v10, v9;
	v10 =	vmul.f32 v11, v7  }
0x7d: {  	v23 =	vld [tilespmem:s9+$0x39D0]  }
0x7e: {  	s6 =	simm.s32 $0x80;
	v26 =	vld [tilespmem:s9+$0x39E0];
	v9 =	vadd.f32 v10, v9  }
0x7f: {  	v14 =	vld [tilespmem:s6+$0x2590]  }
0x80: {  	v13 =	vld [tilespmem:s6+$0x2580];
	(xrf2) =	vadd.scan.msk.f32 $0xffff, v9  }
0x81: {  	v11 =	vld [tilespmem:s6+$0x1180]  }
0x82: {  	v10 =	vld [tilespmem:s6+$0x1190]  }
0x83: {  	v15 =	vld [tilespmem:s6+$0x25A0]  }
0x84: {  	v12 =	vld [tilespmem:s6+$0x11A0]  }
0x85: {  	v17 =	vld [tilespmem:s6+$0x11B0]  }
0x86: {  	v18 =	vld [tilespmem:s6+$0x25B0]  }
0x87: {  	v19 =	vld [tilespmem:s6+$0x11C0];
	v13 =	vadd.f32 v13, v11;
	v10 =	vadd.f32 v14, v10  }
0x88: {  	v20 =	vld [tilespmem:s6+$0x25C0]  }
0x89: {  	v21 =	vld [tilespmem:s6+$0x11D0];
	v15 =	vadd.f32 v15, v12;
	v13 =	vmax.f32 v13, $0.0e+00;
	v10 =	vmax.f32 v10, $0.0e+00  }
0x8a: {  	v22 =	vld [tilespmem:s6+$0x25D0];
	v13 =	vmul.f32 v13, v0;
	v10 =	vmul.f32 v10, v1;
	v9, _, _ =	vpop (xrf2)  }
0x8b: {  	v30 =	vld [tilespmem:s6+$0x11E0];
	v17 =	vadd.f32 v18, v17;
	v34 =	vmax.f32 v15, $0.0e+00;
	v33 =	vbroadcast v9, $0xF  }
0x8c: {  	v31 =	vld [tilespmem:s6+$0x25E0];
	v34 =	vmul.f32 v34, v2;
	v18 =	vadd.f32 v10, v13  }
0x8d: {  	v32 =	vld [tilespmem:s6+$0x25F0];
	v19 =	vadd.f32 v20, v19;
	v17 =	vmax.f32 v17, $0.0e+00;
	v14 =	vadd.f32 v33, v8  }
0x8e: {  	s8 =	simm.s32 $0x100;
	v16 =	vld [tilespmem:s6+$0x11F0];
	v17 =	vmul.f32 v17, v3;
	v18 =	vadd.f32 v34, v18  }
0x8f: {  	v47 =	vld [tilespmem:s8+$0x25A0];
	v21 =	vadd.f32 v22, v21;
	v19 =	vmax.f32 v19, $0.0e+00;
	v33 =	vsub.f32 $0.0e+00, v14  }
0x90: {  	v48 =	vld [tilespmem:s8+$0x11B0];
	v17 =	vadd.f32 v17, v18;
	v18 =	vmul.f32 v19, v4  }
0x91: {  	v49 =	vld [tilespmem:s8+$0x25B0];
	v30 =	vadd.f32 v31, v30;
	v21 =	vmax.f32 v21, $0.0e+00;
	v33 =	vmul.f32 $1.442695020e+00, v33  }
0x92: {  	v35 =	vld [tilespmem:s8+$0x11C0];
	v17 =	vadd.f32 v18, v17;
	v18 =	vmul.f32 v21, v5  }
0x93: {  	v36 =	vld [tilespmem:s8+$0x25C0];
	v30 =	vmax.f32 v30, $0.0e+00;
	v16 =	vadd.f32 v32, v16;
	(erf) = vpow2.f32 v33  }
0x94: {  	v37 =	vld [tilespmem:s8+$0x11D0];
	v17 =	vadd.f32 v18, v17;
	v18 =	vmul.f32 v30, v6  }
0x95: {  	v38 =	vld [tilespmem:s8+$0x25D0];
	v16 =	vmax.f32 v16, $0.0e+00  }
0x96: {  	v39 =	vld [tilespmem:s8+$0x11E0];
	v16 =	vmul.f32 v16, v7;
	v17 =	vadd.f32 v18, v17  }
0x97: {  	v22 =	vld [tilespmem:s8+$0x1180]  }
0x98: {  	v31 =	vld [tilespmem:s8+$0x1190];
	v16 =	vadd.f32 v16, v17  }
0x99: {  	v19 =	vld [tilespmem:s8+$0x2580]  }
0x9a: {  	v21 =	vld [tilespmem:s8+$0x2590];
	(xrf2) =	vadd.scan.msk.f32 $0xffff, v16  }
0x9b: {  	v40 =	vld [tilespmem:s8+$0x25E0]  }
0x9c: {  	v20 =	vld [tilespmem:s8+$0x11A0];
	v18 =	vpop (erf)  }
0x9d: {  	v12 =	vld [tilespmem:s6+$0x39A0];
	v17 =	vadd.f32 $1.000000000e+00, v18  }
0x9e: {  	v11 =	vld [tilespmem:s6+$0x3990]  }
0x9f: {  	v15 =	vld [tilespmem:s6+$0x39C0];
	v16 =	vadd.f32 v19, v22;
	(erf) = vrcp.f32 v17;
	v17 =	vadd.f32 v21, v31  }
0xa0: {  	v10 =	vld [tilespmem:s6+$0x39D0]  }
0xa1: {  	v13 =	vld [tilespmem:s6+$0x39E0];
	v19 =	vadd.f32 v47, v20;
	v16 =	vmax.f32 v16, $0.0e+00;
	v17 =	vmax.f32 v17, $0.0e+00  }
0xa2: {  	v9 =	vld [tilespmem:s6+$0x3980];
	v16 =	vmul.f32 v16, v0;
	v17 =	vmul.f32 v17, v1  }
0xa3: {  	v50 =	vadd.f32 v49, v48;
	v14 =	vld [tilespmem:s6+$0x39B0];
	v22 =	vmax.f32 v19, $0.0e+00  }
0xa4: {  	v30 =	vld [tilespmem:s8+$0x11F0];
	v22 =	vmul.f32 v22, v2;
	v54, _, _ =	vpop (xrf2);
	v51 =	vadd.f32 v17, v16  }
0xa5: {  	v52 =	vadd.f32 v36, v35;
	v32 =	vmax.f32 v50, $0.0e+00;
	v31 =	vld [tilespmem:s8+$0x25F0];
	v36 =	vbroadcast v54, $0xF  }
0xa6: {  	v32 =	vmul.f32 v32, v3;
	v21 =	vld [tilespmem:s9+$0x39F0];
	v33 =	vadd.f32 v22, v51  }
0xa7: {  	v37 =	vadd.f32 v38, v37;
	v34 =	vmax.f32 v52, $0.0e+00;
	v20 =	vld [tilespmem:s8+$0x3990];
	v36 =	vadd.f32 v36, v8  }
0xa8: {  	v55 =	vmul.f32 v34, v4;
	v19 =	vld [tilespmem:s8+$0x39A0];
	v32 =	vadd.f32 v32, v33  }
0xa9: {  	v57 =	vadd.f32 v40, v39;
	v37 =	vmax.f32 v37, $0.0e+00;
	v18 =	vld [tilespmem:s8+$0x3980];
	v36 =	vsub.f32 $0.0e+00, v36  }
0xaa: {  	v58 =	vmul.f32 v37, v5;
	v16 =	vld [tilespmem:s8+$0x39B0];
	v30 =	vadd.f32 v31, v30;
	v53 =	vpop (erf);
	v32 =	vadd.f32 v55, v32  }
0xab: {  	v17 =	vld [tilespmem:s8+$0x39C0];
	v31 =	vmax.f32 v57, $0.0e+00;
	v61 =	vmul.f32 $1.442695020e+00, v36;
	v41 =	vmul.f32 v21, v53  }
0xac: {  	v31 =	vmul.f32 v31, v6;
	v22 =	vld [tilespmem:s8+$0x39E0];
	v56 =	vmul.f32 v53, v29;
	v32 =	vadd.f32 v58, v32  }
0xad: {  	s24 =	simm.s32 $0x180;
	v30 =	vmax.f32 v30, $0.0e+00;
	v21 =	vld [tilespmem:s8+$0x39D0];
	v59 =	vmul.f32 v53, v28;
	(erf) = vpow2.f32 v61;
	[tilespmem:s9+$0x89F0] =	vst v41  }
0xae: {  	v62 =	vmul.f32 v30, v7;
	v60 =	vmul.f32 v53, v27;
	v29 =	vld [tilespmem:s24+$0x11A0];
	[tilespmem:s9+$0x8980] =	vst v56;
	v31 =	vadd.f32 v31, v32  }
0xaf: {  	v63 =	vmul.f32 v53, v24;
	v28 =	vld [tilespmem:s24+$0x1180];
	[tilespmem:s9+$0x8990] =	vst v59  }
0xb0: {  	v30 =	vmul.f32 v53, v25;
	v27 =	vld [tilespmem:s24+$0x2580];
	[tilespmem:s9+$0x89A0] =	vst v60;
	v25 =	vadd.f32 v62, v31  }
0xb1: {  	s16 =	sshll.u32 s15, $0x1;
	s14 =	simm.s32 $0x800;
	v24 =	vld [tilespmem:s24+$0x1190];
	[tilespmem:s9+$0x89B0] =	vst v63;
	v31 =	vmul.f32 v53, v23;
	v23 =	vmul.f32 v53, v26  }
.LBB2_4:
0xb2: {  	p1 =	sne.s32 s14, $0x4E00;
	v26 =	vld [tilespmem:s24+$0x2590];
	(xrf2) =	vadd.scan.msk.f32 $0xffff, v25;
	[tilespmem:s9+$0x89C0] =	vst v30;
	v32 =	vmovc v10;
	v10 =	vmov v21;
	v33 =	vmov v13  }
0xb3: {  	v13 =	vmov v22;
	v21 =	vld [tilespmem:s24+$0x25A0];
	[tilespmem:s9+$0x89D0] =	vst v31  }
0xb4: {  	v22 =	vld [tilespmem:s24+$0x11F0];
	[tilespmem:s9+$0x89E0] =	vst v23;
	s9 =	smov.u32 s6;
	s6 =	smov.u32 s8;
	s8 =	smov.u32 s24  }
0xb5: {  	v23 =	vld [tilespmem:s8+$0x11B0]  }
0xb6: {  	v25 =	vadd.f32 v27, v28;
	v27 =	vld [tilespmem:s8+$0x25B0];
	v28 =	vpop (erf)  }
0xb7: {  	v24 =	vadd.f32 v26, v24;
	v26 =	vld [tilespmem:s8+$0x11C0];
	v28 =	vadd.f32 $1.000000000e+00, v28  }
0xb8: {  	v21 =	vadd.f32 v21, v29;
	v29 =	vld [tilespmem:s8+$0x25C0]  }
0xb9: {  	v25 =	vmax.f32 v25, $0.0e+00;
	v24 =	vmax.f32 v24, $0.0e+00;
	v30 =	vld [tilespmem:s8+$0x11D0];
	(erf) = vrcp.f32 v28  }
0xba: {  	v25 =	vmul.f32 v25, v0;
	v24 =	vmul.f32 v24, v1;
	v28 =	vld [tilespmem:s8+$0x25D0]  }
0xbb: {  	v21 =	vmax.f32 v21, $0.0e+00;
	v23 =	vadd.f32 v27, v23;
	v27 =	vld [tilespmem:s8+$0x11E0]  }
0xbc: {  	v21 =	vmul.f32 v21, v2;
	v24 =	vadd.f32 v24, v25;
	v25 =	vld [tilespmem:s8+$0x25E0];
	v31, _, _ =	vpop (xrf2)  }
0xbd: {  	v23 =	vmax.f32 v23, $0.0e+00;
	v26 =	vadd.f32 v29, v26;
	v29 =	vld [tilespmem:s8+$0x25F0];
	v31 =	vbroadcast v31, $0xF  }
0xbe: {  	v21 =	vadd.f32 v21, v24;
	v23 =	vmul.f32 v23, v3;
	v24 =	vld [tilespmem:s9+$0x39F0]  }
0xbf: {  	v26 =	vmax.f32 v26, $0.0e+00;
	v28 =	vadd.f32 v28, v30;
	v30 =	vld [tilespmem:s8+$0x3980];
	v31 =	vadd.f32 v31, v8  }
0xc0: {  	v21 =	vadd.f32 v23, v21;
	v23 =	vmul.f32 v26, v4;
	v26 =	vld [tilespmem:s8+$0x3990]  }
0xc1: {  	v28 =	vmax.f32 v28, $0.0e+00;
	v25 =	vadd.f32 v25, v27;
	v34 =	vld [tilespmem:s8+$0x39A0];
	v27 =	vsub.f32 $0.0e+00, v31  }
0xc2: {  	v21 =	vadd.f32 v23, v21;
	v23 =	vmul.f32 v28, v5;
	v22 =	vadd.f32 v29, v22;
	v35 =	vld [tilespmem:s8+$0x39B0];
	v36 =	vpop (erf)  }
0xc3: {  	v25 =	vmax.f32 v25, $0.0e+00;
	v37 =	vld [tilespmem:s8+$0x39C0];
	v27 =	vmul.f32 $1.442695020e+00, v27;
	v24 =	vmul.f32 v24, v36  }
0xc4: {  	v28 =	vmul.f32 v36, v9;
	v9 =	vmovc v18;
	v23 =	vadd.f32 v23, v21;
	v25 =	vmul.f32 v25, v6;
	v21 =	vld [tilespmem:s8+$0x39D0]  }
.Ltmp0:
0xc5: {  	s24 =	sshra.s32 s14, $0x2;
	v31 =	vmax.f32 v22, $0.0e+00;
	v18 =	vmovc v30;
	v22 =	vld [tilespmem:s8+$0x39E0];
	(erf) = vpow2.f32 v27;
	v27 =	vmul.f32 v36, v11;
	[tilespmem:s9+$0x89F0] =	vst v24;
	v11 =	vmovc v20;
	(pc) =	sbr.rel @p1 .LBB2_4-.Ltmp0, $4  }
0xc6: {  	v24 =	vmul.f32 v31, v7;
	v31 =	vmul.f32 v36, v12;
	v29 =	vld [tilespmem:s24+$0x11A0];
	v23 =	vadd.f32 v25, v23;
	[tilespmem:s9+$0x8980] =	vst v28  }
0xc7: {  	v38 =	vmul.f32 v36, v14;
	v30 =	vmul.f32 v36, v15;
	v20 =	vmovc v26;
	v12 =	vmov v19;
	v28 =	vld [tilespmem:s24+$0x1180];
	[tilespmem:s9+$0x8990] =	vst v27  }
0xc8: {  	v27 =	vld [tilespmem:s24+$0x2580];
	v25 =	vadd.f32 v24, v23;
	[tilespmem:s9+$0x89A0] =	vst v31;
	v31 =	vmul.f32 v36, v32;
	v23 =	vmul.f32 v36, v33  }
0xc9: {  	s14 =	sadd.s32 $0x200, s14;
	v14 =	vmovc v16;
	v15 =	vmovc v17;
	v19 =	vmov v34;
	v16 =	vmov v35;
	v17 =	vmov v37;
	v24 =	vld [tilespmem:s24+$0x1190];
	[tilespmem:s9+$0x89B0] =	vst v38  }
0xca: {  	v26 =	vld [tilespmem:s24+$0x2590];
	[tilespmem:s9+$0x89C0] =	vst v30  }
0xcb: {  	v30 =	vld [tilespmem:s24+$0x25A0];
	[tilespmem:s9+$0x89D0] =	vst v31  }
0xcc: {  	v31 =	vld [tilespmem:s24+$0x11F0];
	[tilespmem:s9+$0x89E0] =	vst v23  }
0xcd: {  	v23 =	vld [tilespmem:s24+$0x11B0]  }
0xce: {  	v32 =	vld [tilespmem:s24+$0x25B0]  }
0xcf: {  	v27 =	vadd.f32 v27, v28;
	v28 =	vld [tilespmem:s24+$0x25C0];
	v24 =	vadd.f32 v26, v24  }
0xd0: {  	v26 =	vld [tilespmem:s24+$0x11C0]  }
0xd1: {  	v33 =	vld [tilespmem:s24+$0x25D0];
	v27 =	vmax.f32 v27, $0.0e+00;
	v29 =	vadd.f32 v30, v29;
	v24 =	vmax.f32 v24, $0.0e+00  }
0xd2: {  	v30 =	vld [tilespmem:s24+$0x11D0];
	v27 =	vmul.f32 v27, v0;
	v24 =	vmul.f32 v24, v1  }
0xd3: {  	(xrf2) =	vadd.scan.msk.f32 $0xffff, v25;
	v25 =	vmax.f32 v29, $0.0e+00;
	v23 =	vadd.f32 v32, v23;
	v29 =	vld [tilespmem:s24+$0x11E0]  }
0xd4: {  	v25 =	vmul.f32 v25, v2;
	v24 =	vadd.f32 v24, v27;
	v27 =	vld [tilespmem:s24+$0x25E0]  }
0xd5: {  	v23 =	vmax.f32 v23, $0.0e+00;
	v26 =	vadd.f32 v28, v26  }
0xd6: {  	v23 =	vmul.f32 v23, v3;
	v24 =	vadd.f32 v25, v24  }
0xd7: {  	v25 =	vmax.f32 v26, $0.0e+00;
	v26 =	vadd.f32 v33, v30  }
0xd8: {  	v28 =	vld [tilespmem:s24+$0x25F0];
	v23 =	vadd.f32 v23, v24  }
0xd9: {  	v24 =	vmul.f32 v25, v4;
	v25 =	vmax.f32 v26, $0.0e+00;
	v26 =	vadd.f32 v27, v29;
	_ =	sdelay $0x1  }
0xda: {  	v26 =	vmax.f32 v26, $0.0e+00  }
0xdb: {  	v23 =	vadd.f32 v24, v23;
	v24 =	vmul.f32 v25, v5  }
0xdc: {  	v25 =	vadd.f32 v28, v31  }
0xdd: {  	v23 =	vadd.f32 v24, v23;
	v24 =	vmul.f32 v26, v6;
	v26, _, _ =	vpop (xrf2)  }
0xde: {  	v27 =	vpop (erf);
	v25 =	vmax.f32 v25, $0.0e+00;
	v26 =	vbroadcast v26, $0xF  }
0xdf: {  	v23 =	vadd.f32 v24, v23;
	v24 =	vmul.f32 v25, v7;
	v25 =	vadd.f32 $1.000000000e+00, v27  }
0xe0: {  	v26 =	vadd.f32 v26, v8  }
0xe1: {  	(erf) = vrcp.f32 v25  }
0xe2: {  	v23 =	vadd.f32 v24, v23;
	v24 =	vsub.f32 $0.0e+00, v26;
	_ =	sdelay $0x1  }
0xe3: {  	(xrf2) =	vadd.scan.msk.f32 $0xffff, v23;
	v23 =	vmul.f32 $1.442695020e+00, v24;
	_ =	sdelay $0x1  }
0xe4: {  	(erf) = vpow2.f32 v23;
	v23 =	vld [tilespmem:s6+$0x39F0];
	_ =	sdelay $0x2  }
0xe5: {  	v44 =	vld [tilespmem:s24+$0x39E0]  }
0xe6: {  	v29 =	vld [tilespmem:s24+$0x39C0];
	v28 =	vpop (erf)  }
0xe7: {  	v31 =	vld [tilespmem:s24+$0x39D0];
	v23 =	vmul.f32 v23, v28  }
0xe8: {  	v27 =	vld [tilespmem:s24+$0x39B0]  }
0xe9: {  	v25 =	vld [tilespmem:s24+$0x3990]  }
0xea: {  	v26 =	vld [tilespmem:s24+$0x39A0];
	v9 =	vmul.f32 v28, v9;
	v30, _, _ =	vpop (xrf2)  }
0xeb: {  	v24 =	vld [tilespmem:s24+$0x3980];
	v11 =	vmul.f32 v28, v11;
	v30 =	vbroadcast v30, $0xF;
	[tilespmem:s6+$0x89F0] =	vst v23;
	v23 =	vpop (erf)  }
0xec: {  	v15 =	vmul.f32 v28, v15;
	[tilespmem:s6+$0x8980] =	vst v9;
	v9 =	vmul.f32 v28, v12;
	v12 =	vadd.f32 $1.000000000e+00, v23  }
0xed: {  	[tilespmem:s6+$0x8990] =	vst v11;
	v30 =	vadd.f32 v30, v8  }
0xee: {  	v11 =	vmul.f32 v28, v14;
	[tilespmem:s6+$0x89C0] =	vst v15;
	(erf) = vrcp.f32 v12  }
0xef: {  	[tilespmem:s6+$0x89A0] =	vst v9;
	v9 =	vmul.f32 v28, v10;
	v14 =	vsub.f32 $0.0e+00, v30  }
0xf0: {  	[tilespmem:s6+$0x89B0] =	vst v11;
	v11 =	vmul.f32 v28, v13  }
0xf1: {  	[tilespmem:s6+$0x89D0] =	vst v9;
	v10 =	vmul.f32 $1.442695020e+00, v14  }
0xf2: {  	[tilespmem:s6+$0x89E0] =	vst v11  }
0xf3: {  	v9 =	vld [tilespmem:s8+$0x39F0];
	(erf) = vpow2.f32 v10;
	_ =	sdelay $0x3  }
0xf4: {  	v10 =	vpop (erf)  }
0xf5: {  	v9 =	vmul.f32 v9, v10;
	_ =	sdelay $0x2  }
0xf6: {  	v11 =	vmul.f32 v10, v18  }
0xf7: {  	v12 =	vmul.f32 v10, v20;
	[tilespmem:s8+$0x89F0] =	vst v9;
	v9 =	vpop (erf)  }
0xf8: {  	v13 =	vmul.f32 v10, v17;
	[tilespmem:s8+$0x8980] =	vst v11;
	v9 =	vadd.f32 $1.000000000e+00, v9  }
0xf9: {  	v11 =	vmul.f32 v10, v19;
	[tilespmem:s8+$0x8990] =	vst v12  }
0xfa: {  	v12 =	vmul.f32 v10, v16;
	[tilespmem:s8+$0x89C0] =	vst v13;
	(erf) = vrcp.f32 v9  }
0xfb: {  	[tilespmem:s8+$0x89A0] =	vst v11;
	v9 =	vmul.f32 v10, v21  }
0xfc: {  	[tilespmem:s8+$0x89B0] =	vst v12;
	v10 =	vmul.f32 v10, v22  }
0xfd: {  	[tilespmem:s8+$0x89D0] =	vst v9  }
0xfe: {  	[tilespmem:s8+$0x89E0] =	vst v10  }
0xff: {  	v9 =	vld [tilespmem:s24+$0x39F0];
	_ =	sdelay $0x3  }
0x100: {  	v10 =	vpop (erf)  }
0x101: {  	v9 =	vmul.f32 v9, v10  }
0x102: {  	v11 =	vmul.f32 v10, v24  }
0x103: {  	v12 =	vmul.f32 v10, v25;
	[tilespmem:s24+$0x89F0] =	vst v9  }
0x104: {  	[tilespmem:s24+$0x8980] =	vst v11;
	v9 =	vmul.f32 v10, v26  }
0x105: {  	[tilespmem:s24+$0x8990] =	vst v12;
	v11 =	vmul.f32 v10, v27  }
0x106: {  	v12 =	vmul.f32 v10, v29;
	[tilespmem:s24+$0x89A0] =	vst v9  }
0x107: {  	s9 =	smul.u32 $0x140, s15;
	v9 =	vmul.f32 v10, v31;
	[tilespmem:s24+$0x89B0] =	vst v11  }
0x108: {  	v10 =	vmul.f32 v10, v44;
	[tilespmem:s24+$0x89C0] =	vst v12  }
0x109: {  	s6 =	sshra.s32 s9, $0x2;
	[tilespmem:s24+$0x89D0] =	vst v9  }
0x10a: {  	s14 =	smin.u32 s16, $0x2E;
	s6 =	sadd.s32 $0x900, s6;
	[tilespmem:s24+$0x89E0] =	vst v10  }
0x10b: {  	[spmem:s3] =	stream.indirect.scatter.add.f32 [tilespmem:s10], [sflag:$0x3], $0x80, s6, s25, $0xb8;
	[tilespmem:$0x1EFF8] =	vst v63  }
0x10c: {  	s8 =	smul.u32 $0x28, s14  }
0x10d: {  	[spmem:s5] =	stream.indirect.scatter.add.s32 [tilespmem:s23], [sflag:$0x5], $0x1, s6, s25, $0xb8;
	[tilespmem:$0x1EFF8] =	vst v63  }
0x10e: {  	s16 =	sadd.s32 $0x950, s8  }
0x10f: {  	[tilespmem:s26], [sflag:$0x1] =	stream.indirect.gather [hbm4b:s1+s25], $0x80, s16, s25, $0xb8;
	[tilespmem:$0x1EFF8] =	vst v63  }
0x110: {  	s24 =	sadd.s32 $0x150, s8  }
0x111: {  	[tilespmem:s28], [sflag:$0x1] =	stream.indirect.gather [hbm4b:s2+s25], $0x80, s24, s25, $0xb8;
	[tilespmem:$0x1EFF8] =	vst v63  }
0x112: {  	_ = 	snop  }
0x113: {  	[tilespmem:s29], [sflag:$0x1] =	stream.indirect.gather [hbm4b:s7+s25], $0x80, s24, s25, $0xb8;
	[tilespmem:$0x1EFF8] =	vst v63  }
0x114: {  	_ =	swait.ge [sflag:s11], $0x1400  }
0x115: {  	[sflag:s11] =	ssyncset.done $0x0  }
0x116: {  	[sflag:s11] =	ssyncadd.s32 $0xFFFFEC00  }
0x117: {  	_ =	swait.ge [sflag:s11], $0x1400  }
0x118: {  	[sflag:s11] =	ssyncset.done $0x0  }
0x119: {  	[sflag:s11] =	ssyncadd.s32 $0xFFFFEC00  }
0x11a: {  	_ =	swait.ge [sflag:s11], $0x1400  }
0x11b: {  	[sflag:s11] =	ssyncset.done $0x0  }
0x11c: {  	s6 =	simm.s32 @!p0 $0x4;
	[sflag:s11] =	ssyncadd.s32 $0xFFFFEC00  }
0x11d: {  	_ =	swait.ge @!p0 [sflag:s6], $0x1400  }
0x11e: {  	[sflag:s6] =	ssyncset.done @!p0 $0x0  }
0x11f: {  	[sflag:s6] =	ssyncadd.s32 @!p0 $0xFFFFEC00;
	s6 =	simm.s32 @!p0 $0x6  }
0x120: {  	_ =	swait.ge @!p0 [sflag:s6], $0x28  }
0x121: {  	[sflag:s6] =	ssyncset.done @!p0 $0x0  }
0x122: {  	s9 =	simm.s32 $0x0;
	[sflag:s6] =	ssyncadd.s32 @!p0 $0xFFFFFFD8  }
0x123: {  	v9 =	vld [tilespmem:s9+$0x4D80]  }
0x124: {  	v10 =	vld [tilespmem:s9+$0x6180]  }
0x125: {  	v11 =	vld [tilespmem:s9+$0x4D90]  }
0x126: {  	v12 =	vld [tilespmem:s9+$0x6190]  }
0x127: {  	v13 =	vld [tilespmem:s9+$0x4DA0]  }
0x128: {  	v14 =	vld [tilespmem:s9+$0x61A0]  }
0x129: {  	v15 =	vld [tilespmem:s9+$0x4DB0]  }
0x12a: {  	v16 =	vld [tilespmem:s9+$0x61B0]  }
0x12b: {  	v9 =	vadd.f32 v10, v9;
	v10 =	vadd.f32 v12, v11;
	v11 =	vld [tilespmem:s9+$0x4DC0]  }
0x12c: {  	v12 =	vld [tilespmem:s9+$0x61C0]  }
0x12d: {  	v17 =	vld [tilespmem:s9+$0x61D0];
	v13 =	vadd.f32 v14, v13;
	v9 =	vmax.f32 v9, $0.0e+00;
	v10 =	vmax.f32 v10, $0.0e+00  }
0x12e: {  	v14 =	vld [tilespmem:s9+$0x4DD0];
	v9 =	vmul.f32 v9, v0;
	v10 =	vmul.f32 v10, v1  }
0x12f: {  	v15 =	vadd.f32 v16, v15;
	v16 =	vld [tilespmem:s9+$0x4DE0];
	v13 =	vmax.f32 v13, $0.0e+00  }
0x130: {  	v9 =	vadd.f32 v10, v9;
	v10 =	vmul.f32 v13, v2;
	v13 =	vld [tilespmem:s9+$0x61E0]  }
0x131: {  	v18 =	vld [tilespmem:s9+$0x4DF0];
	v15 =	vmax.f32 v15, $0.0e+00;
	v11 =	vadd.f32 v12, v11  }
0x132: {  	v12 =	vld [tilespmem:s9+$0x61F0];
	v9 =	vadd.f32 v10, v9;
	v10 =	vmul.f32 v15, v3  }
0x133: {  	v14 =	vadd.f32 v17, v14;
	v11 =	vmax.f32 v11, $0.0e+00  }
0x134: {  	v9 =	vadd.f32 v10, v9;
	v10 =	vmul.f32 v11, v4  }
0x135: {  	v11 =	vmax.f32 v14, $0.0e+00;
	v13 =	vadd.f32 v13, v16  }
0x136: {  	v29 =	vld [tilespmem:s9+$0x7580];
	v9 =	vadd.f32 v10, v9;
	v10 =	vmul.f32 v11, v5  }
0x137: {  	v28 =	vld [tilespmem:s9+$0x7590];
	v11 =	vadd.f32 v12, v18;
	v12 =	vmax.f32 v13, $0.0e+00  }
0x138: {  	v27 =	vld [tilespmem:s9+$0x75A0];
	v9 =	vadd.f32 v10, v9;
	v10 =	vmul.f32 v12, v6  }
0x139: {  	v23 =	vld [tilespmem:s9+$0x75B0];
	v11 =	vmax.f32 v11, $0.0e+00  }
0x13a: {  	v24 =	vld [tilespmem:s9+$0x75C0];
	v9 =	vadd.f32 v10, v9;
	v10 =	vmul.f32 v11, v7  }
0x13b: {  	v25 =	vld [tilespmem:s9+$0x75D0]  }
0x13c: {  	s6 =	simm.s32 $0x80;
	v26 =	vld [tilespmem:s9+$0x75E0];
	v9 =	vadd.f32 v10, v9  }
0x13d: {  	v14 =	vld [tilespmem:s6+$0x6190]  }
0x13e: {  	v13 =	vld [tilespmem:s6+$0x6180];
	(xrf2) =	vadd.scan.msk.f32 $0xffff, v9  }
0x13f: {  	v11 =	vld [tilespmem:s6+$0x4D80]  }
0x140: {  	v10 =	vld [tilespmem:s6+$0x4D90]  }
0x141: {  	v15 =	vld [tilespmem:s6+$0x61A0]  }
0x142: {  	v12 =	vld [tilespmem:s6+$0x4DA0]  }
0x143: {  	v17 =	vld [tilespmem:s6+$0x4DB0]  }
0x144: {  	v18 =	vld [tilespmem:s6+$0x61B0]  }
0x145: {  	v19 =	vld [tilespmem:s6+$0x4DC0];
	v13 =	vadd.f32 v13, v11;
	v10 =	vadd.f32 v14, v10  }
0x146: {  	v20 =	vld [tilespmem:s6+$0x61C0]  }
0x147: {  	v21 =	vld [tilespmem:s6+$0x4DD0];
	v15 =	vadd.f32 v15, v12;
	v13 =	vmax.f32 v13, $0.0e+00;
	v10 =	vmax.f32 v10, $0.0e+00  }
0x148: {  	v22 =	vld [tilespmem:s6+$0x61D0];
	v13 =	vmul.f32 v13, v0;
	v10 =	vmul.f32 v10, v1;
	v9, _, _ =	vpop (xrf2)  }
0x149: {  	v30 =	vld [tilespmem:s6+$0x4DE0];
	v17 =	vadd.f32 v18, v17;
	v34 =	vmax.f32 v15, $0.0e+00;
	v46 =	vbroadcast v9, $0xF  }
0x14a: {  	v31 =	vld [tilespmem:s6+$0x61E0];
	v34 =	vmul.f32 v34, v2;
	v18 =	vadd.f32 v10, v13  }
0x14b: {  	v45 =	vld [tilespmem:s6+$0x61F0];
	v19 =	vadd.f32 v20, v19;
	v17 =	vmax.f32 v17, $0.0e+00;
	v14 =	vadd.f32 v46, v8  }
0x14c: {  	s8 =	simm.s32 $0x100;
	v16 =	vld [tilespmem:s6+$0x4DF0];
	v17 =	vmul.f32 v17, v3;
	v18 =	vadd.f32 v34, v18  }
0x14d: {  	v47 =	vld [tilespmem:s8+$0x61A0];
	v21 =	vadd.f32 v22, v21;
	v19 =	vmax.f32 v19, $0.0e+00;
	v33 =	vsub.f32 $0.0e+00, v14  }
0x14e: {  	v48 =	vld [tilespmem:s8+$0x4DB0];
	v17 =	vadd.f32 v17, v18;
	v18 =	vmul.f32 v19, v4  }
0x14f: {  	v49 =	vld [tilespmem:s8+$0x61B0];
	v30 =	vadd.f32 v31, v30;
	v21 =	vmax.f32 v21, $0.0e+00;
	v33 =	vmul.f32 $1.442695020e+00, v33  }
0x150: {  	v35 =	vld [tilespmem:s8+$0x4DC0];
	v17 =	vadd.f32 v18, v17;
	v18 =	vmul.f32 v21, v5  }
0x151: {  	v36 =	vld [tilespmem:s8+$0x61C0];
	v30 =	vmax.f32 v30, $0.0e+00;
	v16 =	vadd.f32 v45, v16;
	(erf) = vpow2.f32 v33  }
0x152: {  	v37 =	vld [tilespmem:s8+$0x4DD0];
	v17 =	vadd.f32 v18, v17;
	v18 =	vmul.f32 v30, v6  }
0x153: {  	v38 =	vld [tilespmem:s8+$0x61D0];
	v16 =	vmax.f32 v16, $0.0e+00  }
0x154: {  	v39 =	vld [tilespmem:s8+$0x4DE0];
	v16 =	vmul.f32 v16, v7;
	v17 =	vadd.f32 v18, v17  }
0x155: {  	v22 =	vld [tilespmem:s8+$0x4D80]  }
0x156: {  	v31 =	vld [tilespmem:s8+$0x4D90];
	v16 =	vadd.f32 v16, v17  }
0x157: {  	v19 =	vld [tilespmem:s8+$0x6180]  }
0x158: {  	v21 =	vld [tilespmem:s8+$0x6190];
	(xrf2) =	vadd.scan.msk.f32 $0xffff, v16  }
0x159: {  	v40 =	vld [tilespmem:s8+$0x61E0]  }
0x15a: {  	v20 =	vld [tilespmem:s8+$0x4DA0];
	v18 =	vpop (erf)  }
0x15b: {  	v12 =	vld [tilespmem:s6+$0x75A0];
	v17 =	vadd.f32 $1.000000000e+00, v18  }
0x15c: {  	v11 =	vld [tilespmem:s6+$0x7590]  }
0x15d: {  	v15 =	vld [tilespmem:s6+$0x75C0];
	v16 =	vadd.f32 v19, v22;
	(erf) = vrcp.f32 v17;
	v17 =	vadd.f32 v21, v31  }
0x15e: {  	v10 =	vld [tilespmem:s6+$0x75D0]  }
0x15f: {  	v13 =	vld [tilespmem:s6+$0x75E0];
	v19 =	vadd.f32 v47, v20;
	v16 =	vmax.f32 v16, $0.0e+00;
	v17 =	vmax.f32 v17, $0.0e+00  }
0x160: {  	v9 =	vld [tilespmem:s6+$0x7580];
	v16 =	vmul.f32 v16, v0;
	v17 =	vmul.f32 v17, v1  }
0x161: {  	v50 =	vadd.f32 v49, v48;
	v14 =	vld [tilespmem:s6+$0x75B0];
	v22 =	vmax.f32 v19, $0.0e+00  }
0x162: {  	v30 =	vld [tilespmem:s8+$0x4DF0];
	v22 =	vmul.f32 v22, v2;
	v54, _, _ =	vpop (xrf2);
	v51 =	vadd.f32 v17, v16  }
0x163: {  	v52 =	vadd.f32 v36, v35;
	v32 =	vmax.f32 v50, $0.0e+00;
	v31 =	vld [tilespmem:s8+$0x61F0];
	v36 =	vbroadcast v54, $0xF  }
0x164: {  	v32 =	vmul.f32 v32, v3;
	v21 =	vld [tilespmem:s9+$0x75F0];
	v33 =	vadd.f32 v22, v51  }
0x165: {  	v37 =	vadd.f32 v38, v37;
	v34 =	vmax.f32 v52, $0.0e+00;
	v20 =	vld [tilespmem:s8+$0x7590];
	v36 =	vadd.f32 v36, v8  }
0x166: {  	v55 =	vmul.f32 v34, v4;
	v19 =	vld [tilespmem:s8+$0x75A0];
	v32 =	vadd.f32 v32, v33  }
0x167: {  	v57 =	vadd.f32 v40, v39;
	v37 =	vmax.f32 v37, $0.0e+00;
	v18 =	vld [tilespmem:s8+$0x7580];
	v36 =	vsub.f32 $0.0e+00, v36  }
0x168: {  	v58 =	vmul.f32 v37, v5;
	v16 =	vld [tilespmem:s8+$0x75B0];
	v30 =	vadd.f32 v31, v30;
	v53 =	vpop (erf);
	v32 =	vadd.f32 v55, v32  }
0x169: {  	v17 =	vld [tilespmem:s8+$0x75C0];
	v31 =	vmax.f32 v57, $0.0e+00;
	v61 =	vmul.f32 $1.442695020e+00, v36;
	v41 =	vmul.f32 v21, v53  }
0x16a: {  	v31 =	vmul.f32 v31, v6;
	v22 =	vld [tilespmem:s8+$0x75E0];
	v56 =	vmul.f32 v53, v29;
	v32 =	vadd.f32 v58, v32  }
0x16b: {  	s16 =	simm.s32 $0x180;
	v30 =	vmax.f32 v30, $0.0e+00;
	v21 =	vld [tilespmem:s8+$0x75D0];
	v59 =	vmul.f32 v53, v28;
	(erf) = vpow2.f32 v61;
	[tilespmem:s9+$0x9DF0] =	vst v41  }
0x16c: {  	v62 =	vmul.f32 v30, v7;
	v60 =	vmul.f32 v53, v27;
	v29 =	vld [tilespmem:s16+$0x4DA0];
	[tilespmem:s9+$0x9D80] =	vst v56;
	v31 =	vadd.f32 v31, v32  }
0x16d: {  	v63 =	vmul.f32 v53, v23;
	v28 =	vld [tilespmem:s16+$0x4D80];
	[tilespmem:s9+$0x9D90] =	vst v59  }
0x16e: {  	v30 =	vmul.f32 v53, v24;
	v27 =	vld [tilespmem:s16+$0x6180];
	[tilespmem:s9+$0x9DA0] =	vst v60;
	v24 =	vadd.f32 v62, v31  }
0x16f: {  	s14 =	simm.s32 $0x800;
	v23 =	vld [tilespmem:s16+$0x4D90];
	[tilespmem:s9+$0x9DB0] =	vst v63;
	v31 =	vmul.f32 v53, v25;
	v25 =	vmul.f32 v53, v26  }
.LBB2_6:
0x170: {  	p0 =	sne.s32 s14, $0x4E00;
	v26 =	vld [tilespmem:s16+$0x6190];
	(xrf2) =	vadd.scan.msk.f32 $0xffff, v24;
	[tilespmem:s9+$0x9DC0] =	vst v30;
	v32 =	vmovc v10;
	v10 =	vmov v21;
	v33 =	vmov v13  }
0x171: {  	v13 =	vmov v22;
	v21 =	vld [tilespmem:s16+$0x61A0];
	[tilespmem:s9+$0x9DD0] =	vst v31  }
0x172: {  	v22 =	vld [tilespmem:s16+$0x4DF0];
	[tilespmem:s9+$0x9DE0] =	vst v25;
	s9 =	smov.u32 s6;
	s6 =	smov.u32 s8;
	s8 =	smov.u32 s16  }
0x173: {  	v24 =	vld [tilespmem:s8+$0x4DB0]  }
0x174: {  	v25 =	vadd.f32 v27, v28;
	v27 =	vld [tilespmem:s8+$0x61B0];
	v28 =	vpop (erf)  }
0x175: {  	v23 =	vadd.f32 v26, v23;
	v26 =	vld [tilespmem:s8+$0x4DC0];
	v28 =	vadd.f32 $1.000000000e+00, v28  }
0x176: {  	v21 =	vadd.f32 v21, v29;
	v29 =	vld [tilespmem:s8+$0x61C0]  }
0x177: {  	v25 =	vmax.f32 v25, $0.0e+00;
	v23 =	vmax.f32 v23, $0.0e+00;
	v30 =	vld [tilespmem:s8+$0x4DD0];
	(erf) = vrcp.f32 v28  }
0x178: {  	v25 =	vmul.f32 v25, v0;
	v23 =	vmul.f32 v23, v1;
	v28 =	vld [tilespmem:s8+$0x61D0]  }
0x179: {  	v21 =	vmax.f32 v21, $0.0e+00;
	v24 =	vadd.f32 v27, v24;
	v27 =	vld [tilespmem:s8+$0x4DE0]  }
0x17a: {  	v21 =	vmul.f32 v21, v2;
	v23 =	vadd.f32 v23, v25;
	v25 =	vld [tilespmem:s8+$0x61E0];
	v31, _, _ =	vpop (xrf2)  }
0x17b: {  	v24 =	vmax.f32 v24, $0.0e+00;
	v26 =	vadd.f32 v29, v26;
	v29 =	vld [tilespmem:s8+$0x61F0];
	v31 =	vbroadcast v31, $0xF  }
0x17c: {  	v21 =	vadd.f32 v21, v23;
	v23 =	vmul.f32 v24, v3;
	v24 =	vld [tilespmem:s9+$0x75F0]  }
0x17d: {  	v26 =	vmax.f32 v26, $0.0e+00;
	v28 =	vadd.f32 v28, v30;
	v30 =	vld [tilespmem:s8+$0x7580];
	v31 =	vadd.f32 v31, v8  }
0x17e: {  	v21 =	vadd.f32 v23, v21;
	v23 =	vmul.f32 v26, v4;
	v26 =	vld [tilespmem:s8+$0x7590]  }
0x17f: {  	v28 =	vmax.f32 v28, $0.0e+00;
	v25 =	vadd.f32 v25, v27;
	v34 =	vld [tilespmem:s8+$0x75A0];
	v27 =	vsub.f32 $0.0e+00, v31  }
0x180: {  	v21 =	vadd.f32 v23, v21;
	v23 =	vmul.f32 v28, v5;
	v22 =	vadd.f32 v29, v22;
	v35 =	vld [tilespmem:s8+$0x75B0];
	v36 =	vpop (erf)  }
0x181: {  	v25 =	vmax.f32 v25, $0.0e+00;
	v37 =	vld [tilespmem:s8+$0x75C0];
	v27 =	vmul.f32 $1.442695020e+00, v27;
	v24 =	vmul.f32 v24, v36  }
0x182: {  	v28 =	vmul.f32 v36, v9;
	v9 =	vmovc v18;
	v23 =	vadd.f32 v23, v21;
	v25 =	vmul.f32 v25, v6;
	v21 =	vld [tilespmem:s8+$0x75D0]  }
.Ltmp1:
0x183: {  	s16 =	sshra.s32 s14, $0x2;
	v31 =	vmax.f32 v22, $0.0e+00;
	v18 =	vmovc v30;
	v22 =	vld [tilespmem:s8+$0x75E0];
	(erf) = vpow2.f32 v27;
	v27 =	vmul.f32 v36, v11;
	[tilespmem:s9+$0x9DF0] =	vst v24;
	v11 =	vmovc v20;
	(pc) =	sbr.rel @p0 .LBB2_6-.Ltmp1, $4  }
0x184: {  	v24 =	vmul.f32 v31, v7;
	v29 =	vld [tilespmem:s16+$0x4DA0];
	v23 =	vadd.f32 v25, v23;
	[tilespmem:s9+$0x9D80] =	vst v28;
	v25 =	vmul.f32 v36, v12  }
0x185: {  	v38 =	vmul.f32 v36, v14;
	v30 =	vmul.f32 v36, v15;
	v20 =	vmovc v26;
	v12 =	vmov v19;
	v28 =	vld [tilespmem:s16+$0x4D80];
	[tilespmem:s9+$0x9D90] =	vst v27  }
0x186: {  	v31 =	vmul.f32 v36, v32;
	v27 =	vld [tilespmem:s16+$0x6180];
	v24 =	vadd.f32 v24, v23;
	[tilespmem:s9+$0x9DA0] =	vst v25;
	v25 =	vmul.f32 v36, v33  }
0x187: {  	s14 =	sadd.s32 $0x200, s14;
	v14 =	vmovc v16;
	v15 =	vmovc v17;
	v19 =	vmov v34;
	v16 =	vmov v35;
	v17 =	vmov v37;
	v23 =	vld [tilespmem:s16+$0x4D90];
	[tilespmem:s9+$0x9DB0] =	vst v38  }
0x188: {  	v26 =	vld [tilespmem:s16+$0x6190];
	[tilespmem:s9+$0x9DC0] =	vst v30  }
0x189: {  	v30 =	vld [tilespmem:s16+$0x61A0];
	[tilespmem:s9+$0x9DD0] =	vst v31  }
0x18a: {  	v31 =	vld [tilespmem:s16+$0x4DF0];
	[tilespmem:s9+$0x9DE0] =	vst v25  }
0x18b: {  	v25 =	vld [tilespmem:s16+$0x4DB0]  }
0x18c: {  	v32 =	vld [tilespmem:s16+$0x61B0]  }
0x18d: {  	v27 =	vadd.f32 v27, v28;
	v56 =	vld [tilespmem:s16+$0x4DC0];
	v23 =	vadd.f32 v26, v23  }
0x18e: {  	v57 =	vld [tilespmem:s16+$0x61C0]  }
0x18f: {  	(xrf2) =	vadd.scan.msk.f32 $0xffff, v24;
	v58 =	vld [tilespmem:s16+$0x4DD0];
	v27 =	vmax.f32 v27, $0.0e+00;
	v29 =	vadd.f32 v30, v29;
	v23 =	vmax.f32 v23, $0.0e+00  }
0x190: {  	v33 =	vld [tilespmem:s16+$0x61D0];
	v27 =	vmul.f32 v27, v0;
	v23 =	vmul.f32 v23, v1  }
0x191: {  	v60 =	vld [tilespmem:s16+$0x4DE0];
	v59 =	vmax.f32 v29, $0.0e+00;
	v25 =	vadd.f32 v32, v25  }
0x192: {  	v61 =	vld [tilespmem:s16+$0x61E0];
	v24 =	vmul.f32 v59, v2;
	v23 =	vadd.f32 v23, v27  }
0x193: {  	v26 =	vadd.f32 v57, v56;
	v25 =	vmax.f32 v25, $0.0e+00  }
0x194: {  	v62 =	vld [tilespmem:s16+$0x61F0];
	v63 =	vmul.f32 v25, v3;
	v23 =	vadd.f32 v24, v23  }
0x195: {  	v33 =	vadd.f32 v33, v58;
	v32 =	vmax.f32 v26, $0.0e+00  }
0x196: {  	v34 =	vmul.f32 v32, v4;
	v23 =	vadd.f32 v63, v23  }
0x197: {  	v36 =	vadd.f32 v61, v60;
	v35 =	vmax.f32 v33, $0.0e+00  }
0x198: {  	v37 =	vmul.f32 v35, v5;
	v23 =	vadd.f32 v34, v23  }
0x199: {  	v38 =	vadd.f32 v62, v31;
	v26 =	vmax.f32 v36, $0.0e+00;
	v40, _, _ =	vpop (xrf2)  }
0x19a: {  	v39 =	vmul.f32 v26, v6;
	v26 =	vbroadcast v40, $0xF;
	v23 =	vadd.f32 v37, v23  }
0x19b: {  	v25 =	vmax.f32 v38, $0.0e+00  }
0x19c: {  	v41 =	vpop (erf);
	v42 =	vmul.f32 v25, v7;
	v26 =	vadd.f32 v26, v8;
	v23 =	vadd.f32 v39, v23  }
0x19d: {  	v43 =	vadd.f32 $1.000000000e+00, v41  }
0x19e: {  	v44 =	vsub.f32 $0.0e+00, v26;
	v23 =	vadd.f32 v42, v23  }
0x19f: {  	(erf) = vrcp.f32 v43  }
0x1a0: {  	v45 =	vmul.f32 $1.442695020e+00, v44;
	(xrf2) =	vadd.scan.msk.f32 $0xffff, v23;
	_ =	sdelay $0x1  }
0x1a1: {  	(erf) = vpow2.f32 v45;
	_ =	sdelay $0x1  }
0x1a2: {  	v46 =	vld [tilespmem:s6+$0x75F0]  }
0x1a3: {  	v47 =	vld [tilespmem:s16+$0x7580]  }
0x1a4: {  	v48 =	vld [tilespmem:s16+$0x7590]  }
0x1a5: {  	v49 =	vld [tilespmem:s16+$0x75A0]  }
0x1a6: {  	v50 =	vld [tilespmem:s16+$0x75B0];
	v51 =	vpop (erf)  }
0x1a7: {  	v52 =	vld [tilespmem:s16+$0x75C0];
	v9 =	vmul.f32 v51, v9  }
0x1a8: {  	v54 =	vld [tilespmem:s16+$0x75D0];
	v11 =	vmul.f32 v51, v11;
	v53, _, _ =	vpop (xrf2)  }
0x1a9: {  	v55 =	vld [tilespmem:s16+$0x75E0];
	v15 =	vmul.f32 v51, v15;
	[tilespmem:s6+$0x9D80] =	vst v9;
	v56 =	vpop (erf);
	v30 =	vbroadcast v53, $0xF  }
0x1aa: {  	v9 =	vmul.f32 v51, v12;
	[tilespmem:s6+$0x9D90] =	vst v11;
	v57 =	vadd.f32 $1.000000000e+00, v56  }
0x1ab: {  	v11 =	vmul.f32 v51, v14;
	[tilespmem:s6+$0x9DC0] =	vst v15;
	v30 =	vadd.f32 v30, v8  }
0x1ac: {  	[tilespmem:s6+$0x9DA0] =	vst v9;
	v9 =	vmul.f32 v51, v10;
	(erf) = vrcp.f32 v57  }
0x1ad: {  	[tilespmem:s6+$0x9DB0] =	vst v11;
	v11 =	vmul.f32 v51, v13;
	v58 =	vsub.f32 $0.0e+00, v30  }
0x1ae: {  	[tilespmem:s6+$0x9DD0] =	vst v9;
	v23 =	vmul.f32 v46, v51  }
0x1af: {  	[tilespmem:s6+$0x9DE0] =	vst v11;
	v10 =	vmul.f32 $1.442695020e+00, v58  }
0x1b0: {  	[tilespmem:s6+$0x9DF0] =	vst v23  }
0x1b1: {  	v9 =	vld [tilespmem:s8+$0x75F0];
	(erf) = vpow2.f32 v10;
	_ =	sdelay $0x3  }
0x1b2: {  	v10 =	vpop (erf)  }
0x1b3: {  	v9 =	vmul.f32 v9, v10;
	_ =	sdelay $0x2  }
0x1b4: {  	v11 =	vmul.f32 v10, v18  }
0x1b5: {  	v59 =	vmul.f32 v10, v20;
	[tilespmem:s8+$0x9DF0] =	vst v9;
	v9 =	vpop (erf)  }
0x1b6: {  	v60 =	vmul.f32 v10, v16;
	[tilespmem:s8+$0x9D80] =	vst v11;
	v9 =	vadd.f32 $1.000000000e+00, v9  }
0x1b7: {  	v61 =	vmul.f32 v10, v17;
	[tilespmem:s8+$0x9D90] =	vst v59  }
0x1b8: {  	v11 =	vmul.f32 v10, v19;
	[tilespmem:s8+$0x9DB0] =	vst v60;
	(erf) = vrcp.f32 v9  }
0x1b9: {  	[tilespmem:s8+$0x9DC0] =	vst v61;
	v9 =	vmul.f32 v10, v21  }
0x1ba: {  	[tilespmem:s8+$0x9DA0] =	vst v11;
	v10 =	vmul.f32 v10, v22  }
0x1bb: {  	[tilespmem:s8+$0x9DD0] =	vst v9  }
0x1bc: {  	[tilespmem:s8+$0x9DE0] =	vst v10  }
0x1bd: {  	v9 =	vld [tilespmem:s16+$0x75F0];
	_ =	sdelay $0x3  }
0x1be: {  	v10 =	vpop (erf)  }
0x1bf: {  	v9 =	vmul.f32 v9, v10  }
0x1c0: {  	v11 =	vmul.f32 v10, v47  }
0x1c1: {  	v62 =	vmul.f32 v10, v48;
	[tilespmem:s16+$0x9DF0] =	vst v9  }
0x1c2: {  	v63 =	vmul.f32 v10, v52;
	[tilespmem:s16+$0x9D80] =	vst v11  }
0x1c3: {  	v9 =	vmul.f32 v10, v49;
	[tilespmem:s16+$0x9D90] =	vst v62  }
0x1c4: {  	v11 =	vmul.f32 v10, v50;
	[tilespmem:s16+$0x9DC0] =	vst v63  }
0x1c5: {  	s15 =	sadd.s32 $0x1, s15;
	[tilespmem:s16+$0x9DA0] =	vst v9;
	v9 =	vmul.f32 v10, v54  }
0x1c6: {  	p0 =	sne.s32 s15, $0x19;
	[tilespmem:s16+$0x9DB0] =	vst v11;
	v10 =	vmul.f32 v10, v55  }
.Ltmp2:
0x1c7: {  	[tilespmem:s16+$0x9DD0] =	vst v9;
	(pc) =	sbr.rel @p0 .LBB2_3-.Ltmp2, $4  }
0x1c8: {  	[tilespmem:s16+$0x9DE0] =	vst v10  }
0x1c9: {  	[spmem:s3] =	stream.indirect.scatter.add.f32 [tilespmem:s12], [sflag:$0x4], $0x80, s20, s25, $0xb8;
	[tilespmem:$0x1EFF8] =	vst v63  }
0x1ca: {  	_ = 	snop  }
0x1cb: {  	[spmem:s5] =	stream.indirect.scatter.add.s32 [tilespmem:s23], [sflag:$0x6], $0x1, s20, s25, $0xb8;
	[tilespmem:$0x1EFF8] =	vst v63  }
0x1cc: {  	_ =	swait.ge [sflag:s4], $0x1400  }
0x1cd: {  	[sflag:s4] =	ssyncset.done $0x0  }
0x1ce: {  	[sflag:s4] =	ssyncadd.s32 $0xFFFFEC00  }
0x1cf: {  	_ =	swait.ge [sflag:s4], $0x1400  }
0x1d0: {  	[sflag:s4] =	ssyncset.done $0x0  }
0x1d1: {  	[sflag:s4] =	ssyncadd.s32 $0xFFFFEC00  }
0x1d2: {  	_ =	swait.ge [sflag:s4], $0x1400  }
0x1d3: {  	[sflag:s4] =	ssyncset.done $0x0  }
0x1d4: {  	s6 =	simm.s32 $0x3;
	[sflag:s4] =	ssyncadd.s32 $0xFFFFEC00  }
0x1d5: {  	_ =	swait.ge [sflag:s6], $0x1400  }
0x1d6: {  	[sflag:s6] =	ssyncset.done $0x0  }
0x1d7: {  	[sflag:s6] =	ssyncadd.s32 $0xFFFFEC00  }
0x1d8: {  	_ =	swait.ge [sflag:s17], $0x28  }
0x1d9: {  	[sflag:s17] =	ssyncset.done $0x0  }
0x1da: {  	s13 =	sadd.s32 $0x1, s13;
	[sflag:s17] =	ssyncadd.s32 $0xFFFFFFD8  }
0x1db: {  	p0 =	sne.s32 s13, $0x5;
	_ =	swait.ge [sflag:s18], $0x1400  }
.Ltmp3:
0x1dc: {  	[sflag:s18] =	ssyncset.done $0x0;
	(pc) =	sbr.rel @p0 .LBB2_2-.Ltmp3, $4  }
0x1dd: {  	[sflag:s18] =	ssyncadd.s32 $0xFFFFEC00  }
0x1de: {  	_ =	swait.ge [sflag:s19], $0x28  }
0x1df: {  	[sflag:s19] =	ssyncset.done $0x0  }
0x1e0: {  	[sflag:s19] =	ssyncadd.s32 $0xFFFFFFD8  }
0x1e1: {  	[bflag:$0x0] =	sbarrier.arrive $0xFFFF  }
0x1e2: {  	s13 =	rddreg [dreg:$0xb]  }
0x1e3: {  	s6 =	rddreg [dreg:$0xf]  }
0x1e4: {  	s8 =	rddreg [dreg:$0x12]  }
0x1e5: {  	[hbm:s6], [sflag:s13] =	dma.local [spmem:s8], $0x2780  }
0x1e6: {  	_ =	swait.ge [sflag:s21], $0x2780  }
0x1e7: {  	[sflag:s21] =	ssyncset.done $0x0  }
0x1e8: {  	s14 =	rddreg [dreg:$0xd];
	[sflag:s21] =	ssyncadd.s32 $0xFFFFD880  }
0x1e9: {  	[tilespmem:s22], [sflag:$0x7] =	stream.linear.gather [spmem:s14], $0x278, $0x38;
	[tilespmem:$0x1EFF8] =	vst v63  }
0x1ea: {  	_ =	swait.ge [sflag:s21], $0x278  }
0x1eb: {  	[sflag:s21] =	ssyncset.done $0x0  }
0x1ec: {  	s15 =	simm.s32 $0x0;
	s20 =	rddreg [dreg:$0x10];
	[sflag:s21] =	ssyncadd.s32 $0xFFFFFD88  }
0x1ed: {  	[hbm4b:s20+s15] =	stream.linear.scatter [tilespmem:s22], [sflag:$0x7], $0x278, $0x38;
	[tilespmem:$0x1EFF8] =	vst v63  }
0x1ee: {  	_ =	swait.ge [sflag:s21], $0x278  }
0x1ef: {  	s9 =	rddreg [dreg:$0x13]  }
0x1f0: {  	s24 =	rddreg [dreg:$0x11];
	s9 =	sadd.s32 $0x1, s9  }
0x1f1: {  	p0 =	sne.s32 s9, s24  }
.Ltmp4:
0x1f2: {  	_ = 	snop;
	(pc) =	sbr.rel @p0 .LBB2_1-.Ltmp4, $3  }
0x1f3: {  	_ =	sdelay $0x1  }
0x1f4: {  	[sflag:s21] =	ssyncset.done $0x0  }
0x1f5: {  	[sflag:s21] =	ssyncadd.s32 $0xFFFFFD88  }
0x1f6: {  	_ =	sfence.sel $0x180000  }
0x1f7: {  	[bflag:$0x0] =	sbarrier.arrive $0xFFFF  }
0x1f8: {  	_ =	strace $0x90000047  }
0x1f9: {  	s0 =	stileid.u32;
	[bflag:$0x2] =	sbarrier.arrive $0xFFFF  }
0x1fa: {  	p0 =	sne.s32 s0, $0x0;
	s0 =	rddreg [dreg:$0x5]  }
0x1fb: {  	s0 =	sadd.s32 @!p0 $0x100000, s0  }
0x1fc: {  	[sflag:s0] =	ssyncadd.tile.s32 @!p0 $0x1;
	_ =	shalt  }
.Lfunc_end2:
_tile_overlayer_lowered:
.L_overlay_start_2:
0x1fd: {  	(tag) =	ssettag $0x2  }
0x1fe: {  	s0 =	rddreg [dreg:$0x0];
	s2 =	stileid.u32  }
0x1ff: {  	s1 =	rddreg [dreg:$0x1];
	p0 =	sne.s32 s2, $0x0  }
0x200: {  	s3 =	rddreg [dreg:$0x2];
	[bflag:$0x3] =	sbarrier.arrive $0xFFFF;
	s2 =	simm.s32 @!p0 $0x1C07  }
0x201: {  	[timem:s3], [sflag:s2] =	dma.local @!p0 [hbm:s0], s1  }
0x202: {  	s0 =	simm.s32 @!p0 $0x7  }
0x203: {  	_ =	swait.ge @!p0 [sflag:s0], s1  }
0x204: {  	s1 =	ssub.s32 @!p0 $0x0, s1;
	[sflag:s0] =	ssyncset.done @!p0 $0x0  }
0x205: {  	[sflag:s0] =	ssyncadd.s32 @!p0 s1  }
0x206: {  	[bflag:$0x3] =	sbarrier.arrive $0xFFFF  }
0x207: {  	_ =	shalt  }

</sc_bundles>
